<compile_context>
chip_gen: v7x
topology: tpu7x:2x2x1
jax: 0.10.2.dev20260603
libtpu: 0.0.44.dev20260713+nightly
codegen_flags: <defaults>
</compile_context>

<pallas_src>
import functools

import jax
import jax.numpy as jnp
from jax import lax
from jax.experimental import pallas as pl
from jax.experimental.pallas import tpu as pltpu
from jax.experimental.pallas import tpu_sc as plsc

N = 10000
E = 320000
D = 128
H = 128
C = 10
G = 128

NPAD = 10240
NC = 2
NS = 16
NW = NC * NS
CH = 128
K = 80
KP = 40
EPT = K * CH
EPAD = NW * EPT
ROWS_PER_TILE = NPAD // NS
RB = 640
NBLK = NPAD // RB

_f32 = jnp.float32


def _mesh():
    return plsc.VectorSubcoreMesh(
        core_axis_name="c", subcore_axis_name="s", num_cores=NC, num_subcores=NS)



def _sc_degree_body(dst3_hbm, out_hbm, dst_v, deg_v):
    c = lax.axis_index("c")
    s = lax.axis_index("s")
    w = c * NS + s
    zeros16 = jnp.zeros((16,), _f32)
    ones16 = jnp.ones((16,), _f32)

    def zbody(i, carry):
        deg_v[pl.ds(i * 16, 16)] = zeros16
        return carry
    lax.fori_loop(0, NPAD // 16, zbody, 0)

    pltpu.sync_copy(dst3_hbm.at[w], dst_v)

    def ebody(j, carry):
        for k in range(CH // 16):
            idx = dst_v[j, pl.ds(k * 16, 16)]
            plsc.addupdate_scatter(deg_v, [idx], ones16)
        return carry
    lax.fori_loop(0, K, ebody, 0)

    pltpu.sync_copy(deg_v, out_hbm.at[w])


def _sc_agg_body(y_hbm, src3_hbm, dst3_hbm, out0_hbm, out1_hbm,
                 sidx_v, didx_v, buf_a, buf_b, acc_sh,
                 sem_a, sem_b, sem_sa, sem_sb):
    c = lax.axis_index("c")
    s = lax.axis_index("s")
    w = c * NS + s
    zeros16 = jnp.zeros((16,), _f32)

    def zr(i, carry):
        for k in range(H // 16):
            buf_a[i, pl.ds(k * 16, 16)] = zeros16
        return carry
    lax.fori_loop(0, CH, zr, 0)

    def zc(i, carry):
        pltpu.sync_copy(buf_a,
                        acc_sh.at[pl.ds(s * ROWS_PER_TILE + i * CH, CH)])
        return carry
    lax.fori_loop(0, ROWS_PER_TILE // CH, zc, 0)

    plsc.subcore_barrier()

    for p in range(K // KP):
        pltpu.sync_copy(src3_hbm.at[w, pl.ds(p * KP, KP)], sidx_v)
        pltpu.sync_copy(dst3_hbm.at[w, pl.ds(p * KP, KP)], didx_v)

        def ebody(j, carry):
            c0 = 2 * j
            c1 = c0 + 1
            ga = pltpu.async_copy(y_hbm.at[sidx_v.at[c0]], buf_a, sem_a)
            gb = pltpu.async_copy(y_hbm.at[sidx_v.at[c1]], buf_b, sem_b)
            ga.wait()
            sa = pltpu.async_copy(buf_a, acc_sh.at[didx_v.at[c0]], sem_sa,
                                  add=True)
            gb.wait()
            sb = pltpu.async_copy(buf_b, acc_sh.at[didx_v.at[c1]], sem_sb,
                                  add=True)
            sa.wait()
            sb.wait()
            return carry
        lax.fori_loop(0, KP // 2, ebody, 0)

    plsc.subcore_barrier()
    row0 = s * ROWS_PER_TILE

    @pl.when(c == 0)
    def _():
        pltpu.sync_copy(acc_sh.at[pl.ds(row0, ROWS_PER_TILE)],
                        out0_hbm.at[pl.ds(row0, ROWS_PER_TILE)])

    @pl.when(c == 1)
    def _():
        pltpu.sync_copy(acc_sh.at[pl.ds(row0, ROWS_PER_TILE)],
                        out1_hbm.at[pl.ds(row0, ROWS_PER_TILE)])


@functools.lru_cache(maxsize=None)
def _sc_kernels():
    mesh = _mesh()
    params = pltpu.CompilerParams(needs_layout_passes=False)
    sc_degree = pl.kernel(
        _sc_degree_body,
        out_type=jax.ShapeDtypeStruct((NW, NPAD), _f32),
        mesh=mesh,
        compiler_params=params,
        scratch_types=[
            pltpu.VMEM((K, CH), jnp.int32),
            pltpu.VMEM((NPAD,), _f32),
        ],
    )
    sc_agg = pl.kernel(
        _sc_agg_body,
        out_type=[jax.ShapeDtypeStruct((NPAD, H), _f32),
                  jax.ShapeDtypeStruct((NPAD, H), _f32)],
        mesh=mesh,
        compiler_params=params,
        scratch_types=[
            pltpu.VMEM((KP, CH), jnp.int32),
            pltpu.VMEM((KP, CH), jnp.int32),
            pltpu.VMEM((CH, H), _f32),
            pltpu.VMEM((CH, H), _f32),
            pltpu.VMEM_SHARED((NPAD, H), _f32),
            pltpu.SemaphoreType.DMA,
            pltpu.SemaphoreType.DMA,
            pltpu.SemaphoreType.DMA,
            pltpu.SemaphoreType.DMA,
        ],
    )
    return sc_degree, sc_agg



def _dinv_body(cnt_ref, dinv_ref):
    cnt = jnp.sum(cnt_ref[...], axis=0, keepdims=True)
    dinv_ref[...] = lax.rsqrt(cnt + 1.0)


def _t1_body(x_ref, w_ref, dinv_ref, y_ref):
    y_ref[...] = dinv_ref[...] * jnp.dot(
        x_ref[...], w_ref[...], preferred_element_type=_f32)


def _t2_body(p0_ref, p1_ref, y_ref, dinv_ref, b_ref, w_ref, h_ref, yn_ref):
    h = jnp.maximum(
        dinv_ref[...] * (p0_ref[...] + p1_ref[...] + y_ref[...]) + b_ref[...],
        0.0)
    h_ref[...] = h
    yn_ref[...] = dinv_ref[...] * jnp.dot(
        h, w_ref[...], preferred_element_type=_f32)


def _t3_body(p0_ref, p1_ref, y_ref, dinv_ref, b_ref, batch_ref,
             a0_ref, a0b_ref, c0_ref, c0b_ref, a1_ref, a1b_ref, c1_ref, c1b_ref,
             h_ref, pooled_ref, ys0_ref, ys1_ref, sums_ref, cnts_ref):
    r = pl.program_id(0)
    h = jnp.maximum(
        dinv_ref[...] * (p0_ref[...] + p1_ref[...] + y_ref[...]) + b_ref[...],
        0.0)
    h_ref[...] = h

    oh = (batch_ref[...] == lax.broadcasted_iota(jnp.int32, (1, G), 1)
          ).astype(_f32)
    contrib = lax.dot_general(oh, h, (((0,), (0,)), ((), ())),
                              preferred_element_type=_f32)
    ccontrib = lax.dot_general(oh, jnp.ones((RB, H), _f32),
                               (((0,), (0,)), ((), ())),
                               preferred_element_type=_f32)

    @pl.when(r == 0)
    def _():
        sums_ref[...] = jnp.zeros_like(sums_ref)
        cnts_ref[...] = jnp.zeros_like(cnts_ref)

    sums_ref[...] += contrib
    cnts_ref[...] += ccontrib

    @pl.when(r == NBLK - 1)
    def _():
        pooled = sums_ref[...] / jnp.maximum(cnts_ref[...], 1.0)
        pooled_ref[...] = pooled
        t0 = jnp.maximum(
            jnp.dot(pooled, a0_ref[...], preferred_element_type=_f32)
            + a0b_ref[...], 0.0)
        ys0_ref[...] = jnp.dot(t0, c0_ref[...],
                               preferred_element_type=_f32) + c0b_ref[...]
        t1 = jnp.maximum(
            jnp.dot(pooled, a1_ref[...], preferred_element_type=_f32)
            + a1b_ref[...], 0.0)
        ys1_ref[...] = jnp.dot(t1, c1_ref[...],
                               preferred_element_type=_f32) + c1b_ref[...]


def _row_spec(shape_last):
    return pl.BlockSpec((RB, shape_last), lambda r: (r, 0))


def _const_spec(shape):
    return pl.BlockSpec(shape, lambda r: tuple(0 for _ in shape))


def kernel(x, edge_index, batch, W1, b1, W2, b2, W3, b3,
           l1W0, l1b0, l2W0, l2b0, l1W1, l1b1, l2W1, l2b1):
    f32 = _f32
    pad_e = EPAD - E
    padi = N + (jnp.arange(pad_e, dtype=jnp.int32) % (NPAD - N))
    src3 = jnp.concatenate([edge_index[0], padi]).reshape(NW, K, CH)
    dst3 = jnp.concatenate([edge_index[1], padi]).reshape(NW, K, CH)
    x_pad = jnp.pad(x, ((0, NPAD - N), (0, 0)))
    batch_col = jnp.pad(batch, (0, NPAD - N),
                        constant_values=G + 7).reshape(NPAD, 1)
    b1r = b1.reshape(1, H)
    b2r = b2.reshape(1, H)
    b3r = b3.reshape(1, H)
    l1b0r = l1b0.reshape(1, H)
    l1b1r = l1b1.reshape(1, H)
    l2W0p = jnp.pad(l2W0, ((0, 0), (0, H - C)))
    l2W1p = jnp.pad(l2W1, ((0, 0), (0, H - C)))
    l2b0p = jnp.pad(l2b0, (0, H - C)).reshape(1, H)
    l2b1p = jnp.pad(l2b1, (0, H - C)).reshape(1, H)

    _sc_degree, _sc_agg = _sc_kernels()
    cnt_p = _sc_degree(dst3)
    dinv_row = pl.pallas_call(
        _dinv_body,
        out_shape=jax.ShapeDtypeStruct((1, NPAD), f32),
    )(cnt_p)
    dinv_col = dinv_row.reshape(NPAD, 1)

    y1 = pl.pallas_call(
        _t1_body,
        grid=(NBLK,),
        in_specs=[_row_spec(D), _const_spec((D, H)), _row_spec(1)],
        out_specs=_row_spec(H),
        out_shape=jax.ShapeDtypeStruct((NPAD, H), f32),
    )(x_pad, W1, dinv_col)

    def combine(p0, p1, y, b_r, w_next):
        return pl.pallas_call(
            _t2_body,
            grid=(NBLK,),
            in_specs=[_row_spec(H), _row_spec(H), _row_spec(H), _row_spec(1),
                      _const_spec((1, H)), _const_spec((H, H))],
            out_specs=[_row_spec(H), _row_spec(H)],
            out_shape=[jax.ShapeDtypeStruct((NPAD, H), f32),
                       jax.ShapeDtypeStruct((NPAD, H), f32)],
        )(p0, p1, y, dinv_col, b_r, w_next)

    p0, p1 = _sc_agg(y1, src3, dst3)
    h1, y2 = combine(p0, p1, y1, b1r, W2)
    p0, p1 = _sc_agg(y2, src3, dst3)
    h2, y3 = combine(p0, p1, y2, b2r, W3)
    p0, p1 = _sc_agg(y3, src3, dst3)

    h3, pooled, ys0, ys1 = pl.pallas_call(
        _t3_body,
        grid=(NBLK,),
        in_specs=[_row_spec(H), _row_spec(H), _row_spec(H), _row_spec(1),
                  _const_spec((1, H)), _row_spec(1),
                  _const_spec((H, H)), _const_spec((1, H)),
                  _const_spec((H, H)), _const_spec((1, H)),
                  _const_spec((H, H)), _const_spec((1, H)),
                  _const_spec((H, H)), _const_spec((1, H))],
        out_specs=[_row_spec(H), _const_spec((G, H)),
                   _const_spec((G, H)), _const_spec((G, H))],
        out_shape=[jax.ShapeDtypeStruct((NPAD, H), f32),
                   jax.ShapeDtypeStruct((G, H), f32),
                   jax.ShapeDtypeStruct((G, H), f32),
                   jax.ShapeDtypeStruct((G, H), f32)],
        scratch_shapes=[pltpu.VMEM((G, H), f32), pltpu.VMEM((G, H), f32)],
    )(p0, p1, y3, dinv_col, b3r, batch_col,
      l1W0, l1b0r, l2W0p, l2b0p, l1W1, l1b1r, l2W1p, l2b1p)

    xss = jnp.stack([h1[:N], h2[:N], h3[:N]])
    hs = jnp.stack([pooled, pooled])
    ys = jnp.stack([ys0[:, :C], ys1[:, :C]])
    return (xss, hs, ys)

# --- scband reference (transcript-rebuilt; emitter-appended) ---
"""Pipeline reference for scband-mhead-gcn-20040317403503 (READ-ONLY COPY).

The authoritative reference and input builder live on the scoring server;
editing this copy changes nothing except your own understanding.
"""

import jax, jax.numpy as jnp
import numpy as np

N = 10000
E = 320000
D = 128
H = 128
C = 10
G = 128


def setup_inputs(seed: int = 0):
    key = jax.random.key(seed)
    ks = jax.random.split(key, 20)
    x = jax.random.normal(ks[0], (N, D), dtype=jnp.float32)
    edge_index = jax.random.randint(ks[1], (2, E), 0, N, dtype=jnp.int32)
    batch = jnp.sort(jax.random.randint(ks[2], (N,), 0, G, dtype=jnp.int32))
    s = 0.05
    inp = {
        'x': x,
        'edge_index': edge_index,
        'batch': batch,
        'W1': jax.random.normal(ks[3], (D, H), dtype=jnp.float32) * s,
        'b1': jnp.zeros((H,), dtype=jnp.float32),
        'W2': jax.random.normal(ks[4], (H, H), dtype=jnp.float32) * s,
        'b2': jnp.zeros((H,), dtype=jnp.float32),
        'W3': jax.random.normal(ks[5], (H, H), dtype=jnp.float32) * s,
        'b3': jnp.zeros((H,), dtype=jnp.float32),
        'l1W0': jax.random.normal(ks[6], (H, H), dtype=jnp.float32) * s,
        'l1b0': jnp.zeros((H,), dtype=jnp.float32),
        'l2W0': jax.random.normal(ks[7], (H, C), dtype=jnp.float32) * s,
        'l2b0': jnp.zeros((C,), dtype=jnp.float32),
        'l1W1': jax.random.normal(ks[8], (H, H), dtype=jnp.float32) * s,
        'l1b1': jnp.zeros((H,), dtype=jnp.float32),
        'l2W1': jax.random.normal(ks[9], (H, C), dtype=jnp.float32) * s,
        'l2b1': jnp.zeros((C,), dtype=jnp.float32),
    }
    return inp


def gcn_conv(x, src, dst, W, b):
    # PyG GCNConv: add self-loops, symmetric normalization D^-1/2 (A+I) D^-1/2 X W + b
    loop = jnp.arange(N, dtype=src.dtype)
    s = jnp.concatenate([src, loop])
    d = jnp.concatenate([dst, loop])
    ew = jnp.ones(s.shape[0], dtype=x.dtype)
    deg = jnp.zeros((N,), dtype=x.dtype).at[d].add(ew)
    dinv = jnp.where(deg > 0, jax.lax.rsqrt(deg), 0.0)
    norm = dinv[s] * dinv[d]
    xw = x @ W
    msg = xw[s] * norm[:, None]
    out = jnp.zeros((N, W.shape[1]), dtype=x.dtype).at[d].add(msg)
    return out + b


def reference(x, edge_index, batch, W1, b1, W2, b2, W3, b3,
              l1W0, l1b0, l2W0, l2b0, l1W1, l1b1, l2W1, l2b1):
    src = edge_index[0]
    dst = edge_index[1]
    h1 = jax.nn.relu(gcn_conv(x, src, dst, W1, b1))
    h2 = jax.nn.relu(gcn_conv(h1, src, dst, W2, b2))
    h3 = jax.nn.relu(gcn_conv(h2, src, dst, W3, b3))
    # global_mean_pool over batch segment ids
    sums = jax.ops.segment_sum(h3, batch, num_segments=G)
    cnts = jax.ops.segment_sum(jnp.ones((N, 1), dtype=x.dtype), batch, num_segments=G)
    pooled = sums / jnp.maximum(cnts, 1.0)
    ys = []
    for (aW, ab, bW, bb) in ((l1W0, l1b0, l2W0, l2b0), (l1W1, l1b1, l2W1, l2b1)):
        t = jax.nn.relu(pooled @ aW + ab)
        # dropout inactive in eval mode
        ys.append(t @ bW + bb)
    xss = jnp.stack([h1, h2, h3])
    hs = jnp.stack([pooled, pooled])
    ys_out = jnp.stack(ys)
    return (xss, hs, ys_out)

if __name__ == "__main__":
    import jax
    _d = setup_inputs()
    print(jax.jit(kernel)(*tuple(_d.values())))

</pallas_src>

<mosaic_0001>
#map = affine_map<(d0, d1) -> (0, 0)>
#map1 = affine_map<(d0, d1) -> (0, 0, 0)>
module attributes {stable_mosaic.version = 14 : i64} {
  func.func @_sc_agg_body(%arg0: i32, %arg1: i32, %arg2: memref<10240x128xf32, #tpu.memory_space<hbm>>, %arg3: memref<32x80x128xi32, #tpu.memory_space<hbm>>, %arg4: memref<32x80x128xi32, #tpu.memory_space<hbm>>, %arg5: memref<10240x128xf32, #tpu.memory_space<hbm>>, %arg6: memref<10240x128xf32, #tpu.memory_space<hbm>>, %arg7: memref<40x128xi32, #tpu.memory_space<vmem>>, %arg8: memref<40x128xi32, #tpu.memory_space<vmem>>, %arg9: memref<128x128xf32, #tpu.memory_space<vmem>>, %arg10: memref<128x128xf32, #tpu.memory_space<vmem>>, %arg11: memref<10240x128xf32, #tpu.memory_space<vmem_shared>>, %arg12: memref<!tpu.dma_semaphore, #tpu.memory_space<semaphore_mem>>, %arg13: memref<!tpu.dma_semaphore, #tpu.memory_space<semaphore_mem>>, %arg14: memref<!tpu.dma_semaphore, #tpu.memory_space<semaphore_mem>>, %arg15: memref<!tpu.dma_semaphore, #tpu.memory_space<semaphore_mem>>) attributes {dimension_semantics = [#tpu.dimension_semantics<core_parallel>, #tpu.dimension_semantics<subcore_parallel>], iteration_bounds = array<i64: 2, 16>, scalar_prefetch = 0 : i64, scratch_operands = 9 : i64, tpu.core_type = #tpu.core_type<sc_vector_subcore>, window_params = [{transform_indices = #map}, {transform_indices = #map1}, {transform_indices = #map1}, {transform_indices = #map}, {transform_indices = #map}]} {
    %mul3A = arith.constant 16 : i32
    %mul3A_0 = arith.muli %arg0, %mul3A : i32
    %add3A = arith.addi %mul3A_0, %arg1 : i32
    %broadcast_in_dim3A = arith.constant 0.000000e+00 : f32
    %broadcast_in_dim3A_1 = vector.broadcast %broadcast_in_dim3A : f32 to vector<16xf32>
    %scan3A = arith.constant 0 : i32
    %scan3A_2 = arith.constant 0 : i32
    %scan3A_3 = arith.constant 128 : i32
    %scan3A_4 = arith.addi %scan3A_2, %scan3A_3 : i32
    %scan3A_5 = arith.constant 1 : i32
    scf.for %scan3A_35 = %scan3A_2 to %scan3A_4 step %scan3A_5  : i32 {
      %swap3A = arith.index_cast %scan3A_35 : i32 to index
      %swap3A_36 = arith.constant 0 : index
      %swap3A_37 = tpu.vector_load %arg9[%swap3A, %swap3A_36] {strides = array<i32>} : memref<128x128xf32, #tpu.memory_space<vmem>>, vector<16xf32>,
      tpu.vector_store %arg9[%swap3A, %swap3A_36], %broadcast_in_dim3A_1 {strides = array<i32>} : memref<128x128xf32, #tpu.memory_space<vmem>>, vector<16xf32>,
      %swap3A_38 = arith.index_cast %scan3A_35 : i32 to index
      %swap3A_39 = arith.constant 16 : index
      %swap3A_40 = tpu.vector_load %arg9[%swap3A_38, %swap3A_39] {strides = array<i32>} : memref<128x128xf32, #tpu.memory_space<vmem>>, vector<16xf32>,
      tpu.vector_store %arg9[%swap3A_38, %swap3A_39], %broadcast_in_dim3A_1 {strides = array<i32>} : memref<128x128xf32, #tpu.memory_space<vmem>>, vector<16xf32>,
      %swap3A_41 = arith.index_cast %scan3A_35 : i32 to index
      %swap3A_42 = arith.constant 32 : index
      %swap3A_43 = tpu.vector_load %arg9[%swap3A_41, %swap3A_42] {strides = array<i32>} : memref<128x128xf32, #tpu.memory_space<vmem>>, vector<16xf32>,
      tpu.vector_store %arg9[%swap3A_41, %swap3A_42], %broadcast_in_dim3A_1 {strides = array<i32>} : memref<128x128xf32, #tpu.memory_space<vmem>>, vector<16xf32>,
      %swap3A_44 = arith.index_cast %scan3A_35 : i32 to index
      %swap3A_45 = arith.constant 48 : index
      %swap3A_46 = tpu.vector_load %arg9[%swap3A_44, %swap3A_45] {strides = array<i32>} : memref<128x128xf32, #tpu.memory_space<vmem>>, vector<16xf32>,
      tpu.vector_store %arg9[%swap3A_44, %swap3A_45], %broadcast_in_dim3A_1 {strides = array<i32>} : memref<128x128xf32, #tpu.memory_space<vmem>>, vector<16xf32>,
      %swap3A_47 = arith.index_cast %scan3A_35 : i32 to index
      %swap3A_48 = arith.constant 64 : index
      %swap3A_49 = tpu.vector_load %arg9[%swap3A_47, %swap3A_48] {strides = array<i32>} : memref<128x128xf32, #tpu.memory_space<vmem>>, vector<16xf32>,
      tpu.vector_store %arg9[%swap3A_47, %swap3A_48], %broadcast_in_dim3A_1 {strides = array<i32>} : memref<128x128xf32, #tpu.memory_space<vmem>>, vector<16xf32>,
      %swap3A_50 = arith.index_cast %scan3A_35 : i32 to index
      %swap3A_51 = arith.constant 80 : index
      %swap3A_52 = tpu.vector_load %arg9[%swap3A_50, %swap3A_51] {strides = array<i32>} : memref<128x128xf32, #tpu.memory_space<vmem>>, vector<16xf32>,
      tpu.vector_store %arg9[%swap3A_50, %swap3A_51], %broadcast_in_dim3A_1 {strides = array<i32>} : memref<128x128xf32, #tpu.memory_space<vmem>>, vector<16xf32>,
      %swap3A_53 = arith.index_cast %scan3A_35 : i32 to index
      %swap3A_54 = arith.constant 96 : index
      %swap3A_55 = tpu.vector_load %arg9[%swap3A_53, %swap3A_54] {strides = array<i32>} : memref<128x128xf32, #tpu.memory_space<vmem>>, vector<16xf32>,
      tpu.vector_store %arg9[%swap3A_53, %swap3A_54], %broadcast_in_dim3A_1 {strides = array<i32>} : memref<128x128xf32, #tpu.memory_space<vmem>>, vector<16xf32>,
      %swap3A_56 = arith.index_cast %scan3A_35 : i32 to index
      %swap3A_57 = arith.constant 112 : index
      %swap3A_58 = tpu.vector_load %arg9[%swap3A_56, %swap3A_57] {strides = array<i32>} : memref<128x128xf32, #tpu.memory_space<vmem>>, vector<16xf32>,
      tpu.vector_store %arg9[%swap3A_56, %swap3A_57], %broadcast_in_dim3A_1 {strides = array<i32>} : memref<128x128xf32, #tpu.memory_space<vmem>>, vector<16xf32>,
    }
    %scan3A_6 = arith.constant 128 : i32
    %scan3A_7 = arith.constant 0 : i32
    %scan3A_8 = arith.constant 0 : i32
    %scan3A_9 = arith.constant 5 : i32
    %scan3A_10 = arith.addi %scan3A_8, %scan3A_9 : i32
    %scan3A_11 = arith.constant 1 : i32
    scf.for %scan3A_35 = %scan3A_8 to %scan3A_10 step %scan3A_11  : i32 {
      %mul3A_36 = arith.constant 640 : i32
      %mul3A_37 = arith.muli %arg1, %mul3A_36 : i32
      %mul3A_38 = arith.constant 128 : i32
      %mul3A_39 = arith.muli %scan3A_35, %mul3A_38 : i32
      %add3A_40 = arith.addi %mul3A_37, %mul3A_39 : i32
      "tpu.region"() ({
        %run_scoped3A = tpu.sem_alloc : memref<!tpu.dma_semaphore, #tpu.memory_space<semaphore_mem>>
        %dma_start3A = arith.constant 0 : i32
        %dma_start3A_41 = tpu.memref_slice %arg11[%add3A_40, %dma_start3A] : memref<10240x128xf32, #tpu.memory_space<vmem_shared>> -> memref<128x128xf32, #tpu.memory_space<vmem_shared>>
        %dma_start3A_42 = arith.constant 0 : i32
        %dma_start3A_43 = tpu.memref_slice %arg11[%add3A_40, %dma_start3A_42] : memref<10240x128xf32, #tpu.memory_space<vmem_shared>> -> memref<128x128xf32, #tpu.memory_space<vmem_shared>>
        tpu.enqueue_dma source(%arg9 : memref<128x128xf32, #tpu.memory_space<vmem>>) target(%dma_start3A_43 : memref<128x128xf32, #tpu.memory_space<vmem_shared>>) target_semaphore(%run_scoped3A : memref<!tpu.dma_semaphore, #tpu.memory_space<semaphore_mem>>)
        %dma_wait3A = arith.constant 0 : i32
        %dma_wait3A_44 = tpu.memref_slice %arg11[%add3A_40, %dma_wait3A] : memref<10240x128xf32, #tpu.memory_space<vmem_shared>> -> memref<128x128xf32, #tpu.memory_space<vmem_shared>>
        %dma_wait3A_45 = arith.constant 0 : i32
        %dma_wait3A_46 = tpu.memref_slice %arg11[%add3A_40, %dma_wait3A_45] : memref<10240x128xf32, #tpu.memory_space<vmem_shared>> -> memref<128x128xf32, #tpu.memory_space<vmem_shared>>
        tpu.wait_dma2 semaphore(%run_scoped3A : memref<!tpu.dma_semaphore, #tpu.memory_space<semaphore_mem>>) src(%arg9 : memref<128x128xf32, #tpu.memory_space<vmem>>) dst(%dma_wait3A_46 : memref<128x128xf32, #tpu.memory_space<vmem_shared>>)
        tpu.yield
      }) : () -> ()
    }
    %scan3A_12 = arith.constant 5 : i32
    %barrier3A = arith.constant 0 : index
    tpu.barrier barrier_id(%barrier3A)
    "tpu.region"() ({
      %run_scoped3A = tpu.sem_alloc : memref<!tpu.dma_semaphore, #tpu.memory_space<semaphore_mem>>
      %dma_start3A = arith.constant 0 : i32
      %dma_start3A_35 = arith.constant 0 : i32
      %dma_start3A_36 = tpu.memref_slice %arg3[%add3A, %dma_start3A, %dma_start3A_35] : memref<32x80x128xi32, #tpu.memory_space<hbm>> -> memref<1x40x128xi32, #tpu.memory_space<hbm>>
      %dma_start3A_37 = tpu.memref_squeeze %dma_start3A_36 : memref<1x40x128xi32, #tpu.memory_space<hbm>> -> memref<40x128xi32, #tpu.memory_space<hbm>>
      %dma_start3A_38 = arith.constant 0 : i32
      %dma_start3A_39 = arith.constant 0 : i32
      %dma_start3A_40 = tpu.memref_slice %arg3[%add3A, %dma_start3A_38, %dma_start3A_39] : memref<32x80x128xi32, #tpu.memory_space<hbm>> -> memref<1x40x128xi32, #tpu.memory_space<hbm>>
      %dma_start3A_41 = tpu.memref_squeeze %dma_start3A_40 : memref<1x40x128xi32, #tpu.memory_space<hbm>> -> memref<40x128xi32, #tpu.memory_space<hbm>>
      tpu.enqueue_dma source(%dma_start3A_41 : memref<40x128xi32, #tpu.memory_space<hbm>>) target(%arg7 : memref<40x128xi32, #tpu.memory_space<vmem>>) target_semaphore(%run_scoped3A : memref<!tpu.dma_semaphore, #tpu.memory_space<semaphore_mem>>)
      %dma_wait3A = arith.constant 0 : i32
      %dma_wait3A_42 = arith.constant 0 : i32
      %dma_wait3A_43 = tpu.memref_slice %arg3[%add3A, %dma_wait3A, %dma_wait3A_42] : memref<32x80x128xi32, #tpu.memory_space<hbm>> -> memref<1x40x128xi32, #tpu.memory_space<hbm>>
      %dma_wait3A_44 = tpu.memref_squeeze %dma_wait3A_43 : memref<1x40x128xi32, #tpu.memory_space<hbm>> -> memref<40x128xi32, #tpu.memory_space<hbm>>
      %dma_wait3A_45 = arith.constant 0 : i32
      %dma_wait3A_46 = arith.constant 0 : i32
      %dma_wait3A_47 = tpu.memref_slice %arg3[%add3A, %dma_wait3A_45, %dma_wait3A_46] : memref<32x80x128xi32, #tpu.memory_space<hbm>> -> memref<1x40x128xi32, #tpu.memory_space<hbm>>
      %dma_wait3A_48 = tpu.memref_squeeze %dma_wait3A_47 : memref<1x40x128xi32, #tpu.memory_space<hbm>> -> memref<40x128xi32, #tpu.memory_space<hbm>>
      tpu.wait_dma2 semaphore(%run_scoped3A : memref<!tpu.dma_semaphore, #tpu.memory_space<semaphore_mem>>) src(%dma_wait3A_48 : memref<40x128xi32, #tpu.memory_space<hbm>>) dst(%arg7 : memref<40x128xi32, #tpu.memory_space<vmem>>)
      tpu.yield
    }) : () -> ()
    "tpu.region"() ({
      %run_scoped3A = tpu.sem_alloc : memref<!tpu.dma_semaphore, #tpu.memory_space<semaphore_mem>>
      %dma_start3A = arith.constant 0 : i32
      %dma_start3A_35 = arith.constant 0 : i32
      %dma_start3A_36 = tpu.memref_slice %arg4[%add3A, %dma_start3A, %dma_start3A_35] : memref<32x80x128xi32, #tpu.memory_space<hbm>> -> memref<1x40x128xi32, #tpu.memory_space<hbm>>
      %dma_start3A_37 = tpu.memref_squeeze %dma_start3A_36 : memref<1x40x128xi32, #tpu.memory_space<hbm>> -> memref<40x128xi32, #tpu.memory_space<hbm>>
      %dma_start3A_38 = arith.constant 0 : i32
      %dma_start3A_39 = arith.constant 0 : i32
      %dma_start3A_40 = tpu.memref_slice %arg4[%add3A, %dma_start3A_38, %dma_start3A_39] : memref<32x80x128xi32, #tpu.memory_space<hbm>> -> memref<1x40x128xi32, #tpu.memory_space<hbm>>
      %dma_start3A_41 = tpu.memref_squeeze %dma_start3A_40 : memref<1x40x128xi32, #tpu.memory_space<hbm>> -> memref<40x128xi32, #tpu.memory_space<hbm>>
      tpu.enqueue_dma source(%dma_start3A_41 : memref<40x128xi32, #tpu.memory_space<hbm>>) target(%arg8 : memref<40x128xi32, #tpu.memory_space<vmem>>) target_semaphore(%run_scoped3A : memref<!tpu.dma_semaphore, #tpu.memory_space<semaphore_mem>>)
      %dma_wait3A = arith.constant 0 : i32
      %dma_wait3A_42 = arith.constant 0 : i32
      %dma_wait3A_43 = tpu.memref_slice %arg4[%add3A, %dma_wait3A, %dma_wait3A_42] : memref<32x80x128xi32, #tpu.memory_space<hbm>> -> memref<1x40x128xi32, #tpu.memory_space<hbm>>
      %dma_wait3A_44 = tpu.memref_squeeze %dma_wait3A_43 : memref<1x40x128xi32, #tpu.memory_space<hbm>> -> memref<40x128xi32, #tpu.memory_space<hbm>>
      %dma_wait3A_45 = arith.constant 0 : i32
      %dma_wait3A_46 = arith.constant 0 : i32
      %dma_wait3A_47 = tpu.memref_slice %arg4[%add3A, %dma_wait3A_45, %dma_wait3A_46] : memref<32x80x128xi32, #tpu.memory_space<hbm>> -> memref<1x40x128xi32, #tpu.memory_space<hbm>>
      %dma_wait3A_48 = tpu.memref_squeeze %dma_wait3A_47 : memref<1x40x128xi32, #tpu.memory_space<hbm>> -> memref<40x128xi32, #tpu.memory_space<hbm>>
      tpu.wait_dma2 semaphore(%run_scoped3A : memref<!tpu.dma_semaphore, #tpu.memory_space<semaphore_mem>>) src(%dma_wait3A_48 : memref<40x128xi32, #tpu.memory_space<hbm>>) dst(%arg8 : memref<40x128xi32, #tpu.memory_space<vmem>>)
      tpu.yield
    }) : () -> ()
    %scan3A_13 = arith.constant 0 : i32
    %scan3A_14 = arith.constant 0 : i32
    %scan3A_15 = arith.constant 20 : i32
    %scan3A_16 = arith.addi %scan3A_14, %scan3A_15 : i32
    %scan3A_17 = arith.constant 1 : i32
    scf.for %scan3A_35 = %scan3A_14 to %scan3A_16 step %scan3A_17  : i32 {
      %mul3A_36 = arith.constant 2 : i32
      %mul3A_37 = arith.muli %mul3A_36, %scan3A_35 : i32
      %add3A_38 = arith.constant 1 : i32
      %add3A_39 = arith.addi %mul3A_37, %add3A_38 : i32
      %dma_start3A = arith.constant 0 : i32
      %dma_start3A_40 = tpu.memref_slice %arg7[%mul3A_37, %dma_start3A] : memref<40x128xi32, #tpu.memory_space<vmem>> -> memref<1x128xi32, #tpu.memory_space<vmem>>
      %dma_start3A_41 = tpu.memref_squeeze %dma_start3A_40 : memref<1x128xi32, #tpu.memory_space<vmem>> -> memref<128xi32, #tpu.memory_space<vmem>>
      %dma_start3A_42 = arith.constant 0 : i32
      %dma_start3A_43 = arith.constant 0 : i32
      %dma_start3A_44 = tpu.memref_slice %arg2[%dma_start3A_42, %dma_start3A_43] : memref<10240x128xf32, #tpu.memory_space<hbm>> -> memref<10240x128xf32, #tpu.memory_space<hbm>>
      tpu.enqueue_indirect_dma source(%dma_start3A_44 : memref<10240x128xf32, #tpu.memory_space<hbm>>) target(%arg9 : memref<128x128xf32, #tpu.memory_space<vmem>>) offsets(%dma_start3A_41 : memref<128xi32, #tpu.memory_space<vmem>>) semaphore(%arg12 : memref<!tpu.dma_semaphore, #tpu.memory_space<semaphore_mem>>)
      %dma_start3A_45 = arith.constant 0 : i32
      %dma_start3A_46 = tpu.memref_slice %arg7[%add3A_39, %dma_start3A_45] : memref<40x128xi32, #tpu.memory_space<vmem>> -> memref<1x128xi32, #tpu.memory_space<vmem>>
      %dma_start3A_47 = tpu.memref_squeeze %dma_start3A_46 : memref<1x128xi32, #tpu.memory_space<vmem>> -> memref<128xi32, #tpu.memory_space<vmem>>
      %dma_start3A_48 = arith.constant 0 : i32
      %dma_start3A_49 = arith.constant 0 : i32
      %dma_start3A_50 = tpu.memref_slice %arg2[%dma_start3A_48, %dma_start3A_49] : memref<10240x128xf32, #tpu.memory_space<hbm>> -> memref<10240x128xf32, #tpu.memory_space<hbm>>
      tpu.enqueue_indirect_dma source(%dma_start3A_50 : memref<10240x128xf32, #tpu.memory_space<hbm>>) target(%arg10 : memref<128x128xf32, #tpu.memory_space<vmem>>) offsets(%dma_start3A_47 : memref<128xi32, #tpu.memory_space<vmem>>) semaphore(%arg13 : memref<!tpu.dma_semaphore, #tpu.memory_space<semaphore_mem>>)
      %dma_wait3A = arith.constant 0 : i32
      %dma_wait3A_51 = tpu.memref_slice %arg7[%mul3A_37, %dma_wait3A] : memref<40x128xi32, #tpu.memory_space<vmem>> -> memref<1x128xi32, #tpu.memory_space<vmem>>
      %dma_wait3A_52 = tpu.memref_squeeze %dma_wait3A_51 : memref<1x128xi32, #tpu.memory_space<vmem>> -> memref<128xi32, #tpu.memory_space<vmem>>
      %dma_wait3A_53 = arith.constant 0 : i32
      %dma_wait3A_54 = arith.constant 0 : i32
      %dma_wait3A_55 = tpu.memref_slice %arg2[%dma_wait3A_53, %dma_wait3A_54] : memref<10240x128xf32, #tpu.memory_space<hbm>> -> memref<10240x128xf32, #tpu.memory_space<hbm>>
      tpu.wait_indirect_dma semaphore(%arg12 : memref<!tpu.dma_semaphore, #tpu.memory_space<semaphore_mem>>) src(%dma_wait3A_55 : memref<10240x128xf32, #tpu.memory_space<hbm>>) dst(%arg9 : memref<128x128xf32, #tpu.memory_space<vmem>>)
      %dma_start3A_56 = arith.constant 0 : i32
      %dma_start3A_57 = tpu.memref_slice %arg8[%mul3A_37, %dma_start3A_56] : memref<40x128xi32, #tpu.memory_space<vmem>> -> memref<1x128xi32, #tpu.memory_space<vmem>>
      %dma_start3A_58 = tpu.memref_squeeze %dma_start3A_57 : memref<1x128xi32, #tpu.memory_space<vmem>> -> memref<128xi32, #tpu.memory_space<vmem>>
      %dma_start3A_59 = arith.constant 0 : i32
      %dma_start3A_60 = arith.constant 0 : i32
      %dma_start3A_61 = tpu.memref_slice %arg11[%dma_start3A_59, %dma_start3A_60] : memref<10240x128xf32, #tpu.memory_space<vmem_shared>> -> memref<10240x128xf32, #tpu.memory_space<vmem_shared>>
      tpu.enqueue_indirect_dma source(%arg9 : memref<128x128xf32, #tpu.memory_space<vmem>>) target(%dma_start3A_61 : memref<10240x128xf32, #tpu.memory_space<vmem_shared>>) offsets(%dma_start3A_58 : memref<128xi32, #tpu.memory_space<vmem>>) semaphore(%arg14 : memref<!tpu.dma_semaphore, #tpu.memory_space<semaphore_mem>>) {add = true}
      %dma_wait3A_62 = arith.constant 0 : i32
      %dma_wait3A_63 = tpu.memref_slice %arg7[%add3A_39, %dma_wait3A_62] : memref<40x128xi32, #tpu.memory_space<vmem>> -> memref<1x128xi32, #tpu.memory_space<vmem>>
      %dma_wait3A_64 = tpu.memref_squeeze %dma_wait3A_63 : memref<1x128xi32, #tpu.memory_space<vmem>> -> memref<128xi32, #tpu.memory_space<vmem>>
      %dma_wait3A_65 = arith.constant 0 : i32
      %dma_wait3A_66 = arith.constant 0 : i32
      %dma_wait3A_67 = tpu.memref_slice %arg2[%dma_wait3A_65, %dma_wait3A_66] : memref<10240x128xf32, #tpu.memory_space<hbm>> -> memref<10240x128xf32, #tpu.memory_space<hbm>>
      tpu.wait_indirect_dma semaphore(%arg13 : memref<!tpu.dma_semaphore, #tpu.memory_space<semaphore_mem>>) src(%dma_wait3A_67 : memref<10240x128xf32, #tpu.memory_space<hbm>>) dst(%arg10 : memref<128x128xf32, #tpu.memory_space<vmem>>)
      %dma_start3A_68 = arith.constant 0 : i32
      %dma_start3A_69 = tpu.memref_slice %arg8[%add3A_39, %dma_start3A_68] : memref<40x128xi32, #tpu.memory_space<vmem>> -> memref<1x128xi32, #tpu.memory_space<vmem>>
      %dma_start3A_70 = tpu.memref_squeeze %dma_start3A_69 : memref<1x128xi32, #tpu.memory_space<vmem>> -> memref<128xi32, #tpu.memory_space<vmem>>
      %dma_start3A_71 = arith.constant 0 : i32
      %dma_start3A_72 = arith.constant 0 : i32
      %dma_start3A_73 = tpu.memref_slice %arg11[%dma_start3A_71, %dma_start3A_72] : memref<10240x128xf32, #tpu.memory_space<vmem_shared>> -> memref<10240x128xf32, #tpu.memory_space<vmem_shared>>
      tpu.enqueue_indirect_dma source(%arg10 : memref<128x128xf32, #tpu.memory_space<vmem>>) target(%dma_start3A_73 : memref<10240x128xf32, #tpu.memory_space<vmem_shared>>) offsets(%dma_start3A_70 : memref<128xi32, #tpu.memory_space<vmem>>) semaphore(%arg15 : memref<!tpu.dma_semaphore, #tpu.memory_space<semaphore_mem>>) {add = true}
      %dma_wait3A_74 = arith.constant 0 : i32
      %dma_wait3A_75 = tpu.memref_slice %arg8[%mul3A_37, %dma_wait3A_74] : memref<40x128xi32, #tpu.memory_space<vmem>> -> memref<1x128xi32, #tpu.memory_space<vmem>>
      %dma_wait3A_76 = tpu.memref_squeeze %dma_wait3A_75 : memref<1x128xi32, #tpu.memory_space<vmem>> -> memref<128xi32, #tpu.memory_space<vmem>>
      %dma_wait3A_77 = arith.constant 0 : i32
      %dma_wait3A_78 = arith.constant 0 : i32
      %dma_wait3A_79 = tpu.memref_slice %arg11[%dma_wait3A_77, %dma_wait3A_78] : memref<10240x128xf32, #tpu.memory_space<vmem_shared>> -> memref<10240x128xf32, #tpu.memory_space<vmem_shared>>
      tpu.wait_indirect_dma semaphore(%arg14 : memref<!tpu.dma_semaphore, #tpu.memory_space<semaphore_mem>>) src(%arg9 : memref<128x128xf32, #tpu.memory_space<vmem>>) dst(%dma_wait3A_79 : memref<10240x128xf32, #tpu.memory_space<vmem_shared>>)
      %dma_wait3A_80 = arith.constant 0 : i32
      %dma_wait3A_81 = tpu.memref_slice %arg8[%add3A_39, %dma_wait3A_80] : memref<40x128xi32, #tpu.memory_space<vmem>> -> memref<1x128xi32, #tpu.memory_space<vmem>>
      %dma_wait3A_82 = tpu.memref_squeeze %dma_wait3A_81 : memref<1x128xi32, #tpu.memory_space<vmem>> -> memref<128xi32, #tpu.memory_space<vmem>>
      %dma_wait3A_83 = arith.constant 0 : i32
      %dma_wait3A_84 = arith.constant 0 : i32
      %dma_wait3A_85 = tpu.memref_slice %arg11[%dma_wait3A_83, %dma_wait3A_84] : memref<10240x128xf32, #tpu.memory_space<vmem_shared>> -> memref<10240x128xf32, #tpu.memory_space<vmem_shared>>
      tpu.wait_indirect_dma semaphore(%arg15 : memref<!tpu.dma_semaphore, #tpu.memory_space<semaphore_mem>>) src(%arg10 : memref<128x128xf32, #tpu.memory_space<vmem>>) dst(%dma_wait3A_85 : memref<10240x128xf32, #tpu.memory_space<vmem_shared>>)
    }
    %scan3A_18 = arith.constant 20 : i32
    "tpu.region"() ({
      %run_scoped3A = tpu.sem_alloc : memref<!tpu.dma_semaphore, #tpu.memory_space<semaphore_mem>>
      %dma_start3A = arith.constant 40 : i32
      %dma_start3A_35 = arith.constant 0 : i32
      %dma_start3A_36 = tpu.memref_slice %arg3[%add3A, %dma_start3A, %dma_start3A_35] : memref<32x80x128xi32, #tpu.memory_space<hbm>> -> memref<1x40x128xi32, #tpu.memory_space<hbm>>
      %dma_start3A_37 = tpu.memref_squeeze %dma_start3A_36 : memref<1x40x128xi32, #tpu.memory_space<hbm>> -> memref<40x128xi32, #tpu.memory_space<hbm>>
      %dma_start3A_38 = arith.constant 40 : i32
      %dma_start3A_39 = arith.constant 0 : i32
      %dma_start3A_40 = tpu.memref_slice %arg3[%add3A, %dma_start3A_38, %dma_start3A_39] : memref<32x80x128xi32, #tpu.memory_space<hbm>> -> memref<1x40x128xi32, #tpu.memory_space<hbm>>
      %dma_start3A_41 = tpu.memref_squeeze %dma_start3A_40 : memref<1x40x128xi32, #tpu.memory_space<hbm>> -> memref<40x128xi32, #tpu.memory_space<hbm>>
      tpu.enqueue_dma source(%dma_start3A_41 : memref<40x128xi32, #tpu.memory_space<hbm>>) target(%arg7 : memref<40x128xi32, #tpu.memory_space<vmem>>) target_semaphore(%run_scoped3A : memref<!tpu.dma_semaphore, #tpu.memory_space<semaphore_mem>>)
      %dma_wait3A = arith.constant 40 : i32
      %dma_wait3A_42 = arith.constant 0 : i32
      %dma_wait3A_43 = tpu.memref_slice %arg3[%add3A, %dma_wait3A, %dma_wait3A_42] : memref<32x80x128xi32, #tpu.memory_space<hbm>> -> memref<1x40x128xi32, #tpu.memory_space<hbm>>
      %dma_wait3A_44 = tpu.memref_squeeze %dma_wait3A_43 : memref<1x40x128xi32, #tpu.memory_space<hbm>> -> memref<40x128xi32, #tpu.memory_space<hbm>>
      %dma_wait3A_45 = arith.constant 40 : i32
      %dma_wait3A_46 = arith.constant 0 : i32
      %dma_wait3A_47 = tpu.memref_slice %arg3[%add3A, %dma_wait3A_45, %dma_wait3A_46] : memref<32x80x128xi32, #tpu.memory_space<hbm>> -> memref<1x40x128xi32, #tpu.memory_space<hbm>>
      %dma_wait3A_48 = tpu.memref_squeeze %dma_wait3A_47 : memref<1x40x128xi32, #tpu.memory_space<hbm>> -> memref<40x128xi32, #tpu.memory_space<hbm>>
      tpu.wait_dma2 semaphore(%run_scoped3A : memref<!tpu.dma_semaphore, #tpu.memory_space<semaphore_mem>>) src(%dma_wait3A_48 : memref<40x128xi32, #tpu.memory_space<hbm>>) dst(%arg7 : memref<40x128xi32, #tpu.memory_space<vmem>>)
      tpu.yield
    }) : () -> ()
    "tpu.region"() ({
      %run_scoped3A = tpu.sem_alloc : memref<!tpu.dma_semaphore, #tpu.memory_space<semaphore_mem>>
      %dma_start3A = arith.constant 40 : i32
      %dma_start3A_35 = arith.constant 0 : i32
      %dma_start3A_36 = tpu.memref_slice %arg4[%add3A, %dma_start3A, %dma_start3A_35] : memref<32x80x128xi32, #tpu.memory_space<hbm>> -> memref<1x40x128xi32, #tpu.memory_space<hbm>>
      %dma_start3A_37 = tpu.memref_squeeze %dma_start3A_36 : memref<1x40x128xi32, #tpu.memory_space<hbm>> -> memref<40x128xi32, #tpu.memory_space<hbm>>
      %dma_start3A_38 = arith.constant 40 : i32
      %dma_start3A_39 = arith.constant 0 : i32
      %dma_start3A_40 = tpu.memref_slice %arg4[%add3A, %dma_start3A_38, %dma_start3A_39] : memref<32x80x128xi32, #tpu.memory_space<hbm>> -> memref<1x40x128xi32, #tpu.memory_space<hbm>>
      %dma_start3A_41 = tpu.memref_squeeze %dma_start3A_40 : memref<1x40x128xi32, #tpu.memory_space<hbm>> -> memref<40x128xi32, #tpu.memory_space<hbm>>
      tpu.enqueue_dma source(%dma_start3A_41 : memref<40x128xi32, #tpu.memory_space<hbm>>) target(%arg8 : memref<40x128xi32, #tpu.memory_space<vmem>>) target_semaphore(%run_scoped3A : memref<!tpu.dma_semaphore, #tpu.memory_space<semaphore_mem>>)
      %dma_wait3A = arith.constant 40 : i32
      %dma_wait3A_42 = arith.constant 0 : i32
      %dma_wait3A_43 = tpu.memref_slice %arg4[%add3A, %dma_wait3A, %dma_wait3A_42] : memref<32x80x128xi32, #tpu.memory_space<hbm>> -> memref<1x40x128xi32, #tpu.memory_space<hbm>>
      %dma_wait3A_44 = tpu.memref_squeeze %dma_wait3A_43 : memref<1x40x128xi32, #tpu.memory_space<hbm>> -> memref<40x128xi32, #tpu.memory_space<hbm>>
      %dma_wait3A_45 = arith.constant 40 : i32
      %dma_wait3A_46 = arith.constant 0 : i32
      %dma_wait3A_47 = tpu.memref_slice %arg4[%add3A, %dma_wait3A_45, %dma_wait3A_46] : memref<32x80x128xi32, #tpu.memory_space<hbm>> -> memref<1x40x128xi32, #tpu.memory_space<hbm>>
      %dma_wait3A_48 = tpu.memref_squeeze %dma_wait3A_47 : memref<1x40x128xi32, #tpu.memory_space<hbm>> -> memref<40x128xi32, #tpu.memory_space<hbm>>
      tpu.wait_dma2 semaphore(%run_scoped3A : memref<!tpu.dma_semaphore, #tpu.memory_space<semaphore_mem>>) src(%dma_wait3A_48 : memref<40x128xi32, #tpu.memory_space<hbm>>) dst(%arg8 : memref<40x128xi32, #tpu.memory_space<vmem>>)
      tpu.yield
    }) : () -> ()
    %scan3A_19 = arith.constant 0 : i32
    %scan3A_20 = arith.constant 0 : i32
    %scan3A_21 = arith.constant 20 : i32
    %scan3A_22 = arith.addi %scan3A_20, %scan3A_21 : i32
    %scan3A_23 = arith.constant 1 : i32
    scf.for %scan3A_35 = %scan3A_20 to %scan3A_22 step %scan3A_23  : i32 {
      %mul3A_36 = arith.constant 2 : i32
      %mul3A_37 = arith.muli %mul3A_36, %scan3A_35 : i32
      %add3A_38 = arith.constant 1 : i32
      %add3A_39 = arith.addi %mul3A_37, %add3A_38 : i32
      %dma_start3A = arith.constant 0 : i32
      %dma_start3A_40 = tpu.memref_slice %arg7[%mul3A_37, %dma_start3A] : memref<40x128xi32, #tpu.memory_space<vmem>> -> memref<1x128xi32, #tpu.memory_space<vmem>>
      %dma_start3A_41 = tpu.memref_squeeze %dma_start3A_40 : memref<1x128xi32, #tpu.memory_space<vmem>> -> memref<128xi32, #tpu.memory_space<vmem>>
      %dma_start3A_42 = arith.constant 0 : i32
      %dma_start3A_43 = arith.constant 0 : i32
      %dma_start3A_44 = tpu.memref_slice %arg2[%dma_start3A_42, %dma_start3A_43] : memref<10240x128xf32, #tpu.memory_space<hbm>> -> memref<10240x128xf32, #tpu.memory_space<hbm>>
      tpu.enqueue_indirect_dma source(%dma_start3A_44 : memref<10240x128xf32, #tpu.memory_space<hbm>>) target(%arg9 : memref<128x128xf32, #tpu.memory_space<vmem>>) offsets(%dma_start3A_41 : memref<128xi32, #tpu.memory_space<vmem>>) semaphore(%arg12 : memref<!tpu.dma_semaphore, #tpu.memory_space<semaphore_mem>>)
      %dma_start3A_45 = arith.constant 0 : i32
      %dma_start3A_46 = tpu.memref_slice %arg7[%add3A_39, %dma_start3A_45] : memref<40x128xi32, #tpu.memory_space<vmem>> -> memref<1x128xi32, #tpu.memory_space<vmem>>
      %dma_start3A_47 = tpu.memref_squeeze %dma_start3A_46 : memref<1x128xi32, #tpu.memory_space<vmem>> -> memref<128xi32, #tpu.memory_space<vmem>>
      %dma_start3A_48 = arith.constant 0 : i32
      %dma_start3A_49 = arith.constant 0 : i32
      %dma_start3A_50 = tpu.memref_slice %arg2[%dma_start3A_48, %dma_start3A_49] : memref<10240x128xf32, #tpu.memory_space<hbm>> -> memref<10240x128xf32, #tpu.memory_space<hbm>>
      tpu.enqueue_indirect_dma source(%dma_start3A_50 : memref<10240x128xf32, #tpu.memory_space<hbm>>) target(%arg10 : memref<128x128xf32, #tpu.memory_space<vmem>>) offsets(%dma_start3A_47 : memref<128xi32, #tpu.memory_space<vmem>>) semaphore(%arg13 : memref<!tpu.dma_semaphore, #tpu.memory_space<semaphore_mem>>)
      %dma_wait3A = arith.constant 0 : i32
      %dma_wait3A_51 = tpu.memref_slice %arg7[%mul3A_37, %dma_wait3A] : memref<40x128xi32, #tpu.memory_space<vmem>> -> memref<1x128xi32, #tpu.memory_space<vmem>>
      %dma_wait3A_52 = tpu.memref_squeeze %dma_wait3A_51 : memref<1x128xi32, #tpu.memory_space<vmem>> -> memref<128xi32, #tpu.memory_space<vmem>>
      %dma_wait3A_53 = arith.constant 0 : i32
      %dma_wait3A_54 = arith.constant 0 : i32
      %dma_wait3A_55 = tpu.memref_slice %arg2[%dma_wait3A_53, %dma_wait3A_54] : memref<10240x128xf32, #tpu.memory_space<hbm>> -> memref<10240x128xf32, #tpu.memory_space<hbm>>
      tpu.wait_indirect_dma semaphore(%arg12 : memref<!tpu.dma_semaphore, #tpu.memory_space<semaphore_mem>>) src(%dma_wait3A_55 : memref<10240x128xf32, #tpu.memory_space<hbm>>) dst(%arg9 : memref<128x128xf32, #tpu.memory_space<vmem>>)
      %dma_start3A_56 = arith.constant 0 : i32
      %dma_start3A_57 = tpu.memref_slice %arg8[%mul3A_37, %dma_start3A_56] : memref<40x128xi32, #tpu.memory_space<vmem>> -> memref<1x128xi32, #tpu.memory_space<vmem>>
      %dma_start3A_58 = tpu.memref_squeeze %dma_start3A_57 : memref<1x128xi32, #tpu.memory_space<vmem>> -> memref<128xi32, #tpu.memory_space<vmem>>
      %dma_start3A_59 = arith.constant 0 : i32
      %dma_start3A_60 = arith.constant 0 : i32
      %dma_start3A_61 = tpu.memref_slice %arg11[%dma_start3A_59, %dma_start3A_60] : memref<10240x128xf32, #tpu.memory_space<vmem_shared>> -> memref<10240x128xf32, #tpu.memory_space<vmem_shared>>
      tpu.enqueue_indirect_dma source(%arg9 : memref<128x128xf32, #tpu.memory_space<vmem>>) target(%dma_start3A_61 : memref<10240x128xf32, #tpu.memory_space<vmem_shared>>) offsets(%dma_start3A_58 : memref<128xi32, #tpu.memory_space<vmem>>) semaphore(%arg14 : memref<!tpu.dma_semaphore, #tpu.memory_space<semaphore_mem>>) {add = true}
      %dma_wait3A_62 = arith.constant 0 : i32
      %dma_wait3A_63 = tpu.memref_slice %arg7[%add3A_39, %dma_wait3A_62] : memref<40x128xi32, #tpu.memory_space<vmem>> -> memref<1x128xi32, #tpu.memory_space<vmem>>
      %dma_wait3A_64 = tpu.memref_squeeze %dma_wait3A_63 : memref<1x128xi32, #tpu.memory_space<vmem>> -> memref<128xi32, #tpu.memory_space<vmem>>
      %dma_wait3A_65 = arith.constant 0 : i32
      %dma_wait3A_66 = arith.constant 0 : i32
      %dma_wait3A_67 = tpu.memref_slice %arg2[%dma_wait3A_65, %dma_wait3A_66] : memref<10240x128xf32, #tpu.memory_space<hbm>> -> memref<10240x128xf32, #tpu.memory_space<hbm>>
      tpu.wait_indirect_dma semaphore(%arg13 : memref<!tpu.dma_semaphore, #tpu.memory_space<semaphore_mem>>) src(%dma_wait3A_67 : memref<10240x128xf32, #tpu.memory_space<hbm>>) dst(%arg10 : memref<128x128xf32, #tpu.memory_space<vmem>>)
      %dma_start3A_68 = arith.constant 0 : i32
      %dma_start3A_69 = tpu.memref_slice %arg8[%add3A_39, %dma_start3A_68] : memref<40x128xi32, #tpu.memory_space<vmem>> -> memref<1x128xi32, #tpu.memory_space<vmem>>
      %dma_start3A_70 = tpu.memref_squeeze %dma_start3A_69 : memref<1x128xi32, #tpu.memory_space<vmem>> -> memref<128xi32, #tpu.memory_space<vmem>>
      %dma_start3A_71 = arith.constant 0 : i32
      %dma_start3A_72 = arith.constant 0 : i32
      %dma_start3A_73 = tpu.memref_slice %arg11[%dma_start3A_71, %dma_start3A_72] : memref<10240x128xf32, #tpu.memory_space<vmem_shared>> -> memref<10240x128xf32, #tpu.memory_space<vmem_shared>>
      tpu.enqueue_indirect_dma source(%arg10 : memref<128x128xf32, #tpu.memory_space<vmem>>) target(%dma_start3A_73 : memref<10240x128xf32, #tpu.memory_space<vmem_shared>>) offsets(%dma_start3A_70 : memref<128xi32, #tpu.memory_space<vmem>>) semaphore(%arg15 : memref<!tpu.dma_semaphore, #tpu.memory_space<semaphore_mem>>) {add = true}
      %dma_wait3A_74 = arith.constant 0 : i32
      %dma_wait3A_75 = tpu.memref_slice %arg8[%mul3A_37, %dma_wait3A_74] : memref<40x128xi32, #tpu.memory_space<vmem>> -> memref<1x128xi32, #tpu.memory_space<vmem>>
      %dma_wait3A_76 = tpu.memref_squeeze %dma_wait3A_75 : memref<1x128xi32, #tpu.memory_space<vmem>> -> memref<128xi32, #tpu.memory_space<vmem>>
      %dma_wait3A_77 = arith.constant 0 : i32
      %dma_wait3A_78 = arith.constant 0 : i32
      %dma_wait3A_79 = tpu.memref_slice %arg11[%dma_wait3A_77, %dma_wait3A_78] : memref<10240x128xf32, #tpu.memory_space<vmem_shared>> -> memref<10240x128xf32, #tpu.memory_space<vmem_shared>>
      tpu.wait_indirect_dma semaphore(%arg14 : memref<!tpu.dma_semaphore, #tpu.memory_space<semaphore_mem>>) src(%arg9 : memref<128x128xf32, #tpu.memory_space<vmem>>) dst(%dma_wait3A_79 : memref<10240x128xf32, #tpu.memory_space<vmem_shared>>)
      %dma_wait3A_80 = arith.constant 0 : i32
      %dma_wait3A_81 = tpu.memref_slice %arg8[%add3A_39, %dma_wait3A_80] : memref<40x128xi32, #tpu.memory_space<vmem>> -> memref<1x128xi32, #tpu.memory_space<vmem>>
      %dma_wait3A_82 = tpu.memref_squeeze %dma_wait3A_81 : memref<1x128xi32, #tpu.memory_space<vmem>> -> memref<128xi32, #tpu.memory_space<vmem>>
      %dma_wait3A_83 = arith.constant 0 : i32
      %dma_wait3A_84 = arith.constant 0 : i32
      %dma_wait3A_85 = tpu.memref_slice %arg11[%dma_wait3A_83, %dma_wait3A_84] : memref<10240x128xf32, #tpu.memory_space<vmem_shared>> -> memref<10240x128xf32, #tpu.memory_space<vmem_shared>>
      tpu.wait_indirect_dma semaphore(%arg15 : memref<!tpu.dma_semaphore, #tpu.memory_space<semaphore_mem>>) src(%arg10 : memref<128x128xf32, #tpu.memory_space<vmem>>) dst(%dma_wait3A_85 : memref<10240x128xf32, #tpu.memory_space<vmem_shared>>)
    }
    %scan3A_24 = arith.constant 20 : i32
    %barrier3A_25 = arith.constant 0 : index
    tpu.barrier barrier_id(%barrier3A_25)
    %mul3A_26 = arith.constant 640 : i32
    %mul3A_27 = arith.muli %arg1, %mul3A_26 : i32
    %eq3A = arith.constant 0 : i32
    %eq3A_28 = arith.cmpi eq, %arg0, %eq3A : i32
    %convert_element_type3A = arith.extui %eq3A_28 : i1 to i32
    %cond3A = arith.constant 0 : i32
    %cond3A_29 = arith.cmpi ne, %convert_element_type3A, %cond3A : i32
    scf.if %cond3A_29 {
      "tpu.region"() ({
        %run_scoped3A = tpu.sem_alloc : memref<!tpu.dma_semaphore, #tpu.memory_space<semaphore_mem>>
        %dma_start3A = arith.constant 0 : i32
        %dma_start3A_35 = tpu.memref_slice %arg5[%mul3A_27, %dma_start3A] : memref<10240x128xf32, #tpu.memory_space<hbm>> -> memref<640x128xf32, #tpu.memory_space<hbm>>
        %dma_start3A_36 = arith.constant 0 : i32
        %dma_start3A_37 = tpu.memref_slice %arg11[%mul3A_27, %dma_start3A_36] : memref<10240x128xf32, #tpu.memory_space<vmem_shared>> -> memref<640x128xf32, #tpu.memory_space<vmem_shared>>
        tpu.enqueue_dma source(%dma_start3A_37 : memref<640x128xf32, #tpu.memory_space<vmem_shared>>) target(%dma_start3A_35 : memref<640x128xf32, #tpu.memory_space<hbm>>) target_semaphore(%run_scoped3A : memref<!tpu.dma_semaphore, #tpu.memory_space<semaphore_mem>>)
        %dma_wait3A = arith.constant 0 : i32
        %dma_wait3A_38 = tpu.memref_slice %arg5[%mul3A_27, %dma_wait3A] : memref<10240x128xf32, #tpu.memory_space<hbm>> -> memref<640x128xf32, #tpu.memory_space<hbm>>
        %dma_wait3A_39 = arith.constant 0 : i32
        %dma_wait3A_40 = tpu.memref_slice %arg11[%mul3A_27, %dma_wait3A_39] : memref<10240x128xf32, #tpu.memory_space<vmem_shared>> -> memref<640x128xf32, #tpu.memory_space<vmem_shared>>
        tpu.wait_dma2 semaphore(%run_scoped3A : memref<!tpu.dma_semaphore, #tpu.memory_space<semaphore_mem>>) src(%dma_wait3A_40 : memref<640x128xf32, #tpu.memory_space<vmem_shared>>) dst(%dma_wait3A_38 : memref<640x128xf32, #tpu.memory_space<hbm>>)
        tpu.yield
      }) : () -> ()
    } else {
    }
    %eq3A_30 = arith.constant 1 : i32
    %eq3A_31 = arith.cmpi eq, %arg0, %eq3A_30 : i32
    %convert_element_type3A_32 = arith.extui %eq3A_31 : i1 to i32
    %cond3A_33 = arith.constant 0 : i32
    %cond3A_34 = arith.cmpi ne, %convert_element_type3A_32, %cond3A_33 : i32
    scf.if %cond3A_34 {
      "tpu.region"() ({
        %run_scoped3A = tpu.sem_alloc : memref<!tpu.dma_semaphore, #tpu.memory_space<semaphore_mem>>
        %dma_start3A = arith.constant 0 : i32
        %dma_start3A_35 = tpu.memref_slice %arg6[%mul3A_27, %dma_start3A] : memref<10240x128xf32, #tpu.memory_space<hbm>> -> memref<640x128xf32, #tpu.memory_space<hbm>>
        %dma_start3A_36 = arith.constant 0 : i32
        %dma_start3A_37 = tpu.memref_slice %arg11[%mul3A_27, %dma_start3A_36] : memref<10240x128xf32, #tpu.memory_space<vmem_shared>> -> memref<640x128xf32, #tpu.memory_space<vmem_shared>>
        tpu.enqueue_dma source(%dma_start3A_37 : memref<640x128xf32, #tpu.memory_space<vmem_shared>>) target(%dma_start3A_35 : memref<640x128xf32, #tpu.memory_space<hbm>>) target_semaphore(%run_scoped3A : memref<!tpu.dma_semaphore, #tpu.memory_space<semaphore_mem>>)
        %dma_wait3A = arith.constant 0 : i32
        %dma_wait3A_38 = tpu.memref_slice %arg6[%mul3A_27, %dma_wait3A] : memref<10240x128xf32, #tpu.memory_space<hbm>> -> memref<640x128xf32, #tpu.memory_space<hbm>>
        %dma_wait3A_39 = arith.constant 0 : i32
        %dma_wait3A_40 = tpu.memref_slice %arg11[%mul3A_27, %dma_wait3A_39] : memref<10240x128xf32, #tpu.memory_space<vmem_shared>> -> memref<640x128xf32, #tpu.memory_space<vmem_shared>>
        tpu.wait_dma2 semaphore(%run_scoped3A : memref<!tpu.dma_semaphore, #tpu.memory_space<semaphore_mem>>) src(%dma_wait3A_40 : memref<640x128xf32, #tpu.memory_space<vmem_shared>>) dst(%dma_wait3A_38 : memref<640x128xf32, #tpu.memory_space<hbm>>)
        tpu.yield
      }) : () -> ()
    } else {
    }
    return
  }
}

#map = affine_map<(d0, d1) -> (0, 0)>
#map1 = affine_map<(d0, d1) -> (0, 0, 0)>
module attributes {stable_mosaic.version = 14 : i64} {
  func.func @_sc_agg_body(%arg0: i32, %arg1: i32, %arg2: memref<10240x128xf32, #tpu.memory_space<hbm>>, %arg3: memref<32x80x128xi32, #tpu.memory_space<hbm>>, %arg4: memref<32x80x128xi32, #tpu.memory_space<hbm>>, %arg5: memref<10240x128xf32, #tpu.memory_space<hbm>>, %arg6: memref<10240x128xf32, #tpu.memory_space<hbm>>, %arg7: memref<40x128xi32, #tpu.memory_space<vmem>>, %arg8: memref<40x128xi32, #tpu.memory_space<vmem>>, %arg9: memref<128x128xf32, #tpu.memory_space<vmem>>, %arg10: memref<128x128xf32, #tpu.memory_space<vmem>>, %arg11: memref<10240x128xf32, #tpu.memory_space<vmem_shared>>, %arg12: memref<!tpu.dma_semaphore, #tpu.memory_space<semaphore_mem>>, %arg13: memref<!tpu.dma_semaphore, #tpu.memory_space<semaphore_mem>>, %arg14: memref<!tpu.dma_semaphore, #tpu.memory_space<semaphore_mem>>, %arg15: memref<!tpu.dma_semaphore, #tpu.memory_space<semaphore_mem>>) attributes {dimension_semantics = [#tpu.dimension_semantics<core_parallel>, #tpu.dimension_semantics<subcore_parallel>], iteration_bounds = array<i64: 2, 16>, scalar_prefetch = 0 : i64, scratch_operands = 9 : i64, tpu.core_type = #tpu.core_type<sc_vector_subcore>, window_params = [{transform_indices = #map}, {transform_indices = #map1}, {transform_indices = #map1}, {transform_indices = #map}, {transform_indices = #map}]} {
    %mul3A = arith.constant 16 : i32
    %mul3A_0 = arith.muli %arg0, %mul3A : i32
    %add3A = arith.addi %mul3A_0, %arg1 : i32
    %broadcast_in_dim3A = arith.constant 0.000000e+00 : f32
    %broadcast_in_dim3A_1 = vector.broadcast %broadcast_in_dim3A : f32 to vector<16xf32>
    %scan3A = arith.constant 0 : i32
    %scan3A_2 = arith.constant 0 : i32
    %scan3A_3 = arith.constant 128 : i32
    %scan3A_4 = arith.addi %scan3A_2, %scan3A_3 : i32
    %scan3A_5 = arith.constant 1 : i32
    scf.for %scan3A_35 = %scan3A_2 to %scan3A_4 step %scan3A_5  : i32 {
      %swap3A = arith.index_cast %scan3A_35 : i32 to index
      %swap3A_36 = arith.constant 0 : index
      %swap3A_37 = tpu.vector_load %arg9[%swap3A, %swap3A_36] {strides = array<i32>} : memref<128x128xf32, #tpu.memory_space<vmem>>, vector<16xf32>,
      tpu.vector_store %arg9[%swap3A, %swap3A_36], %broadcast_in_dim3A_1 {strides = array<i32>} : memref<128x128xf32, #tpu.memory_space<vmem>>, vector<16xf32>,
      %swap3A_38 = arith.index_cast %scan3A_35 : i32 to index
      %swap3A_39 = arith.constant 16 : index
      %swap3A_40 = tpu.vector_load %arg9[%swap3A_38, %swap3A_39] {strides = array<i32>} : memref<128x128xf32, #tpu.memory_space<vmem>>, vector<16xf32>,
      tpu.vector_store %arg9[%swap3A_38, %swap3A_39], %broadcast_in_dim3A_1 {strides = array<i32>} : memref<128x128xf32, #tpu.memory_space<vmem>>, vector<16xf32>,
      %swap3A_41 = arith.index_cast %scan3A_35 : i32 to index
      %swap3A_42 = arith.constant 32 : index
      %swap3A_43 = tpu.vector_load %arg9[%swap3A_41, %swap3A_42] {strides = array<i32>} : memref<128x128xf32, #tpu.memory_space<vmem>>, vector<16xf32>,
      tpu.vector_store %arg9[%swap3A_41, %swap3A_42], %broadcast_in_dim3A_1 {strides = array<i32>} : memref<128x128xf32, #tpu.memory_space<vmem>>, vector<16xf32>,
      %swap3A_44 = arith.index_cast %scan3A_35 : i32 to index
      %swap3A_45 = arith.constant 48 : index
      %swap3A_46 = tpu.vector_load %arg9[%swap3A_44, %swap3A_45] {strides = array<i32>} : memref<128x128xf32, #tpu.memory_space<vmem>>, vector<16xf32>,
      tpu.vector_store %arg9[%swap3A_44, %swap3A_45], %broadcast_in_dim3A_1 {strides = array<i32>} : memref<128x128xf32, #tpu.memory_space<vmem>>, vector<16xf32>,
      %swap3A_47 = arith.index_cast %scan3A_35 : i32 to index
      %swap3A_48 = arith.constant 64 : index
      %swap3A_49 = tpu.vector_load %arg9[%swap3A_47, %swap3A_48] {strides = array<i32>} : memref<128x128xf32, #tpu.memory_space<vmem>>, vector<16xf32>,
      tpu.vector_store %arg9[%swap3A_47, %swap3A_48], %broadcast_in_dim3A_1 {strides = array<i32>} : memref<128x128xf32, #tpu.memory_space<vmem>>, vector<16xf32>,
      %swap3A_50 = arith.index_cast %scan3A_35 : i32 to index
      %swap3A_51 = arith.constant 80 : index
      %swap3A_52 = tpu.vector_load %arg9[%swap3A_50, %swap3A_51] {strides = array<i32>} : memref<128x128xf32, #tpu.memory_space<vmem>>, vector<16xf32>,
      tpu.vector_store %arg9[%swap3A_50, %swap3A_51], %broadcast_in_dim3A_1 {strides = array<i32>} : memref<128x128xf32, #tpu.memory_space<vmem>>, vector<16xf32>,
      %swap3A_53 = arith.index_cast %scan3A_35 : i32 to index
      %swap3A_54 = arith.constant 96 : index
      %swap3A_55 = tpu.vector_load %arg9[%swap3A_53, %swap3A_54] {strides = array<i32>} : memref<128x128xf32, #tpu.memory_space<vmem>>, vector<16xf32>,
      tpu.vector_store %arg9[%swap3A_53, %swap3A_54], %broadcast_in_dim3A_1 {strides = array<i32>} : memref<128x128xf32, #tpu.memory_space<vmem>>, vector<16xf32>,
      %swap3A_56 = arith.index_cast %scan3A_35 : i32 to index
      %swap3A_57 = arith.constant 112 : index
      %swap3A_58 = tpu.vector_load %arg9[%swap3A_56, %swap3A_57] {strides = array<i32>} : memref<128x128xf32, #tpu.memory_space<vmem>>, vector<16xf32>,
      tpu.vector_store %arg9[%swap3A_56, %swap3A_57], %broadcast_in_dim3A_1 {strides = array<i32>} : memref<128x128xf32, #tpu.memory_space<vmem>>, vector<16xf32>,
    }
    %scan3A_6 = arith.constant 128 : i32
    %scan3A_7 = arith.constant 0 : i32
    %scan3A_8 = arith.constant 0 : i32
    %scan3A_9 = arith.constant 5 : i32
    %scan3A_10 = arith.addi %scan3A_8, %scan3A_9 : i32
    %scan3A_11 = arith.constant 1 : i32
    scf.for %scan3A_35 = %scan3A_8 to %scan3A_10 step %scan3A_11  : i32 {
      %mul3A_36 = arith.constant 640 : i32
      %mul3A_37 = arith.muli %arg1, %mul3A_36 : i32
      %mul3A_38 = arith.constant 128 : i32
      %mul3A_39 = arith.muli %scan3A_35, %mul3A_38 : i32
      %add3A_40 = arith.addi %mul3A_37, %mul3A_39 : i32
      "tpu.region"() ({
        %run_scoped3A = tpu.sem_alloc : memref<!tpu.dma_semaphore, #tpu.memory_space<semaphore_mem>>
        %dma_start3A = arith.constant 0 : i32
        %dma_start3A_41 = tpu.memref_slice %arg11[%add3A_40, %dma_start3A] : memref<10240x128xf32, #tpu.memory_space<vmem_shared>> -> memref<128x128xf32, #tpu.memory_space<vmem_shared>>
        %dma_start3A_42 = arith.constant 0 : i32
        %dma_start3A_43 = tpu.memref_slice %arg11[%add3A_40, %dma_start3A_42] : memref<10240x128xf32, #tpu.memory_space<vmem_shared>> -> memref<128x128xf32, #tpu.memory_space<vmem_shared>>
        tpu.enqueue_dma source(%arg9 : memref<128x128xf32, #tpu.memory_space<vmem>>) target(%dma_start3A_43 : memref<128x128xf32, #tpu.memory_space<vmem_shared>>) target_semaphore(%run_scoped3A : memref<!tpu.dma_semaphore, #tpu.memory_space<semaphore_mem>>)
        %dma_wait3A = arith.constant 0 : i32
        %dma_wait3A_44 = tpu.memref_slice %arg11[%add3A_40, %dma_wait3A] : memref<10240x128xf32, #tpu.memory_space<vmem_shared>> -> memref<128x128xf32, #tpu.memory_space<vmem_shared>>
        %dma_wait3A_45 = arith.constant 0 : i32
        %dma_wait3A_46 = tpu.memref_slice %arg11[%add3A_40, %dma_wait3A_45] : memref<10240x128xf32, #tpu.memory_space<vmem_shared>> -> memref<128x128xf32, #tpu.memory_space<vmem_shared>>
        tpu.wait_dma2 semaphore(%run_scoped3A : memref<!tpu.dma_semaphore, #tpu.memory_space<semaphore_mem>>) src(%arg9 : memref<128x128xf32, #tpu.memory_space<vmem>>) dst(%dma_wait3A_46 : memref<128x128xf32, #tpu.memory_space<vmem_shared>>)
        tpu.yield
      }) : () -> ()
    }
    %scan3A_12 = arith.constant 5 : i32
    %barrier3A = arith.constant 0 : index
    tpu.barrier barrier_id(%barrier3A)
    "tpu.region"() ({
      %run_scoped3A = tpu.sem_alloc : memref<!tpu.dma_semaphore, #tpu.memory_space<semaphore_mem>>
      %dma_start3A = arith.constant 0 : i32
      %dma_start3A_35 = arith.constant 0 : i32
      %dma_start3A_36 = tpu.memref_slice %arg3[%add3A, %dma_start3A, %dma_start3A_35] : memref<32x80x128xi32, #tpu.memory_space<hbm>> -> memref<1x40x128xi32, #tpu.memory_space<hbm>>
      %dma_start3A_37 = tpu.memref_squeeze %dma_start3A_36 : memref<1x40x128xi32, #tpu.memory_space<hbm>> -> memref<40x128xi32, #tpu.memory_space<hbm>>
      %dma_start3A_38 = arith.constant 0 : i32
      %dma_start3A_39 = arith.constant 0 : i32
      %dma_start3A_40 = tpu.memref_slice %arg3[%add3A, %dma_start3A_38, %dma_start3A_39] : memref<32x80x128xi32, #tpu.memory_space<hbm>> -> memref<1x40x128xi32, #tpu.memory_space<hbm>>
      %dma_start3A_41 = tpu.memref_squeeze %dma_start3A_40 : memref<1x40x128xi32, #tpu.memory_space<hbm>> -> memref<40x128xi32, #tpu.memory_space<hbm>>
      tpu.enqueue_dma source(%dma_start3A_41 : memref<40x128xi32, #tpu.memory_space<hbm>>) target(%arg7 : memref<40x128xi32, #tpu.memory_space<vmem>>) target_semaphore(%run_scoped3A : memref<!tpu.dma_semaphore, #tpu.memory_space<semaphore_mem>>)
      %dma_wait3A = arith.constant 0 : i32
      %dma_wait3A_42 = arith.constant 0 : i32
      %dma_wait3A_43 = tpu.memref_slice %arg3[%add3A, %dma_wait3A, %dma_wait3A_42] : memref<32x80x128xi32, #tpu.memory_space<hbm>> -> memref<1x40x128xi32, #tpu.memory_space<hbm>>
      %dma_wait3A_44 = tpu.memref_squeeze %dma_wait3A_43 : memref<1x40x128xi32, #tpu.memory_space<hbm>> -> memref<40x128xi32, #tpu.memory_space<hbm>>
      %dma_wait3A_45 = arith.constant 0 : i32
      %dma_wait3A_46 = arith.constant 0 : i32
      %dma_wait3A_47 = tpu.memref_slice %arg3[%add3A, %dma_wait3A_45, %dma_wait3A_46] : memref<32x80x128xi32, #tpu.memory_space<hbm>> -> memref<1x40x128xi32, #tpu.memory_space<hbm>>
      %dma_wait3A_48 = tpu.memref_squeeze %dma_wait3A_47 : memref<1x40x128xi32, #tpu.memory_space<hbm>> -> memref<40x128xi32, #tpu.memory_space<hbm>>
      tpu.wait_dma2 semaphore(%run_scoped3A : memref<!tpu.dma_semaphore, #tpu.memory_space<semaphore_mem>>) src(%dma_wait3A_48 : memref<40x128xi32, #tpu.memory_space<hbm>>) dst(%arg7 : memref<40x128xi32, #tpu.memory_space<vmem>>)
      tpu.yield
    }) : () -> ()
    "tpu.region"() ({
      %run_scoped3A = tpu.sem_alloc : memref<!tpu.dma_semaphore, #tpu.memory_space<semaphore_mem>>
      %dma_start3A = arith.constant 0 : i32
      %dma_start3A_35 = arith.constant 0 : i32
      %dma_start3A_36 = tpu.memref_slice %arg4[%add3A, %dma_start3A, %dma_start3A_35] : memref<32x80x128xi32, #tpu.memory_space<hbm>> -> memref<1x40x128xi32, #tpu.memory_space<hbm>>
      %dma_start3A_37 = tpu.memref_squeeze %dma_start3A_36 : memref<1x40x128xi32, #tpu.memory_space<hbm>> -> memref<40x128xi32, #tpu.memory_space<hbm>>
      %dma_start3A_38 = arith.constant 0 : i32
      %dma_start3A_39 = arith.constant 0 : i32
      %dma_start3A_40 = tpu.memref_slice %arg4[%add3A, %dma_start3A_38, %dma_start3A_39] : memref<32x80x128xi32, #tpu.memory_space<hbm>> -> memref<1x40x128xi32, #tpu.memory_space<hbm>>
      %dma_start3A_41 = tpu.memref_squeeze %dma_start3A_40 : memref<1x40x128xi32, #tpu.memory_space<hbm>> -> memref<40x128xi32, #tpu.memory_space<hbm>>
      tpu.enqueue_dma source(%dma_start3A_41 : memref<40x128xi32, #tpu.memory_space<hbm>>) target(%arg8 : memref<40x128xi32, #tpu.memory_space<vmem>>) target_semaphore(%run_scoped3A : memref<!tpu.dma_semaphore, #tpu.memory_space<semaphore_mem>>)
      %dma_wait3A = arith.constant 0 : i32
      %dma_wait3A_42 = arith.constant 0 : i32
      %dma_wait3A_43 = tpu.memref_slice %arg4[%add3A, %dma_wait3A, %dma_wait3A_42] : memref<32x80x128xi32, #tpu.memory_space<hbm>> -> memref<1x40x128xi32, #tpu.memory_space<hbm>>
      %dma_wait3A_44 = tpu.memref_squeeze %dma_wait3A_43 : memref<1x40x128xi32, #tpu.memory_space<hbm>> -> memref<40x128xi32, #tpu.memory_space<hbm>>
      %dma_wait3A_45 = arith.constant 0 : i32
      %dma_wait3A_46 = arith.constant 0 : i32
      %dma_wait3A_47 = tpu.memref_slice %arg4[%add3A, %dma_wait3A_45, %dma_wait3A_46] : memref<32x80x128xi32, #tpu.memory_space<hbm>> -> memref<1x40x128xi32, #tpu.memory_space<hbm>>
      %dma_wait3A_48 = tpu.memref_squeeze %dma_wait3A_47 : memref<1x40x128xi32, #tpu.memory_space<hbm>> -> memref<40x128xi32, #tpu.memory_space<hbm>>
      tpu.wait_dma2 semaphore(%run_scoped3A : memref<!tpu.dma_semaphore, #tpu.memory_space<semaphore_mem>>) src(%dma_wait3A_48 : memref<40x128xi32, #tpu.memory_space<hbm>>) dst(%arg8 : memref<40x128xi32, #tpu.memory_space<vmem>>)
      tpu.yield
    }) : () -> ()
    %scan3A_13 = arith.constant 0 : i32
    %scan3A_14 = arith.constant 0 : i32
    %scan3A_15 = arith.constant 20 : i32
    %scan3A_16 = arith.addi %scan3A_14, %scan3A_15 : i32
    %scan3A_17 = arith.constant 1 : i32
    scf.for %scan3A_35 = %scan3A_14 to %scan3A_16 step %scan3A_17  : i32 {
      %mul3A_36 = arith.constant 2 : i32
      %mul3A_37 = arith.muli %mul3A_36, %scan3A_35 : i32
      %add3A_38 = arith.constant 1 : i32
      %add3A_39 = arith.addi %mul3A_37, %add3A_38 : i32
      %dma_start3A = arith.constant 0 : i32
      %dma_start3A_40 = tpu.memref_slice %arg7[%mul3A_37, %dma_start3A] : memref<40x128xi32, #tpu.memory_space<vmem>> -> memref<1x128xi32, #tpu.memory_space<vmem>>
      %dma_start3A_41 = tpu.memref_squeeze %dma_start3A_40 : memref<1x128xi32, #tpu.memory_space<vmem>> -> memref<128xi32, #tpu.memory_space<vmem>>
      %dma_start3A_42 = arith.constant 0 : i32
      %dma_start3A_43 = arith.constant 0 : i32
      %dma_start3A_44 = tpu.memref_slice %arg2[%dma_start3A_42, %dma_start3A_43] : memref<10240x128xf32, #tpu.memory_space<hbm>> -> memref<10240x128xf32, #tpu.memory_space<hbm>>
      tpu.enqueue_indirect_dma source(%dma_start3A_44 : memref<10240x128xf32, #tpu.memory_space<hbm>>) target(%arg9 : memref<128x128xf32, #tpu.memory_space<vmem>>) offsets(%dma_start3A_41 : memref<128xi32, #tpu.memory_space<vmem>>) semaphore(%arg12 : memref<!tpu.dma_semaphore, #tpu.memory_space<semaphore_mem>>)
      %dma_start3A_45 = arith.constant 0 : i32
      %dma_start3A_46 = tpu.memref_slice %arg7[%add3A_39, %dma_start3A_45] : memref<40x128xi32, #tpu.memory_space<vmem>> -> memref<1x128xi32, #tpu.memory_space<vmem>>
      %dma_start3A_47 = tpu.memref_squeeze %dma_start3A_46 : memref<1x128xi32, #tpu.memory_space<vmem>> -> memref<128xi32, #tpu.memory_space<vmem>>
      %dma_start3A_48 = arith.constant 0 : i32
      %dma_start3A_49 = arith.constant 0 : i32
      %dma_start3A_50 = tpu.memref_slice %arg2[%dma_start3A_48, %dma_start3A_49] : memref<10240x128xf32, #tpu.memory_space<hbm>> -> memref<10240x128xf32, #tpu.memory_space<hbm>>
      tpu.enqueue_indirect_dma source(%dma_start3A_50 : memref<10240x128xf32, #tpu.memory_space<hbm>>) target(%arg10 : memref<128x128xf32, #tpu.memory_space<vmem>>) offsets(%dma_start3A_47 : memref<128xi32, #tpu.memory_space<vmem>>) semaphore(%arg13 : memref<!tpu.dma_semaphore, #tpu.memory_space<semaphore_mem>>)
      %dma_wait3A = arith.constant 0 : i32
      %dma_wait3A_51 = tpu.memref_slice %arg7[%mul3A_37, %dma_wait3A] : memref<40x128xi32, #tpu.memory_space<vmem>> -> memref<1x128xi32, #tpu.memory_space<vmem>>
      %dma_wait3A_52 = tpu.memref_squeeze %dma_wait3A_51 : memref<1x128xi32, #tpu.memory_space<vmem>> -> memref<128xi32, #tpu.memory_space<vmem>>
      %dma_wait3A_53 = arith.constant 0 : i32
      %dma_wait3A_54 = arith.constant 0 : i32
      %dma_wait3A_55 = tpu.memref_slice %arg2[%dma_wait3A_53, %dma_wait3A_54] : memref<10240x128xf32, #tpu.memory_space<hbm>> -> memref<10240x128xf32, #tpu.memory_space<hbm>>
      tpu.wait_indirect_dma semaphore(%arg12 : memref<!tpu.dma_semaphore, #tpu.memory_space<semaphore_mem>>) src(%dma_wait3A_55 : memref<10240x128xf32, #tpu.memory_space<hbm>>) dst(%arg9 : memref<128x128xf32, #tpu.memory_space<vmem>>)
      %dma_start3A_56 = arith.constant 0 : i32
      %dma_start3A_57 = tpu.memref_slice %arg8[%mul3A_37, %dma_start3A_56] : memref<40x128xi32, #tpu.memory_space<vmem>> -> memref<1x128xi32, #tpu.memory_space<vmem>>
      %dma_start3A_58 = tpu.memref_squeeze %dma_start3A_57 : memref<1x128xi32, #tpu.memory_space<vmem>> -> memref<128xi32, #tpu.memory_space<vmem>>
      %dma_start3A_59 = arith.constant 0 : i32
      %dma_start3A_60 = arith.constant 0 : i32
      %dma_start3A_61 = tpu.memref_slice %arg11[%dma_start3A_59, %dma_start3A_60] : memref<10240x128xf32, #tpu.memory_space<vmem_shared>> -> memref<10240x128xf32, #tpu.memory_space<vmem_shared>>
      tpu.enqueue_indirect_dma source(%arg9 : memref<128x128xf32, #tpu.memory_space<vmem>>) target(%dma_start3A_61 : memref<10240x128xf32, #tpu.memory_space<vmem_shared>>) offsets(%dma_start3A_58 : memref<128xi32, #tpu.memory_space<vmem>>) semaphore(%arg14 : memref<!tpu.dma_semaphore, #tpu.memory_space<semaphore_mem>>) {add = true}
      %dma_wait3A_62 = arith.constant 0 : i32
      %dma_wait3A_63 = tpu.memref_slice %arg7[%add3A_39, %dma_wait3A_62] : memref<40x128xi32, #tpu.memory_space<vmem>> -> memref<1x128xi32, #tpu.memory_space<vmem>>
      %dma_wait3A_64 = tpu.memref_squeeze %dma_wait3A_63 : memref<1x128xi32, #tpu.memory_space<vmem>> -> memref<128xi32, #tpu.memory_space<vmem>>
      %dma_wait3A_65 = arith.constant 0 : i32
      %dma_wait3A_66 = arith.constant 0 : i32
      %dma_wait3A_67 = tpu.memref_slice %arg2[%dma_wait3A_65, %dma_wait3A_66] : memref<10240x128xf32, #tpu.memory_space<hbm>> -> memref<10240x128xf32, #tpu.memory_space<hbm>>
      tpu.wait_indirect_dma semaphore(%arg13 : memref<!tpu.dma_semaphore, #tpu.memory_space<semaphore_mem>>) src(%dma_wait3A_67 : memref<10240x128xf32, #tpu.memory_space<hbm>>) dst(%arg10 : memref<128x128xf32, #tpu.memory_space<vmem>>)
      %dma_start3A_68 = arith.constant 0 : i32
      %dma_start3A_69 = tpu.memref_slice %arg8[%add3A_39, %dma_start3A_68] : memref<40x128xi32, #tpu.memory_space<vmem>> -> memref<1x128xi32, #tpu.memory_space<vmem>>
      %dma_start3A_70 = tpu.memref_squeeze %dma_start3A_69 : memref<1x128xi32, #tpu.memory_space<vmem>> -> memref<128xi32, #tpu.memory_space<vmem>>
      %dma_start3A_71 = arith.constant 0 : i32
      %dma_start3A_72 = arith.constant 0 : i32
      %dma_start3A_73 = tpu.memref_slice %arg11[%dma_start3A_71, %dma_start3A_72] : memref<10240x128xf32, #tpu.memory_space<vmem_shared>> -> memref<10240x128xf32, #tpu.memory_space<vmem_shared>>
      tpu.enqueue_indirect_dma source(%arg10 : memref<128x128xf32, #tpu.memory_space<vmem>>) target(%dma_start3A_73 : memref<10240x128xf32, #tpu.memory_space<vmem_shared>>) offsets(%dma_start3A_70 : memref<128xi32, #tpu.memory_space<vmem>>) semaphore(%arg15 : memref<!tpu.dma_semaphore, #tpu.memory_space<semaphore_mem>>) {add = true}
      %dma_wait3A_74 = arith.constant 0 : i32
      %dma_wait3A_75 = tpu.memref_slice %arg8[%mul3A_37, %dma_wait3A_74] : memref<40x128xi32, #tpu.memory_space<vmem>> -> memref<1x128xi32, #tpu.memory_space<vmem>>
      %dma_wait3A_76 = tpu.memref_squeeze %dma_wait3A_75 : memref<1x128xi32, #tpu.memory_space<vmem>> -> memref<128xi32, #tpu.memory_space<vmem>>
      %dma_wait3A_77 = arith.constant 0 : i32
      %dma_wait3A_78 = arith.constant 0 : i32
      %dma_wait3A_79 = tpu.memref_slice %arg11[%dma_wait3A_77, %dma_wait3A_78] : memref<10240x128xf32, #tpu.memory_space<vmem_shared>> -> memref<10240x128xf32, #tpu.memory_space<vmem_shared>>
      tpu.wait_indirect_dma semaphore(%arg14 : memref<!tpu.dma_semaphore, #tpu.memory_space<semaphore_mem>>) src(%arg9 : memref<128x128xf32, #tpu.memory_space<vmem>>) dst(%dma_wait3A_79 : memref<10240x128xf32, #tpu.memory_space<vmem_shared>>)
      %dma_wait3A_80 = arith.constant 0 : i32
      %dma_wait3A_81 = tpu.memref_slice %arg8[%add3A_39, %dma_wait3A_80] : memref<40x128xi32, #tpu.memory_space<vmem>> -> memref<1x128xi32, #tpu.memory_space<vmem>>
      %dma_wait3A_82 = tpu.memref_squeeze %dma_wait3A_81 : memref<1x128xi32, #tpu.memory_space<vmem>> -> memref<128xi32, #tpu.memory_space<vmem>>
      %dma_wait3A_83 = arith.constant 0 : i32
      %dma_wait3A_84 = arith.constant 0 : i32
      %dma_wait3A_85 = tpu.memref_slice %arg11[%dma_wait3A_83, %dma_wait3A_84] : memref<10240x128xf32, #tpu.memory_space<vmem_shared>> -> memref<10240x128xf32, #tpu.memory_space<vmem_shared>>
      tpu.wait_indirect_dma semaphore(%arg15 : memref<!tpu.dma_semaphore, #tpu.memory_space<semaphore_mem>>) src(%arg10 : memref<128x128xf32, #tpu.memory_space<vmem>>) dst(%dma_wait3A_85 : memref<10240x128xf32, #tpu.memory_space<vmem_shared>>)
    }
    %scan3A_18 = arith.constant 20 : i32
    "tpu.region"() ({
      %run_scoped3A = tpu.sem_alloc : memref<!tpu.dma_semaphore, #tpu.memory_space<semaphore_mem>>
      %dma_start3A = arith.constant 40 : i32
      %dma_start3A_35 = arith.constant 0 : i32
      %dma_start3A_36 = tpu.memref_slice %arg3[%add3A, %dma_start3A, %dma_start3A_35] : memref<32x80x128xi32, #tpu.memory_space<hbm>> -> memref<1x40x128xi32, #tpu.memory_space<hbm>>
      %dma_start3A_37 = tpu.memref_squeeze %dma_start3A_36 : memref<1x40x128xi32, #tpu.memory_space<hbm>> -> memref<40x128xi32, #tpu.memory_space<hbm>>
      %dma_start3A_38 = arith.constant 40 : i32
      %dma_start3A_39 = arith.constant 0 : i32
      %dma_start3A_40 = tpu.memref_slice %arg3[%add3A, %dma_start3A_38, %dma_start3A_39] : memref<32x80x128xi32, #tpu.memory_space<hbm>> -> memref<1x40x128xi32, #tpu.memory_space<hbm>>
      %dma_start3A_41 = tpu.memref_squeeze %dma_start3A_40 : memref<1x40x128xi32, #tpu.memory_space<hbm>> -> memref<40x128xi32, #tpu.memory_space<hbm>>
      tpu.enqueue_dma source(%dma_start3A_41 : memref<40x128xi32, #tpu.memory_space<hbm>>) target(%arg7 : memref<40x128xi32, #tpu.memory_space<vmem>>) target_semaphore(%run_scoped3A : memref<!tpu.dma_semaphore, #tpu.memory_space<semaphore_mem>>)
      %dma_wait3A = arith.constant 40 : i32
      %dma_wait3A_42 = arith.constant 0 : i32
      %dma_wait3A_43 = tpu.memref_slice %arg3[%add3A, %dma_wait3A, %dma_wait3A_42] : memref<32x80x128xi32, #tpu.memory_space<hbm>> -> memref<1x40x128xi32, #tpu.memory_space<hbm>>
      %dma_wait3A_44 = tpu.memref_squeeze %dma_wait3A_43 : memref<1x40x128xi32, #tpu.memory_space<hbm>> -> memref<40x128xi32, #tpu.memory_space<hbm>>
      %dma_wait3A_45 = arith.constant 40 : i32
      %dma_wait3A_46 = arith.constant 0 : i32
      %dma_wait3A_47 = tpu.memref_slice %arg3[%add3A, %dma_wait3A_45, %dma_wait3A_46] : memref<32x80x128xi32, #tpu.memory_space<hbm>> -> memref<1x40x128xi32, #tpu.memory_space<hbm>>
      %dma_wait3A_48 = tpu.memref_squeeze %dma_wait3A_47 : memref<1x40x128xi32, #tpu.memory_space<hbm>> -> memref<40x128xi32, #tpu.memory_space<hbm>>
      tpu.wait_dma2 semaphore(%run_scoped3A : memref<!tpu.dma_semaphore, #tpu.memory_space<semaphore_mem>>) src(%dma_wait3A_48 : memref<40x128xi32, #tpu.memory_space<hbm>>) dst(%arg7 : memref<40x128xi32, #tpu.memory_space<vmem>>)
      tpu.yield
    }) : () -> ()
    "tpu.region"() ({
      %run_scoped3A = tpu.sem_alloc : memref<!tpu.dma_semaphore, #tpu.memory_space<semaphore_mem>>
      %dma_start3A = arith.constant 40 : i32
      %dma_start3A_35 = arith.constant 0 : i32
      %dma_start3A_36 = tpu.memref_slice %arg4[%add3A, %dma_start3A, %dma_start3A_35] : memref<32x80x128xi32, #tpu.memory_space<hbm>> -> memref<1x40x128xi32, #tpu.memory_space<hbm>>
      %dma_start3A_37 = tpu.memref_squeeze %dma_start3A_36 : memref<1x40x128xi32, #tpu.memory_space<hbm>> -> memref<40x128xi32, #tpu.memory_space<hbm>>
      %dma_start3A_38 = arith.constant 40 : i32
      %dma_start3A_39 = arith.constant 0 : i32
      %dma_start3A_40 = tpu.memref_slice %arg4[%add3A, %dma_start3A_38, %dma_start3A_39] : memref<32x80x128xi32, #tpu.memory_space<hbm>> -> memref<1x40x128xi32, #tpu.memory_space<hbm>>
      %dma_start3A_41 = tpu.memref_squeeze %dma_start3A_40 : memref<1x40x128xi32, #tpu.memory_space<hbm>> -> memref<40x128xi32, #tpu.memory_space<hbm>>
      tpu.enqueue_dma source(%dma_start3A_41 : memref<40x128xi32, #tpu.memory_space<hbm>>) target(%arg8 : memref<40x128xi32, #tpu.memory_space<vmem>>) target_semaphore(%run_scoped3A : memref<!tpu.dma_semaphore, #tpu.memory_space<semaphore_mem>>)
      %dma_wait3A = arith.constant 40 : i32
      %dma_wait3A_42 = arith.constant 0 : i32
      %dma_wait3A_43 = tpu.memref_slice %arg4[%add3A, %dma_wait3A, %dma_wait3A_42] : memref<32x80x128xi32, #tpu.memory_space<hbm>> -> memref<1x40x128xi32, #tpu.memory_space<hbm>>
      %dma_wait3A_44 = tpu.memref_squeeze %dma_wait3A_43 : memref<1x40x128xi32, #tpu.memory_space<hbm>> -> memref<40x128xi32, #tpu.memory_space<hbm>>
      %dma_wait3A_45 = arith.constant 40 : i32
      %dma_wait3A_46 = arith.constant 0 : i32
      %dma_wait3A_47 = tpu.memref_slice %arg4[%add3A, %dma_wait3A_45, %dma_wait3A_46] : memref<32x80x128xi32, #tpu.memory_space<hbm>> -> memref<1x40x128xi32, #tpu.memory_space<hbm>>
      %dma_wait3A_48 = tpu.memref_squeeze %dma_wait3A_47 : memref<1x40x128xi32, #tpu.memory_space<hbm>> -> memref<40x128xi32, #tpu.memory_space<hbm>>
      tpu.wait_dma2 semaphore(%run_scoped3A : memref<!tpu.dma_semaphore, #tpu.memory_space<semaphore_mem>>) src(%dma_wait3A_48 : memref<40x128xi32, #tpu.memory_space<hbm>>) dst(%arg8 : memref<40x128xi32, #tpu.memory_space<vmem>>)
      tpu.yield
    }) : () -> ()
    %scan3A_19 = arith.constant 0 : i32
    %scan3A_20 = arith.constant 0 : i32
    %scan3A_21 = arith.constant 20 : i32
    %scan3A_22 = arith.addi %scan3A_20, %scan3A_21 : i32
    %scan3A_23 = arith.constant 1 : i32
    scf.for %scan3A_35 = %scan3A_20 to %scan3A_22 step %scan3A_23  : i32 {
      %mul3A_36 = arith.constant 2 : i32
      %mul3A_37 = arith.muli %mul3A_36, %scan3A_35 : i32
      %add3A_38 = arith.constant 1 : i32
      %add3A_39 = arith.addi %mul3A_37, %add3A_38 : i32
      %dma_start3A = arith.constant 0 : i32
      %dma_start3A_40 = tpu.memref_slice %arg7[%mul3A_37, %dma_start3A] : memref<40x128xi32, #tpu.memory_space<vmem>> -> memref<1x128xi32, #tpu.memory_space<vmem>>
      %dma_start3A_41 = tpu.memref_squeeze %dma_start3A_40 : memref<1x128xi32, #tpu.memory_space<vmem>> -> memref<128xi32, #tpu.memory_space<vmem>>
      %dma_start3A_42 = arith.constant 0 : i32
      %dma_start3A_43 = arith.constant 0 : i32
      %dma_start3A_44 = tpu.memref_slice %arg2[%dma_start3A_42, %dma_start3A_43] : memref<10240x128xf32, #tpu.memory_space<hbm>> -> memref<10240x128xf32, #tpu.memory_space<hbm>>
      tpu.enqueue_indirect_dma source(%dma_start3A_44 : memref<10240x128xf32, #tpu.memory_space<hbm>>) target(%arg9 : memref<128x128xf32, #tpu.memory_space<vmem>>) offsets(%dma_start3A_41 : memref<128xi32, #tpu.memory_space<vmem>>) semaphore(%arg12 : memref<!tpu.dma_semaphore, #tpu.memory_space<semaphore_mem>>)
      %dma_start3A_45 = arith.constant 0 : i32
      %dma_start3A_46 = tpu.memref_slice %arg7[%add3A_39, %dma_start3A_45] : memref<40x128xi32, #tpu.memory_space<vmem>> -> memref<1x128xi32, #tpu.memory_space<vmem>>
      %dma_start3A_47 = tpu.memref_squeeze %dma_start3A_46 : memref<1x128xi32, #tpu.memory_space<vmem>> -> memref<128xi32, #tpu.memory_space<vmem>>
      %dma_start3A_48 = arith.constant 0 : i32
      %dma_start3A_49 = arith.constant 0 : i32
      %dma_start3A_50 = tpu.memref_slice %arg2[%dma_start3A_48, %dma_start3A_49] : memref<10240x128xf32, #tpu.memory_space<hbm>> -> memref<10240x128xf32, #tpu.memory_space<hbm>>
      tpu.enqueue_indirect_dma source(%dma_start3A_50 : memref<10240x128xf32, #tpu.memory_space<hbm>>) target(%arg10 : memref<128x128xf32, #tpu.memory_space<vmem>>) offsets(%dma_start3A_47 : memref<128xi32, #tpu.memory_space<vmem>>) semaphore(%arg13 : memref<!tpu.dma_semaphore, #tpu.memory_space<semaphore_mem>>)
      %dma_wait3A = arith.constant 0 : i32
      %dma_wait3A_51 = tpu.memref_slice %arg7[%mul3A_37, %dma_wait3A] : memref<40x128xi32, #tpu.memory_space<vmem>> -> memref<1x128xi32, #tpu.memory_space<vmem>>
      %dma_wait3A_52 = tpu.memref_squeeze %dma_wait3A_51 : memref<1x128xi32, #tpu.memory_space<vmem>> -> memref<128xi32, #tpu.memory_space<vmem>>
      %dma_wait3A_53 = arith.constant 0 : i32
      %dma_wait3A_54 = arith.constant 0 : i32
      %dma_wait3A_55 = tpu.memref_slice %arg2[%dma_wait3A_53, %dma_wait3A_54] : memref<10240x128xf32, #tpu.memory_space<hbm>> -> memref<10240x128xf32, #tpu.memory_space<hbm>>
      tpu.wait_indirect_dma semaphore(%arg12 : memref<!tpu.dma_semaphore, #tpu.memory_space<semaphore_mem>>) src(%dma_wait3A_55 : memref<10240x128xf32, #tpu.memory_space<hbm>>) dst(%arg9 : memref<128x128xf32, #tpu.memory_space<vmem>>)
      %dma_start3A_56 = arith.constant 0 : i32
      %dma_start3A_57 = tpu.memref_slice %arg8[%mul3A_37, %dma_start3A_56] : memref<40x128xi32, #tpu.memory_space<vmem>> -> memref<1x128xi32, #tpu.memory_space<vmem>>
      %dma_start3A_58 = tpu.memref_squeeze %dma_start3A_57 : memref<1x128xi32, #tpu.memory_space<vmem>> -> memref<128xi32, #tpu.memory_space<vmem>>
      %dma_start3A_59 = arith.constant 0 : i32
      %dma_start3A_60 = arith.constant 0 : i32
      %dma_start3A_61 = tpu.memref_slice %arg11[%dma_start3A_59, %dma_start3A_60] : memref<10240x128xf32, #tpu.memory_space<vmem_shared>> -> memref<10240x128xf32, #tpu.memory_space<vmem_shared>>
      tpu.enqueue_indirect_dma source(%arg9 : memref<128x128xf32, #tpu.memory_space<vmem>>) target(%dma_start3A_61 : memref<10240x128xf32, #tpu.memory_space<vmem_shared>>) offsets(%dma_start3A_58 : memref<128xi32, #tpu.memory_space<vmem>>) semaphore(%arg14 : memref<!tpu.dma_semaphore, #tpu.memory_space<semaphore_mem>>) {add = true}
      %dma_wait3A_62 = arith.constant 0 : i32
      %dma_wait3A_63 = tpu.memref_slice %arg7[%add3A_39, %dma_wait3A_62] : memref<40x128xi32, #tpu.memory_space<vmem>> -> memref<1x128xi32, #tpu.memory_space<vmem>>
      %dma_wait3A_64 = tpu.memref_squeeze %dma_wait3A_63 : memref<1x128xi32, #tpu.memory_space<vmem>> -> memref<128xi32, #tpu.memory_space<vmem>>
      %dma_wait3A_65 = arith.constant 0 : i32
      %dma_wait3A_66 = arith.constant 0 : i32
      %dma_wait3A_67 = tpu.memref_slice %arg2[%dma_wait3A_65, %dma_wait3A_66] : memref<10240x128xf32, #tpu.memory_space<hbm>> -> memref<10240x128xf32, #tpu.memory_space<hbm>>
      tpu.wait_indirect_dma semaphore(%arg13 : memref<!tpu.dma_semaphore, #tpu.memory_space<semaphore_mem>>) src(%dma_wait3A_67 : memref<10240x128xf32, #tpu.memory_space<hbm>>) dst(%arg10 : memref<128x128xf32, #tpu.memory_space<vmem>>)
      %dma_start3A_68 = arith.constant 0 : i32
      %dma_start3A_69 = tpu.memref_slice %arg8[%add3A_39, %dma_start3A_68] : memref<40x128xi32, #tpu.memory_space<vmem>> -> memref<1x128xi32, #tpu.memory_space<vmem>>
      %dma_start3A_70 = tpu.memref_squeeze %dma_start3A_69 : memref<1x128xi32, #tpu.memory_space<vmem>> -> memref<128xi32, #tpu.memory_space<vmem>>
      %dma_start3A_71 = arith.constant 0 : i32
      %dma_start3A_72 = arith.constant 0 : i32
      %dma_start3A_73 = tpu.memref_slice %arg11[%dma_start3A_71, %dma_start3A_72] : memref<10240x128xf32, #tpu.memory_space<vmem_shared>> -> memref<10240x128xf32, #tpu.memory_space<vmem_shared>>
      tpu.enqueue_indirect_dma source(%arg10 : memref<128x128xf32, #tpu.memory_space<vmem>>) target(%dma_start3A_73 : memref<10240x128xf32, #tpu.memory_space<vmem_shared>>) offsets(%dma_start3A_70 : memref<128xi32, #tpu.memory_space<vmem>>) semaphore(%arg15 : memref<!tpu.dma_semaphore, #tpu.memory_space<semaphore_mem>>) {add = true}
      %dma_wait3A_74 = arith.constant 0 : i32
      %dma_wait3A_75 = tpu.memref_slice %arg8[%mul3A_37, %dma_wait3A_74] : memref<40x128xi32, #tpu.memory_space<vmem>> -> memref<1x128xi32, #tpu.memory_space<vmem>>
      %dma_wait3A_76 = tpu.memref_squeeze %dma_wait3A_75 : memref<1x128xi32, #tpu.memory_space<vmem>> -> memref<128xi32, #tpu.memory_space<vmem>>
      %dma_wait3A_77 = arith.constant 0 : i32
      %dma_wait3A_78 = arith.constant 0 : i32
      %dma_wait3A_79 = tpu.memref_slice %arg11[%dma_wait3A_77, %dma_wait3A_78] : memref<10240x128xf32, #tpu.memory_space<vmem_shared>> -> memref<10240x128xf32, #tpu.memory_space<vmem_shared>>
      tpu.wait_indirect_dma semaphore(%arg14 : memref<!tpu.dma_semaphore, #tpu.memory_space<semaphore_mem>>) src(%arg9 : memref<128x128xf32, #tpu.memory_space<vmem>>) dst(%dma_wait3A_79 : memref<10240x128xf32, #tpu.memory_space<vmem_shared>>)
      %dma_wait3A_80 = arith.constant 0 : i32
      %dma_wait3A_81 = tpu.memref_slice %arg8[%add3A_39, %dma_wait3A_80] : memref<40x128xi32, #tpu.memory_space<vmem>> -> memref<1x128xi32, #tpu.memory_space<vmem>>
      %dma_wait3A_82 = tpu.memref_squeeze %dma_wait3A_81 : memref<1x128xi32, #tpu.memory_space<vmem>> -> memref<128xi32, #tpu.memory_space<vmem>>
      %dma_wait3A_83 = arith.constant 0 : i32
      %dma_wait3A_84 = arith.constant 0 : i32
      %dma_wait3A_85 = tpu.memref_slice %arg11[%dma_wait3A_83, %dma_wait3A_84] : memref<10240x128xf32, #tpu.memory_space<vmem_shared>> -> memref<10240x128xf32, #tpu.memory_space<vmem_shared>>
      tpu.wait_indirect_dma semaphore(%arg15 : memref<!tpu.dma_semaphore, #tpu.memory_space<semaphore_mem>>) src(%arg10 : memref<128x128xf32, #tpu.memory_space<vmem>>) dst(%dma_wait3A_85 : memref<10240x128xf32, #tpu.memory_space<vmem_shared>>)
    }
    %scan3A_24 = arith.constant 20 : i32
    %barrier3A_25 = arith.constant 0 : index
    tpu.barrier barrier_id(%barrier3A_25)
    %mul3A_26 = arith.constant 640 : i32
    %mul3A_27 = arith.muli %arg1, %mul3A_26 : i32
    %eq3A = arith.constant 0 : i32
    %eq3A_28 = arith.cmpi eq, %arg0, %eq3A : i32
    %convert_element_type3A = arith.extui %eq3A_28 : i1 to i32
    %cond3A = arith.constant 0 : i32
    %cond3A_29 = arith.cmpi ne, %convert_element_type3A, %cond3A : i32
    scf.if %cond3A_29 {
      "tpu.region"() ({
        %run_scoped3A = tpu.sem_alloc : memref<!tpu.dma_semaphore, #tpu.memory_space<semaphore_mem>>
        %dma_start3A = arith.constant 0 : i32
        %dma_start3A_35 = tpu.memref_slice %arg5[%mul3A_27, %dma_start3A] : memref<10240x128xf32, #tpu.memory_space<hbm>> -> memref<640x128xf32, #tpu.memory_space<hbm>>
        %dma_start3A_36 = arith.constant 0 : i32
        %dma_start3A_37 = tpu.memref_slice %arg11[%mul3A_27, %dma_start3A_36] : memref<10240x128xf32, #tpu.memory_space<vmem_shared>> -> memref<640x128xf32, #tpu.memory_space<vmem_shared>>
        tpu.enqueue_dma source(%dma_start3A_37 : memref<640x128xf32, #tpu.memory_space<vmem_shared>>) target(%dma_start3A_35 : memref<640x128xf32, #tpu.memory_space<hbm>>) target_semaphore(%run_scoped3A : memref<!tpu.dma_semaphore, #tpu.memory_space<semaphore_mem>>)
        %dma_wait3A = arith.constant 0 : i32
        %dma_wait3A_38 = tpu.memref_slice %arg5[%mul3A_27, %dma_wait3A] : memref<10240x128xf32, #tpu.memory_space<hbm>> -> memref<640x128xf32, #tpu.memory_space<hbm>>
        %dma_wait3A_39 = arith.constant 0 : i32
        %dma_wait3A_40 = tpu.memref_slice %arg11[%mul3A_27, %dma_wait3A_39] : memref<10240x128xf32, #tpu.memory_space<vmem_shared>> -> memref<640x128xf32, #tpu.memory_space<vmem_shared>>
        tpu.wait_dma2 semaphore(%run_scoped3A : memref<!tpu.dma_semaphore, #tpu.memory_space<semaphore_mem>>) src(%dma_wait3A_40 : memref<640x128xf32, #tpu.memory_space<vmem_shared>>) dst(%dma_wait3A_38 : memref<640x128xf32, #tpu.memory_space<hbm>>)
        tpu.yield
      }) : () -> ()
    } else {
    }
    %eq3A_30 = arith.constant 1 : i32
    %eq3A_31 = arith.cmpi eq, %arg0, %eq3A_30 : i32
    %convert_element_type3A_32 = arith.extui %eq3A_31 : i1 to i32
    %cond3A_33 = arith.constant 0 : i32
    %cond3A_34 = arith.cmpi ne, %convert_element_type3A_32, %cond3A_33 : i32
    scf.if %cond3A_34 {
      "tpu.region"() ({
        %run_scoped3A = tpu.sem_alloc : memref<!tpu.dma_semaphore, #tpu.memory_space<semaphore_mem>>
        %dma_start3A = arith.constant 0 : i32
        %dma_start3A_35 = tpu.memref_slice %arg6[%mul3A_27, %dma_start3A] : memref<10240x128xf32, #tpu.memory_space<hbm>> -> memref<640x128xf32, #tpu.memory_space<hbm>>
        %dma_start3A_36 = arith.constant 0 : i32
        %dma_start3A_37 = tpu.memref_slice %arg11[%mul3A_27, %dma_start3A_36] : memref<10240x128xf32, #tpu.memory_space<vmem_shared>> -> memref<640x128xf32, #tpu.memory_space<vmem_shared>>
        tpu.enqueue_dma source(%dma_start3A_37 : memref<640x128xf32, #tpu.memory_space<vmem_shared>>) target(%dma_start3A_35 : memref<640x128xf32, #tpu.memory_space<hbm>>) target_semaphore(%run_scoped3A : memref<!tpu.dma_semaphore, #tpu.memory_space<semaphore_mem>>)
        %dma_wait3A = arith.constant 0 : i32
        %dma_wait3A_38 = tpu.memref_slice %arg6[%mul3A_27, %dma_wait3A] : memref<10240x128xf32, #tpu.memory_space<hbm>> -> memref<640x128xf32, #tpu.memory_space<hbm>>
        %dma_wait3A_39 = arith.constant 0 : i32
        %dma_wait3A_40 = tpu.memref_slice %arg11[%mul3A_27, %dma_wait3A_39] : memref<10240x128xf32, #tpu.memory_space<vmem_shared>> -> memref<640x128xf32, #tpu.memory_space<vmem_shared>>
        tpu.wait_dma2 semaphore(%run_scoped3A : memref<!tpu.dma_semaphore, #tpu.memory_space<semaphore_mem>>) src(%dma_wait3A_40 : memref<640x128xf32, #tpu.memory_space<vmem_shared>>) dst(%dma_wait3A_38 : memref<640x128xf32, #tpu.memory_space<hbm>>)
        tpu.yield
      }) : () -> ()
    } else {
    }
    return
  }
}

#map = affine_map<(d0, d1) -> (0, 0, 0)>
#map1 = affine_map<(d0, d1) -> (0, 0)>
module attributes {stable_mosaic.version = 14 : i64} {
  func.func @_sc_degree_body(%arg0: i32, %arg1: i32, %arg2: memref<32x80x128xi32, #tpu.memory_space<hbm>>, %arg3: memref<32x10240xf32, #tpu.memory_space<hbm>>, %arg4: memref<80x128xi32, #tpu.memory_space<vmem>>, %arg5: memref<10240xf32, #tpu.memory_space<vmem>>) attributes {dimension_semantics = [#tpu.dimension_semantics<core_parallel>, #tpu.dimension_semantics<subcore_parallel>], iteration_bounds = array<i64: 2, 16>, scalar_prefetch = 0 : i64, scratch_operands = 2 : i64, tpu.core_type = #tpu.core_type<sc_vector_subcore>, window_params = [{transform_indices = #map}, {transform_indices = #map1}]} {
    %mul3A = arith.constant 16 : i32
    %mul3A_0 = arith.muli %arg0, %mul3A : i32
    %add3A = arith.addi %mul3A_0, %arg1 : i32
    %broadcast_in_dim3A = arith.constant 0.000000e+00 : f32
    %broadcast_in_dim3A_1 = vector.broadcast %broadcast_in_dim3A : f32 to vector<16xf32>
    %broadcast_in_dim3A_2 = arith.constant 1.000000e+00 : f32
    %broadcast_in_dim3A_3 = vector.broadcast %broadcast_in_dim3A_2 : f32 to vector<16xf32>
    %scan3A = arith.constant 0 : i32
    %scan3A_4 = arith.constant 0 : i32
    %scan3A_5 = arith.constant 640 : i32
    %scan3A_6 = arith.addi %scan3A_4, %scan3A_5 : i32
    %scan3A_7 = arith.constant 1 : i32
    scf.for %scan3A_15 = %scan3A_4 to %scan3A_6 step %scan3A_7  : i32 {
      %mul3A_16 = arith.constant 16 : i32
      %mul3A_17 = arith.muli %scan3A_15, %mul3A_16 : i32
      %swap3A = arith.index_cast %mul3A_17 : i32 to index
      %swap3A_18 = tpu.vector_load %arg5[%swap3A] {strides = array<i32>} : memref<10240xf32, #tpu.memory_space<vmem>>, vector<16xf32>,
      tpu.vector_store %arg5[%swap3A], %broadcast_in_dim3A_1 {strides = array<i32>} : memref<10240xf32, #tpu.memory_space<vmem>>, vector<16xf32>,
    }
    %scan3A_8 = arith.constant 640 : i32
    "tpu.region"() ({
      %run_scoped3A = tpu.sem_alloc : memref<!tpu.dma_semaphore, #tpu.memory_space<semaphore_mem>>
      %dma_start3A = arith.constant 0 : i32
      %dma_start3A_15 = arith.constant 0 : i32
      %dma_start3A_16 = tpu.memref_slice %arg2[%add3A, %dma_start3A, %dma_start3A_15] : memref<32x80x128xi32, #tpu.memory_space<hbm>> -> memref<1x80x128xi32, #tpu.memory_space<hbm>>
      %dma_start3A_17 = tpu.memref_squeeze %dma_start3A_16 : memref<1x80x128xi32, #tpu.memory_space<hbm>> -> memref<80x128xi32, #tpu.memory_space<hbm>>
      %dma_start3A_18 = arith.constant 0 : i32
      %dma_start3A_19 = arith.constant 0 : i32
      %dma_start3A_20 = tpu.memref_slice %arg2[%add3A, %dma_start3A_18, %dma_start3A_19] : memref<32x80x128xi32, #tpu.memory_space<hbm>> -> memref<1x80x128xi32, #tpu.memory_space<hbm>>
      %dma_start3A_21 = tpu.memref_squeeze %dma_start3A_20 : memref<1x80x128xi32, #tpu.memory_space<hbm>> -> memref<80x128xi32, #tpu.memory_space<hbm>>
      tpu.enqueue_dma source(%dma_start3A_21 : memref<80x128xi32, #tpu.memory_space<hbm>>) target(%arg4 : memref<80x128xi32, #tpu.memory_space<vmem>>) target_semaphore(%run_scoped3A : memref<!tpu.dma_semaphore, #tpu.memory_space<semaphore_mem>>)
      %dma_wait3A = arith.constant 0 : i32
      %dma_wait3A_22 = arith.constant 0 : i32
      %dma_wait3A_23 = tpu.memref_slice %arg2[%add3A, %dma_wait3A, %dma_wait3A_22] : memref<32x80x128xi32, #tpu.memory_space<hbm>> -> memref<1x80x128xi32, #tpu.memory_space<hbm>>
      %dma_wait3A_24 = tpu.memref_squeeze %dma_wait3A_23 : memref<1x80x128xi32, #tpu.memory_space<hbm>> -> memref<80x128xi32, #tpu.memory_space<hbm>>
      %dma_wait3A_25 = arith.constant 0 : i32
      %dma_wait3A_26 = arith.constant 0 : i32
      %dma_wait3A_27 = tpu.memref_slice %arg2[%add3A, %dma_wait3A_25, %dma_wait3A_26] : memref<32x80x128xi32, #tpu.memory_space<hbm>> -> memref<1x80x128xi32, #tpu.memory_space<hbm>>
      %dma_wait3A_28 = tpu.memref_squeeze %dma_wait3A_27 : memref<1x80x128xi32, #tpu.memory_space<hbm>> -> memref<80x128xi32, #tpu.memory_space<hbm>>
      tpu.wait_dma2 semaphore(%run_scoped3A : memref<!tpu.dma_semaphore, #tpu.memory_space<semaphore_mem>>) src(%dma_wait3A_28 : memref<80x128xi32, #tpu.memory_space<hbm>>) dst(%arg4 : memref<80x128xi32, #tpu.memory_space<vmem>>)
      tpu.yield
    }) : () -> ()
    %scan3A_9 = arith.constant 0 : i32
    %scan3A_10 = arith.constant 0 : i32
    %scan3A_11 = arith.constant 80 : i32
    %scan3A_12 = arith.addi %scan3A_10, %scan3A_11 : i32
    %scan3A_13 = arith.constant 1 : i32
    scf.for %scan3A_15 = %scan3A_10 to %scan3A_12 step %scan3A_13  : i32 {
      %get3A = arith.index_cast %scan3A_15 : i32 to index
      %get3A_16 = arith.constant 0 : index
      %get3A_17 = tpu.vector_load %arg4[%get3A, %get3A_16] {strides = array<i32>} : memref<80x128xi32, #tpu.memory_space<vmem>>, vector<16xi32>,
      tpu.vector_store_idx %arg5[%get3A_17], %broadcast_in_dim3A_3 {add = true} : memref<10240xf32, #tpu.memory_space<vmem>>[vector<16xi32>], vector<16xf32>,
      %get3A_18 = arith.index_cast %scan3A_15 : i32 to index
      %get3A_19 = arith.constant 16 : index
      %get3A_20 = tpu.vector_load %arg4[%get3A_18, %get3A_19] {strides = array<i32>} : memref<80x128xi32, #tpu.memory_space<vmem>>, vector<16xi32>,
      tpu.vector_store_idx %arg5[%get3A_20], %broadcast_in_dim3A_3 {add = true} : memref<10240xf32, #tpu.memory_space<vmem>>[vector<16xi32>], vector<16xf32>,
      %get3A_21 = arith.index_cast %scan3A_15 : i32 to index
      %get3A_22 = arith.constant 32 : index
      %get3A_23 = tpu.vector_load %arg4[%get3A_21, %get3A_22] {strides = array<i32>} : memref<80x128xi32, #tpu.memory_space<vmem>>, vector<16xi32>,
      tpu.vector_store_idx %arg5[%get3A_23], %broadcast_in_dim3A_3 {add = true} : memref<10240xf32, #tpu.memory_space<vmem>>[vector<16xi32>], vector<16xf32>,
      %get3A_24 = arith.index_cast %scan3A_15 : i32 to index
      %get3A_25 = arith.constant 48 : index
      %get3A_26 = tpu.vector_load %arg4[%get3A_24, %get3A_25] {strides = array<i32>} : memref<80x128xi32, #tpu.memory_space<vmem>>, vector<16xi32>,
      tpu.vector_store_idx %arg5[%get3A_26], %broadcast_in_dim3A_3 {add = true} : memref<10240xf32, #tpu.memory_space<vmem>>[vector<16xi32>], vector<16xf32>,
      %get3A_27 = arith.index_cast %scan3A_15 : i32 to index
      %get3A_28 = arith.constant 64 : index
      %get3A_29 = tpu.vector_load %arg4[%get3A_27, %get3A_28] {strides = array<i32>} : memref<80x128xi32, #tpu.memory_space<vmem>>, vector<16xi32>,
      tpu.vector_store_idx %arg5[%get3A_29], %broadcast_in_dim3A_3 {add = true} : memref<10240xf32, #tpu.memory_space<vmem>>[vector<16xi32>], vector<16xf32>,
      %get3A_30 = arith.index_cast %scan3A_15 : i32 to index
      %get3A_31 = arith.constant 80 : index
      %get3A_32 = tpu.vector_load %arg4[%get3A_30, %get3A_31] {strides = array<i32>} : memref<80x128xi32, #tpu.memory_space<vmem>>, vector<16xi32>,
      tpu.vector_store_idx %arg5[%get3A_32], %broadcast_in_dim3A_3 {add = true} : memref<10240xf32, #tpu.memory_space<vmem>>[vector<16xi32>], vector<16xf32>,
      %get3A_33 = arith.index_cast %scan3A_15 : i32 to index
      %get3A_34 = arith.constant 96 : index
      %get3A_35 = tpu.vector_load %arg4[%get3A_33, %get3A_34] {strides = array<i32>} : memref<80x128xi32, #tpu.memory_space<vmem>>, vector<16xi32>,
      tpu.vector_store_idx %arg5[%get3A_35], %broadcast_in_dim3A_3 {add = true} : memref<10240xf32, #tpu.memory_space<vmem>>[vector<16xi32>], vector<16xf32>,
      %get3A_36 = arith.index_cast %scan3A_15 : i32 to index
      %get3A_37 = arith.constant 112 : index
      %get3A_38 = tpu.vector_load %arg4[%get3A_36, %get3A_37] {strides = array<i32>} : memref<80x128xi32, #tpu.memory_space<vmem>>, vector<16xi32>,
      tpu.vector_store_idx %arg5[%get3A_38], %broadcast_in_dim3A_3 {add = true} : memref<10240xf32, #tpu.memory_space<vmem>>[vector<16xi32>], vector<16xf32>,
    }
    %scan3A_14 = arith.constant 80 : i32
    "tpu.region"() ({
      %run_scoped3A = tpu.sem_alloc : memref<!tpu.dma_semaphore, #tpu.memory_space<semaphore_mem>>
      %dma_start3A = arith.constant 0 : i32
      %dma_start3A_15 = tpu.memref_slice %arg3[%add3A, %dma_start3A] : memref<32x10240xf32, #tpu.memory_space<hbm>> -> memref<1x10240xf32, #tpu.memory_space<hbm>>
      %dma_start3A_16 = tpu.memref_squeeze %dma_start3A_15 : memref<1x10240xf32, #tpu.memory_space<hbm>> -> memref<10240xf32, #tpu.memory_space<hbm>>
      %dma_start3A_17 = arith.constant 0 : i32
      %dma_start3A_18 = tpu.memref_slice %arg3[%add3A, %dma_start3A_17] : memref<32x10240xf32, #tpu.memory_space<hbm>> -> memref<1x10240xf32, #tpu.memory_space<hbm>>
      %dma_start3A_19 = tpu.memref_squeeze %dma_start3A_18 : memref<1x10240xf32, #tpu.memory_space<hbm>> -> memref<10240xf32, #tpu.memory_space<hbm>>
      tpu.enqueue_dma source(%arg5 : memref<10240xf32, #tpu.memory_space<vmem>>) target(%dma_start3A_19 : memref<10240xf32, #tpu.memory_space<hbm>>) target_semaphore(%run_scoped3A : memref<!tpu.dma_semaphore, #tpu.memory_space<semaphore_mem>>)
      %dma_wait3A = arith.constant 0 : i32
      %dma_wait3A_20 = tpu.memref_slice %arg3[%add3A, %dma_wait3A] : memref<32x10240xf32, #tpu.memory_space<hbm>> -> memref<1x10240xf32, #tpu.memory_space<hbm>>
      %dma_wait3A_21 = tpu.memref_squeeze %dma_wait3A_20 : memref<1x10240xf32, #tpu.memory_space<hbm>> -> memref<10240xf32, #tpu.memory_space<hbm>>
      %dma_wait3A_22 = arith.constant 0 : i32
      %dma_wait3A_23 = tpu.memref_slice %arg3[%add3A, %dma_wait3A_22] : memref<32x10240xf32, #tpu.memory_space<hbm>> -> memref<1x10240xf32, #tpu.memory_space<hbm>>
      %dma_wait3A_24 = tpu.memref_squeeze %dma_wait3A_23 : memref<1x10240xf32, #tpu.memory_space<hbm>> -> memref<10240xf32, #tpu.memory_space<hbm>>
      tpu.wait_dma2 semaphore(%run_scoped3A : memref<!tpu.dma_semaphore, #tpu.memory_space<semaphore_mem>>) src(%arg5 : memref<10240xf32, #tpu.memory_space<vmem>>) dst(%dma_wait3A_24 : memref<10240xf32, #tpu.memory_space<hbm>>)
      tpu.yield
    }) : () -> ()
    return
  }
}

#map = affine_map<(d0, d1) -> (0, 0)>
#map1 = affine_map<(d0, d1) -> (0, 0, 0)>
module attributes {stable_mosaic.version = 14 : i64} {
  func.func @_sc_agg_body(%arg0: i32, %arg1: i32, %arg2: memref<10240x128xf32, #tpu.memory_space<hbm>>, %arg3: memref<32x80x128xi32, #tpu.memory_space<hbm>>, %arg4: memref<32x80x128xi32, #tpu.memory_space<hbm>>, %arg5: memref<10240x128xf32, #tpu.memory_space<hbm>>, %arg6: memref<10240x128xf32, #tpu.memory_space<hbm>>, %arg7: memref<40x128xi32, #tpu.memory_space<vmem>>, %arg8: memref<40x128xi32, #tpu.memory_space<vmem>>, %arg9: memref<128x128xf32, #tpu.memory_space<vmem>>, %arg10: memref<128x128xf32, #tpu.memory_space<vmem>>, %arg11: memref<10240x128xf32, #tpu.memory_space<vmem_shared>>, %arg12: memref<!tpu.dma_semaphore, #tpu.memory_space<semaphore_mem>>, %arg13: memref<!tpu.dma_semaphore, #tpu.memory_space<semaphore_mem>>, %arg14: memref<!tpu.dma_semaphore, #tpu.memory_space<semaphore_mem>>, %arg15: memref<!tpu.dma_semaphore, #tpu.memory_space<semaphore_mem>>) attributes {dimension_semantics = [#tpu.dimension_semantics<core_parallel>, #tpu.dimension_semantics<subcore_parallel>], iteration_bounds = array<i64: 2, 16>, scalar_prefetch = 0 : i64, scratch_operands = 9 : i64, tpu.core_type = #tpu.core_type<sc_vector_subcore>, window_params = [{transform_indices = #map}, {transform_indices = #map1}, {transform_indices = #map1}, {transform_indices = #map}, {transform_indices = #map}]} {
    %mul3A = arith.constant 16 : i32
    %mul3A_0 = arith.muli %arg0, %mul3A : i32
    %add3A = arith.addi %mul3A_0, %arg1 : i32
    %broadcast_in_dim3A = arith.constant 0.000000e+00 : f32
    %broadcast_in_dim3A_1 = vector.broadcast %broadcast_in_dim3A : f32 to vector<16xf32>
    %scan3A = arith.constant 0 : i32
    %scan3A_2 = arith.constant 0 : i32
    %scan3A_3 = arith.constant 128 : i32
    %scan3A_4 = arith.addi %scan3A_2, %scan3A_3 : i32
    %scan3A_5 = arith.constant 1 : i32
    scf.for %scan3A_35 = %scan3A_2 to %scan3A_4 step %scan3A_5  : i32 {
      %swap3A = arith.index_cast %scan3A_35 : i32 to index
      %swap3A_36 = arith.constant 0 : index
      %swap3A_37 = tpu.vector_load %arg9[%swap3A, %swap3A_36] {strides = array<i32>} : memref<128x128xf32, #tpu.memory_space<vmem>>, vector<16xf32>,
      tpu.vector_store %arg9[%swap3A, %swap3A_36], %broadcast_in_dim3A_1 {strides = array<i32>} : memref<128x128xf32, #tpu.memory_space<vmem>>, vector<16xf32>,
      %swap3A_38 = arith.index_cast %scan3A_35 : i32 to index
      %swap3A_39 = arith.constant 16 : index
      %swap3A_40 = tpu.vector_load %arg9[%swap3A_38, %swap3A_39] {strides = array<i32>} : memref<128x128xf32, #tpu.memory_space<vmem>>, vector<16xf32>,
      tpu.vector_store %arg9[%swap3A_38, %swap3A_39], %broadcast_in_dim3A_1 {strides = array<i32>} : memref<128x128xf32, #tpu.memory_space<vmem>>, vector<16xf32>,
      %swap3A_41 = arith.index_cast %scan3A_35 : i32 to index
      %swap3A_42 = arith.constant 32 : index
      %swap3A_43 = tpu.vector_load %arg9[%swap3A_41, %swap3A_42] {strides = array<i32>} : memref<128x128xf32, #tpu.memory_space<vmem>>, vector<16xf32>,
      tpu.vector_store %arg9[%swap3A_41, %swap3A_42], %broadcast_in_dim3A_1 {strides = array<i32>} : memref<128x128xf32, #tpu.memory_space<vmem>>, vector<16xf32>,
      %swap3A_44 = arith.index_cast %scan3A_35 : i32 to index
      %swap3A_45 = arith.constant 48 : index
      %swap3A_46 = tpu.vector_load %arg9[%swap3A_44, %swap3A_45] {strides = array<i32>} : memref<128x128xf32, #tpu.memory_space<vmem>>, vector<16xf32>,
      tpu.vector_store %arg9[%swap3A_44, %swap3A_45], %broadcast_in_dim3A_1 {strides = array<i32>} : memref<128x128xf32, #tpu.memory_space<vmem>>, vector<16xf32>,
      %swap3A_47 = arith.index_cast %scan3A_35 : i32 to index
      %swap3A_48 = arith.constant 64 : index
      %swap3A_49 = tpu.vector_load %arg9[%swap3A_47, %swap3A_48] {strides = array<i32>} : memref<128x128xf32, #tpu.memory_space<vmem>>, vector<16xf32>,
      tpu.vector_store %arg9[%swap3A_47, %swap3A_48], %broadcast_in_dim3A_1 {strides = array<i32>} : memref<128x128xf32, #tpu.memory_space<vmem>>, vector<16xf32>,
      %swap3A_50 = arith.index_cast %scan3A_35 : i32 to index
      %swap3A_51 = arith.constant 80 : index
      %swap3A_52 = tpu.vector_load %arg9[%swap3A_50, %swap3A_51] {strides = array<i32>} : memref<128x128xf32, #tpu.memory_space<vmem>>, vector<16xf32>,
      tpu.vector_store %arg9[%swap3A_50, %swap3A_51], %broadcast_in_dim3A_1 {strides = array<i32>} : memref<128x128xf32, #tpu.memory_space<vmem>>, vector<16xf32>,
      %swap3A_53 = arith.index_cast %scan3A_35 : i32 to index
      %swap3A_54 = arith.constant 96 : index
      %swap3A_55 = tpu.vector_load %arg9[%swap3A_53, %swap3A_54] {strides = array<i32>} : memref<128x128xf32, #tpu.memory_space<vmem>>, vector<16xf32>,
      tpu.vector_store %arg9[%swap3A_53, %swap3A_54], %broadcast_in_dim3A_1 {strides = array<i32>} : memref<128x128xf32, #tpu.memory_space<vmem>>, vector<16xf32>,
      %swap3A_56 = arith.index_cast %scan3A_35 : i32 to index
      %swap3A_57 = arith.constant 112 : index
      %swap3A_58 = tpu.vector_load %arg9[%swap3A_56, %swap3A_57] {strides = array<i32>} : memref<128x128xf32, #tpu.memory_space<vmem>>, vector<16xf32>,
      tpu.vector_store %arg9[%swap3A_56, %swap3A_57], %broadcast_in_dim3A_1 {strides = array<i32>} : memref<128x128xf32, #tpu.memory_space<vmem>>, vector<16xf32>,
    }
    %scan3A_6 = arith.constant 128 : i32
    %scan3A_7 = arith.constant 0 : i32
    %scan3A_8 = arith.constant 0 : i32
    %scan3A_9 = arith.constant 5 : i32
    %scan3A_10 = arith.addi %scan3A_8, %scan3A_9 : i32
    %scan3A_11 = arith.constant 1 : i32
    scf.for %scan3A_35 = %scan3A_8 to %scan3A_10 step %scan3A_11  : i32 {
      %mul3A_36 = arith.constant 640 : i32
      %mul3A_37 = arith.muli %arg1, %mul3A_36 : i32
      %mul3A_38 = arith.constant 128 : i32
      %mul3A_39 = arith.muli %scan3A_35, %mul3A_38 : i32
      %add3A_40 = arith.addi %mul3A_37, %mul3A_39 : i32
      "tpu.region"() ({
        %run_scoped3A = tpu.sem_alloc : memref<!tpu.dma_semaphore, #tpu.memory_space<semaphore_mem>>
        %dma_start3A = arith.constant 0 : i32
        %dma_start3A_41 = tpu.memref_slice %arg11[%add3A_40, %dma_start3A] : memref<10240x128xf32, #tpu.memory_space<vmem_shared>> -> memref<128x128xf32, #tpu.memory_space<vmem_shared>>
        %dma_start3A_42 = arith.constant 0 : i32
        %dma_start3A_43 = tpu.memref_slice %arg11[%add3A_40, %dma_start3A_42] : memref<10240x128xf32, #tpu.memory_space<vmem_shared>> -> memref<128x128xf32, #tpu.memory_space<vmem_shared>>
        tpu.enqueue_dma source(%arg9 : memref<128x128xf32, #tpu.memory_space<vmem>>) target(%dma_start3A_43 : memref<128x128xf32, #tpu.memory_space<vmem_shared>>) target_semaphore(%run_scoped3A : memref<!tpu.dma_semaphore, #tpu.memory_space<semaphore_mem>>)
        %dma_wait3A = arith.constant 0 : i32
        %dma_wait3A_44 = tpu.memref_slice %arg11[%add3A_40, %dma_wait3A] : memref<10240x128xf32, #tpu.memory_space<vmem_shared>> -> memref<128x128xf32, #tpu.memory_space<vmem_shared>>
        %dma_wait3A_45 = arith.constant 0 : i32
        %dma_wait3A_46 = tpu.memref_slice %arg11[%add3A_40, %dma_wait3A_45] : memref<10240x128xf32, #tpu.memory_space<vmem_shared>> -> memref<128x128xf32, #tpu.memory_space<vmem_shared>>
        tpu.wait_dma2 semaphore(%run_scoped3A : memref<!tpu.dma_semaphore, #tpu.memory_space<semaphore_mem>>) src(%arg9 : memref<128x128xf32, #tpu.memory_space<vmem>>) dst(%dma_wait3A_46 : memref<128x128xf32, #tpu.memory_space<vmem_shared>>)
        tpu.yield
      }) : () -> ()
    }
    %scan3A_12 = arith.constant 5 : i32
    %barrier3A = arith.constant 0 : index
    tpu.barrier barrier_id(%barrier3A)
    "tpu.region"() ({
      %run_scoped3A = tpu.sem_alloc : memref<!tpu.dma_semaphore, #tpu.memory_space<semaphore_mem>>
      %dma_start3A = arith.constant 0 : i32
      %dma_start3A_35 = arith.constant 0 : i32
      %dma_start3A_36 = tpu.memref_slice %arg3[%add3A, %dma_start3A, %dma_start3A_35] : memref<32x80x128xi32, #tpu.memory_space<hbm>> -> memref<1x40x128xi32, #tpu.memory_space<hbm>>
      %dma_start3A_37 = tpu.memref_squeeze %dma_start3A_36 : memref<1x40x128xi32, #tpu.memory_space<hbm>> -> memref<40x128xi32, #tpu.memory_space<hbm>>
      %dma_start3A_38 = arith.constant 0 : i32
      %dma_start3A_39 = arith.constant 0 : i32
      %dma_start3A_40 = tpu.memref_slice %arg3[%add3A, %dma_start3A_38, %dma_start3A_39] : memref<32x80x128xi32, #tpu.memory_space<hbm>> -> memref<1x40x128xi32, #tpu.memory_space<hbm>>
      %dma_start3A_41 = tpu.memref_squeeze %dma_start3A_40 : memref<1x40x128xi32, #tpu.memory_space<hbm>> -> memref<40x128xi32, #tpu.memory_space<hbm>>
      tpu.enqueue_dma source(%dma_start3A_41 : memref<40x128xi32, #tpu.memory_space<hbm>>) target(%arg7 : memref<40x128xi32, #tpu.memory_space<vmem>>) target_semaphore(%run_scoped3A : memref<!tpu.dma_semaphore, #tpu.memory_space<semaphore_mem>>)
      %dma_wait3A = arith.constant 0 : i32
      %dma_wait3A_42 = arith.constant 0 : i32
      %dma_wait3A_43 = tpu.memref_slice %arg3[%add3A, %dma_wait3A, %dma_wait3A_42] : memref<32x80x128xi32, #tpu.memory_space<hbm>> -> memref<1x40x128xi32, #tpu.memory_space<hbm>>
      %dma_wait3A_44 = tpu.memref_squeeze %dma_wait3A_43 : memref<1x40x128xi32, #tpu.memory_space<hbm>> -> memref<40x128xi32, #tpu.memory_space<hbm>>
      %dma_wait3A_45 = arith.constant 0 : i32
      %dma_wait3A_46 = arith.constant 0 : i32
      %dma_wait3A_47 = tpu.memref_slice %arg3[%add3A, %dma_wait3A_45, %dma_wait3A_46] : memref<32x80x128xi32, #tpu.memory_space<hbm>> -> memref<1x40x128xi32, #tpu.memory_space<hbm>>
      %dma_wait3A_48 = tpu.memref_squeeze %dma_wait3A_47 : memref<1x40x128xi32, #tpu.memory_space<hbm>> -> memref<40x128xi32, #tpu.memory_space<hbm>>
      tpu.wait_dma2 semaphore(%run_scoped3A : memref<!tpu.dma_semaphore, #tpu.memory_space<semaphore_mem>>) src(%dma_wait3A_48 : memref<40x128xi32, #tpu.memory_space<hbm>>) dst(%arg7 : memref<40x128xi32, #tpu.memory_space<vmem>>)
      tpu.yield
    }) : () -> ()
    "tpu.region"() ({
      %run_scoped3A = tpu.sem_alloc : memref<!tpu.dma_semaphore, #tpu.memory_space<semaphore_mem>>
      %dma_start3A = arith.constant 0 : i32
      %dma_start3A_35 = arith.constant 0 : i32
      %dma_start3A_36 = tpu.memref_slice %arg4[%add3A, %dma_start3A, %dma_start3A_35] : memref<32x80x128xi32, #tpu.memory_space<hbm>> -> memref<1x40x128xi32, #tpu.memory_space<hbm>>
      %dma_start3A_37 = tpu.memref_squeeze %dma_start3A_36 : memref<1x40x128xi32, #tpu.memory_space<hbm>> -> memref<40x128xi32, #tpu.memory_space<hbm>>
      %dma_start3A_38 = arith.constant 0 : i32
      %dma_start3A_39 = arith.constant 0 : i32
      %dma_start3A_40 = tpu.memref_slice %arg4[%add3A, %dma_start3A_38, %dma_start3A_39] : memref<32x80x128xi32, #tpu.memory_space<hbm>> -> memref<1x40x128xi32, #tpu.memory_space<hbm>>
      %dma_start3A_41 = tpu.memref_squeeze %dma_start3A_40 : memref<1x40x128xi32, #tpu.memory_space<hbm>> -> memref<40x128xi32, #tpu.memory_space<hbm>>
      tpu.enqueue_dma source(%dma_start3A_41 : memref<40x128xi32, #tpu.memory_space<hbm>>) target(%arg8 : memref<40x128xi32, #tpu.memory_space<vmem>>) target_semaphore(%run_scoped3A : memref<!tpu.dma_semaphore, #tpu.memory_space<semaphore_mem>>)
      %dma_wait3A = arith.constant 0 : i32
      %dma_wait3A_42 = arith.constant 0 : i32
      %dma_wait3A_43 = tpu.memref_slice %arg4[%add3A, %dma_wait3A, %dma_wait3A_42] : memref<32x80x128xi32, #tpu.memory_space<hbm>> -> memref<1x40x128xi32, #tpu.memory_space<hbm>>
      %dma_wait3A_44 = tpu.memref_squeeze %dma_wait3A_43 : memref<1x40x128xi32, #tpu.memory_space<hbm>> -> memref<40x128xi32, #tpu.memory_space<hbm>>
      %dma_wait3A_45 = arith.constant 0 : i32
      %dma_wait3A_46 = arith.constant 0 : i32
      %dma_wait3A_47 = tpu.memref_slice %arg4[%add3A, %dma_wait3A_45, %dma_wait3A_46] : memref<32x80x128xi32, #tpu.memory_space<hbm>> -> memref<1x40x128xi32, #tpu.memory_space<hbm>>
      %dma_wait3A_48 = tpu.memref_squeeze %dma_wait3A_47 : memref<1x40x128xi32, #tpu.memory_space<hbm>> -> memref<40x128xi32, #tpu.memory_space<hbm>>
      tpu.wait_dma2 semaphore(%run_scoped3A : memref<!tpu.dma_semaphore, #tpu.memory_space<semaphore_mem>>) src(%dma_wait3A_48 : memref<40x128xi32, #tpu.memory_space<hbm>>) dst(%arg8 : memref<40x128xi32, #tpu.memory_space<vmem>>)
      tpu.yield
    }) : () -> ()
    %scan3A_13 = arith.constant 0 : i32
    %scan3A_14 = arith.constant 0 : i32
    %scan3A_15 = arith.constant 20 : i32
    %scan3A_16 = arith.addi %scan3A_14, %scan3A_15 : i32
    %scan3A_17 = arith.constant 1 : i32
    scf.for %scan3A_35 = %scan3A_14 to %scan3A_16 step %scan3A_17  : i32 {
      %mul3A_36 = arith.constant 2 : i32
      %mul3A_37 = arith.muli %mul3A_36, %scan3A_35 : i32
      %add3A_38 = arith.constant 1 : i32
      %add3A_39 = arith.addi %mul3A_37, %add3A_38 : i32
      %dma_start3A = arith.constant 0 : i32
      %dma_start3A_40 = tpu.memref_slice %arg7[%mul3A_37, %dma_start3A] : memref<40x128xi32, #tpu.memory_space<vmem>> -> memref<1x128xi32, #tpu.memory_space<vmem>>
      %dma_start3A_41 = tpu.memref_squeeze %dma_start3A_40 : memref<1x128xi32, #tpu.memory_space<vmem>> -> memref<128xi32, #tpu.memory_space<vmem>>
      %dma_start3A_42 = arith.constant 0 : i32
      %dma_start3A_43 = arith.constant 0 : i32
      %dma_start3A_44 = tpu.memref_slice %arg2[%dma_start3A_42, %dma_start3A_43] : memref<10240x128xf32, #tpu.memory_space<hbm>> -> memref<10240x128xf32, #tpu.memory_space<hbm>>
      tpu.enqueue_indirect_dma source(%dma_start3A_44 : memref<10240x128xf32, #tpu.memory_space<hbm>>) target(%arg9 : memref<128x128xf32, #tpu.memory_space<vmem>>) offsets(%dma_start3A_41 : memref<128xi32, #tpu.memory_space<vmem>>) semaphore(%arg12 : memref<!tpu.dma_semaphore, #tpu.memory_space<semaphore_mem>>)
      %dma_start3A_45 = arith.constant 0 : i32
      %dma_start3A_46 = tpu.memref_slice %arg7[%add3A_39, %dma_start3A_45] : memref<40x128xi32, #tpu.memory_space<vmem>> -> memref<1x128xi32, #tpu.memory_space<vmem>>
      %dma_start3A_47 = tpu.memref_squeeze %dma_start3A_46 : memref<1x128xi32, #tpu.memory_space<vmem>> -> memref<128xi32, #tpu.memory_space<vmem>>
      %dma_start3A_48 = arith.constant 0 : i32
      %dma_start3A_49 = arith.constant 0 : i32
      %dma_start3A_50 = tpu.memref_slice %arg2[%dma_start3A_48, %dma_start3A_49] : memref<10240x128xf32, #tpu.memory_space<hbm>> -> memref<10240x128xf32, #tpu.memory_space<hbm>>
      tpu.enqueue_indirect_dma source(%dma_start3A_50 : memref<10240x128xf32, #tpu.memory_space<hbm>>) target(%arg10 : memref<128x128xf32, #tpu.memory_space<vmem>>) offsets(%dma_start3A_47 : memref<128xi32, #tpu.memory_space<vmem>>) semaphore(%arg13 : memref<!tpu.dma_semaphore, #tpu.memory_space<semaphore_mem>>)
      %dma_wait3A = arith.constant 0 : i32
      %dma_wait3A_51 = tpu.memref_slice %arg7[%mul3A_37, %dma_wait3A] : memref<40x128xi32, #tpu.memory_space<vmem>> -> memref<1x128xi32, #tpu.memory_space<vmem>>
      %dma_wait3A_52 = tpu.memref_squeeze %dma_wait3A_51 : memref<1x128xi32, #tpu.memory_space<vmem>> -> memref<128xi32, #tpu.memory_space<vmem>>
      %dma_wait3A_53 = arith.constant 0 : i32
      %dma_wait3A_54 = arith.constant 0 : i32
      %dma_wait3A_55 = tpu.memref_slice %arg2[%dma_wait3A_53, %dma_wait3A_54] : memref<10240x128xf32, #tpu.memory_space<hbm>> -> memref<10240x128xf32, #tpu.memory_space<hbm>>
      tpu.wait_indirect_dma semaphore(%arg12 : memref<!tpu.dma_semaphore, #tpu.memory_space<semaphore_mem>>) src(%dma_wait3A_55 : memref<10240x128xf32, #tpu.memory_space<hbm>>) dst(%arg9 : memref<128x128xf32, #tpu.memory_space<vmem>>)
      %dma_start3A_56 = arith.constant 0 : i32
      %dma_start3A_57 = tpu.memref_slice %arg8[%mul3A_37, %dma_start3A_56] : memref<40x128xi32, #tpu.memory_space<vmem>> -> memref<1x128xi32, #tpu.memory_space<vmem>>
      %dma_start3A_58 = tpu.memref_squeeze %dma_start3A_57 : memref<1x128xi32, #tpu.memory_space<vmem>> -> memref<128xi32, #tpu.memory_space<vmem>>
      %dma_start3A_59 = arith.constant 0 : i32
      %dma_start3A_60 = arith.constant 0 : i32
      %dma_start3A_61 = tpu.memref_slice %arg11[%dma_start3A_59, %dma_start3A_60] : memref<10240x128xf32, #tpu.memory_space<vmem_shared>> -> memref<10240x128xf32, #tpu.memory_space<vmem_shared>>
      tpu.enqueue_indirect_dma source(%arg9 : memref<128x128xf32, #tpu.memory_space<vmem>>) target(%dma_start3A_61 : memref<10240x128xf32, #tpu.memory_space<vmem_shared>>) offsets(%dma_start3A_58 : memref<128xi32, #tpu.memory_space<vmem>>) semaphore(%arg14 : memref<!tpu.dma_semaphore, #tpu.memory_space<semaphore_mem>>) {add = true}
      %dma_wait3A_62 = arith.constant 0 : i32
      %dma_wait3A_63 = tpu.memref_slice %arg7[%add3A_39, %dma_wait3A_62] : memref<40x128xi32, #tpu.memory_space<vmem>> -> memref<1x128xi32, #tpu.memory_space<vmem>>
      %dma_wait3A_64 = tpu.memref_squeeze %dma_wait3A_63 : memref<1x128xi32, #tpu.memory_space<vmem>> -> memref<128xi32, #tpu.memory_space<vmem>>
      %dma_wait3A_65 = arith.constant 0 : i32
      %dma_wait3A_66 = arith.constant 0 : i32
      %dma_wait3A_67 = tpu.memref_slice %arg2[%dma_wait3A_65, %dma_wait3A_66] : memref<10240x128xf32, #tpu.memory_space<hbm>> -> memref<10240x128xf32, #tpu.memory_space<hbm>>
      tpu.wait_indirect_dma semaphore(%arg13 : memref<!tpu.dma_semaphore, #tpu.memory_space<semaphore_mem>>) src(%dma_wait3A_67 : memref<10240x128xf32, #tpu.memory_space<hbm>>) dst(%arg10 : memref<128x128xf32, #tpu.memory_space<vmem>>)
      %dma_start3A_68 = arith.constant 0 : i32
      %dma_start3A_69 = tpu.memref_slice %arg8[%add3A_39, %dma_start3A_68] : memref<40x128xi32, #tpu.memory_space<vmem>> -> memref<1x128xi32, #tpu.memory_space<vmem>>
      %dma_start3A_70 = tpu.memref_squeeze %dma_start3A_69 : memref<1x128xi32, #tpu.memory_space<vmem>> -> memref<128xi32, #tpu.memory_space<vmem>>
      %dma_start3A_71 = arith.constant 0 : i32
      %dma_start3A_72 = arith.constant 0 : i32
      %dma_start3A_73 = tpu.memref_slice %arg11[%dma_start3A_71, %dma_start3A_72] : memref<10240x128xf32, #tpu.memory_space<vmem_shared>> -> memref<10240x128xf32, #tpu.memory_space<vmem_shared>>
      tpu.enqueue_indirect_dma source(%arg10 : memref<128x128xf32, #tpu.memory_space<vmem>>) target(%dma_start3A_73 : memref<10240x128xf32, #tpu.memory_space<vmem_shared>>) offsets(%dma_start3A_70 : memref<128xi32, #tpu.memory_space<vmem>>) semaphore(%arg15 : memref<!tpu.dma_semaphore, #tpu.memory_space<semaphore_mem>>) {add = true}
      %dma_wait3A_74 = arith.constant 0 : i32
      %dma_wait3A_75 = tpu.memref_slice %arg8[%mul3A_37, %dma_wait3A_74] : memref<40x128xi32, #tpu.memory_space<vmem>> -> memref<1x128xi32, #tpu.memory_space<vmem>>
      %dma_wait3A_76 = tpu.memref_squeeze %dma_wait3A_75 : memref<1x128xi32, #tpu.memory_space<vmem>> -> memref<128xi32, #tpu.memory_space<vmem>>
      %dma_wait3A_77 = arith.constant 0 : i32
      %dma_wait3A_78 = arith.constant 0 : i32
      %dma_wait3A_79 = tpu.memref_slice %arg11[%dma_wait3A_77, %dma_wait3A_78] : memref<10240x128xf32, #tpu.memory_space<vmem_shared>> -> memref<10240x128xf32, #tpu.memory_space<vmem_shared>>
      tpu.wait_indirect_dma semaphore(%arg14 : memref<!tpu.dma_semaphore, #tpu.memory_space<semaphore_mem>>) src(%arg9 : memref<128x128xf32, #tpu.memory_space<vmem>>) dst(%dma_wait3A_79 : memref<10240x128xf32, #tpu.memory_space<vmem_shared>>)
      %dma_wait3A_80 = arith.constant 0 : i32
      %dma_wait3A_81 = tpu.memref_slice %arg8[%add3A_39, %dma_wait3A_80] : memref<40x128xi32, #tpu.memory_space<vmem>> -> memref<1x128xi32, #tpu.memory_space<vmem>>
      %dma_wait3A_82 = tpu.memref_squeeze %dma_wait3A_81 : memref<1x128xi32, #tpu.memory_space<vmem>> -> memref<128xi32, #tpu.memory_space<vmem>>
      %dma_wait3A_83 = arith.constant 0 : i32
      %dma_wait3A_84 = arith.constant 0 : i32
      %dma_wait3A_85 = tpu.memref_slice %arg11[%dma_wait3A_83, %dma_wait3A_84] : memref<10240x128xf32, #tpu.memory_space<vmem_shared>> -> memref<10240x128xf32, #tpu.memory_space<vmem_shared>>
      tpu.wait_indirect_dma semaphore(%arg15 : memref<!tpu.dma_semaphore, #tpu.memory_space<semaphore_mem>>) src(%arg10 : memref<128x128xf32, #tpu.memory_space<vmem>>) dst(%dma_wait3A_85 : memref<10240x128xf32, #tpu.memory_space<vmem_shared>>)
    }
    %scan3A_18 = arith.constant 20 : i32
    "tpu.region"() ({
      %run_scoped3A = tpu.sem_alloc : memref<!tpu.dma_semaphore, #tpu.memory_space<semaphore_mem>>
      %dma_start3A = arith.constant 40 : i32
      %dma_start3A_35 = arith.constant 0 : i32
      %dma_start3A_36 = tpu.memref_slice %arg3[%add3A, %dma_start3A, %dma_start3A_35] : memref<32x80x128xi32, #tpu.memory_space<hbm>> -> memref<1x40x128xi32, #tpu.memory_space<hbm>>
      %dma_start3A_37 = tpu.memref_squeeze %dma_start3A_36 : memref<1x40x128xi32, #tpu.memory_space<hbm>> -> memref<40x128xi32, #tpu.memory_space<hbm>>
      %dma_start3A_38 = arith.constant 40 : i32
      %dma_start3A_39 = arith.constant 0 : i32
      %dma_start3A_40 = tpu.memref_slice %arg3[%add3A, %dma_start3A_38, %dma_start3A_39] : memref<32x80x128xi32, #tpu.memory_space<hbm>> -> memref<1x40x128xi32, #tpu.memory_space<hbm>>
      %dma_start3A_41 = tpu.memref_squeeze %dma_start3A_40 : memref<1x40x128xi32, #tpu.memory_space<hbm>> -> memref<40x128xi32, #tpu.memory_space<hbm>>
      tpu.enqueue_dma source(%dma_start3A_41 : memref<40x128xi32, #tpu.memory_space<hbm>>) target(%arg7 : memref<40x128xi32, #tpu.memory_space<vmem>>) target_semaphore(%run_scoped3A : memref<!tpu.dma_semaphore, #tpu.memory_space<semaphore_mem>>)
      %dma_wait3A = arith.constant 40 : i32
      %dma_wait3A_42 = arith.constant 0 : i32
      %dma_wait3A_43 = tpu.memref_slice %arg3[%add3A, %dma_wait3A, %dma_wait3A_42] : memref<32x80x128xi32, #tpu.memory_space<hbm>> -> memref<1x40x128xi32, #tpu.memory_space<hbm>>
      %dma_wait3A_44 = tpu.memref_squeeze %dma_wait3A_43 : memref<1x40x128xi32, #tpu.memory_space<hbm>> -> memref<40x128xi32, #tpu.memory_space<hbm>>
      %dma_wait3A_45 = arith.constant 40 : i32
      %dma_wait3A_46 = arith.constant 0 : i32
      %dma_wait3A_47 = tpu.memref_slice %arg3[%add3A, %dma_wait3A_45, %dma_wait3A_46] : memref<32x80x128xi32, #tpu.memory_space<hbm>> -> memref<1x40x128xi32, #tpu.memory_space<hbm>>
      %dma_wait3A_48 = tpu.memref_squeeze %dma_wait3A_47 : memref<1x40x128xi32, #tpu.memory_space<hbm>> -> memref<40x128xi32, #tpu.memory_space<hbm>>
      tpu.wait_dma2 semaphore(%run_scoped3A : memref<!tpu.dma_semaphore, #tpu.memory_space<semaphore_mem>>) src(%dma_wait3A_48 : memref<40x128xi32, #tpu.memory_space<hbm>>) dst(%arg7 : memref<40x128xi32, #tpu.memory_space<vmem>>)
      tpu.yield
    }) : () -> ()
    "tpu.region"() ({
      %run_scoped3A = tpu.sem_alloc : memref<!tpu.dma_semaphore, #tpu.memory_space<semaphore_mem>>
      %dma_start3A = arith.constant 40 : i32
      %dma_start3A_35 = arith.constant 0 : i32
      %dma_start3A_36 = tpu.memref_slice %arg4[%add3A, %dma_start3A, %dma_start3A_35] : memref<32x80x128xi32, #tpu.memory_space<hbm>> -> memref<1x40x128xi32, #tpu.memory_space<hbm>>
      %dma_start3A_37 = tpu.memref_squeeze %dma_start3A_36 : memref<1x40x128xi32, #tpu.memory_space<hbm>> -> memref<40x128xi32, #tpu.memory_space<hbm>>
      %dma_start3A_38 = arith.constant 40 : i32
      %dma_start3A_39 = arith.constant 0 : i32
      %dma_start3A_40 = tpu.memref_slice %arg4[%add3A, %dma_start3A_38, %dma_start3A_39] : memref<32x80x128xi32, #tpu.memory_space<hbm>> -> memref<1x40x128xi32, #tpu.memory_space<hbm>>
      %dma_start3A_41 = tpu.memref_squeeze %dma_start3A_40 : memref<1x40x128xi32, #tpu.memory_space<hbm>> -> memref<40x128xi32, #tpu.memory_space<hbm>>
      tpu.enqueue_dma source(%dma_start3A_41 : memref<40x128xi32, #tpu.memory_space<hbm>>) target(%arg8 : memref<40x128xi32, #tpu.memory_space<vmem>>) target_semaphore(%run_scoped3A : memref<!tpu.dma_semaphore, #tpu.memory_space<semaphore_mem>>)
      %dma_wait3A = arith.constant 40 : i32
      %dma_wait3A_42 = arith.constant 0 : i32
      %dma_wait3A_43 = tpu.memref_slice %arg4[%add3A, %dma_wait3A, %dma_wait3A_42] : memref<32x80x128xi32, #tpu.memory_space<hbm>> -> memref<1x40x128xi32, #tpu.memory_space<hbm>>
      %dma_wait3A_44 = tpu.memref_squeeze %dma_wait3A_43 : memref<1x40x128xi32, #tpu.memory_space<hbm>> -> memref<40x128xi32, #tpu.memory_space<hbm>>
      %dma_wait3A_45 = arith.constant 40 : i32
      %dma_wait3A_46 = arith.constant 0 : i32
      %dma_wait3A_47 = tpu.memref_slice %arg4[%add3A, %dma_wait3A_45, %dma_wait3A_46] : memref<32x80x128xi32, #tpu.memory_space<hbm>> -> memref<1x40x128xi32, #tpu.memory_space<hbm>>
      %dma_wait3A_48 = tpu.memref_squeeze %dma_wait3A_47 : memref<1x40x128xi32, #tpu.memory_space<hbm>> -> memref<40x128xi32, #tpu.memory_space<hbm>>
      tpu.wait_dma2 semaphore(%run_scoped3A : memref<!tpu.dma_semaphore, #tpu.memory_space<semaphore_mem>>) src(%dma_wait3A_48 : memref<40x128xi32, #tpu.memory_space<hbm>>) dst(%arg8 : memref<40x128xi32, #tpu.memory_space<vmem>>)
      tpu.yield
    }) : () -> ()
    %scan3A_19 = arith.constant 0 : i32
    %scan3A_20 = arith.constant 0 : i32
    %scan3A_21 = arith.constant 20 : i32
    %scan3A_22 = arith.addi %scan3A_20, %scan3A_21 : i32
    %scan3A_23 = arith.constant 1 : i32
    scf.for %scan3A_35 = %scan3A_20 to %scan3A_22 step %scan3A_23  : i32 {
      %mul3A_36 = arith.constant 2 : i32
      %mul3A_37 = arith.muli %mul3A_36, %scan3A_35 : i32
      %add3A_38 = arith.constant 1 : i32
      %add3A_39 = arith.addi %mul3A_37, %add3A_38 : i32
      %dma_start3A = arith.constant 0 : i32
      %dma_start3A_40 = tpu.memref_slice %arg7[%mul3A_37, %dma_start3A] : memref<40x128xi32, #tpu.memory_space<vmem>> -> memref<1x128xi32, #tpu.memory_space<vmem>>
      %dma_start3A_41 = tpu.memref_squeeze %dma_start3A_40 : memref<1x128xi32, #tpu.memory_space<vmem>> -> memref<128xi32, #tpu.memory_space<vmem>>
      %dma_start3A_42 = arith.constant 0 : i32
      %dma_start3A_43 = arith.constant 0 : i32
      %dma_start3A_44 = tpu.memref_slice %arg2[%dma_start3A_42, %dma_start3A_43] : memref<10240x128xf32, #tpu.memory_space<hbm>> -> memref<10240x128xf32, #tpu.memory_space<hbm>>
      tpu.enqueue_indirect_dma source(%dma_start3A_44 : memref<10240x128xf32, #tpu.memory_space<hbm>>) target(%arg9 : memref<128x128xf32, #tpu.memory_space<vmem>>) offsets(%dma_start3A_41 : memref<128xi32, #tpu.memory_space<vmem>>) semaphore(%arg12 : memref<!tpu.dma_semaphore, #tpu.memory_space<semaphore_mem>>)
      %dma_start3A_45 = arith.constant 0 : i32
      %dma_start3A_46 = tpu.memref_slice %arg7[%add3A_39, %dma_start3A_45] : memref<40x128xi32, #tpu.memory_space<vmem>> -> memref<1x128xi32, #tpu.memory_space<vmem>>
      %dma_start3A_47 = tpu.memref_squeeze %dma_start3A_46 : memref<1x128xi32, #tpu.memory_space<vmem>> -> memref<128xi32, #tpu.memory_space<vmem>>
      %dma_start3A_48 = arith.constant 0 : i32
      %dma_start3A_49 = arith.constant 0 : i32
      %dma_start3A_50 = tpu.memref_slice %arg2[%dma_start3A_48, %dma_start3A_49] : memref<10240x128xf32, #tpu.memory_space<hbm>> -> memref<10240x128xf32, #tpu.memory_space<hbm>>
      tpu.enqueue_indirect_dma source(%dma_start3A_50 : memref<10240x128xf32, #tpu.memory_space<hbm>>) target(%arg10 : memref<128x128xf32, #tpu.memory_space<vmem>>) offsets(%dma_start3A_47 : memref<128xi32, #tpu.memory_space<vmem>>) semaphore(%arg13 : memref<!tpu.dma_semaphore, #tpu.memory_space<semaphore_mem>>)
      %dma_wait3A = arith.constant 0 : i32
      %dma_wait3A_51 = tpu.memref_slice %arg7[%mul3A_37, %dma_wait3A] : memref<40x128xi32, #tpu.memory_space<vmem>> -> memref<1x128xi32, #tpu.memory_space<vmem>>
      %dma_wait3A_52 = tpu.memref_squeeze %dma_wait3A_51 : memref<1x128xi32, #tpu.memory_space<vmem>> -> memref<128xi32, #tpu.memory_space<vmem>>
      %dma_wait3A_53 = arith.constant 0 : i32
      %dma_wait3A_54 = arith.constant 0 : i32
      %dma_wait3A_55 = tpu.memref_slice %arg2[%dma_wait3A_53, %dma_wait3A_54] : memref<10240x128xf32, #tpu.memory_space<hbm>> -> memref<10240x128xf32, #tpu.memory_space<hbm>>
      tpu.wait_indirect_dma semaphore(%arg12 : memref<!tpu.dma_semaphore, #tpu.memory_space<semaphore_mem>>) src(%dma_wait3A_55 : memref<10240x128xf32, #tpu.memory_space<hbm>>) dst(%arg9 : memref<128x128xf32, #tpu.memory_space<vmem>>)
      %dma_start3A_56 = arith.constant 0 : i32
      %dma_start3A_57 = tpu.memref_slice %arg8[%mul3A_37, %dma_start3A_56] : memref<40x128xi32, #tpu.memory_space<vmem>> -> memref<1x128xi32, #tpu.memory_space<vmem>>
      %dma_start3A_58 = tpu.memref_squeeze %dma_start3A_57 : memref<1x128xi32, #tpu.memory_space<vmem>> -> memref<128xi32, #tpu.memory_space<vmem>>
      %dma_start3A_59 = arith.constant 0 : i32
      %dma_start3A_60 = arith.constant 0 : i32
      %dma_start3A_61 = tpu.memref_slice %arg11[%dma_start3A_59, %dma_start3A_60] : memref<10240x128xf32, #tpu.memory_space<vmem_shared>> -> memref<10240x128xf32, #tpu.memory_space<vmem_shared>>
      tpu.enqueue_indirect_dma source(%arg9 : memref<128x128xf32, #tpu.memory_space<vmem>>) target(%dma_start3A_61 : memref<10240x128xf32, #tpu.memory_space<vmem_shared>>) offsets(%dma_start3A_58 : memref<128xi32, #tpu.memory_space<vmem>>) semaphore(%arg14 : memref<!tpu.dma_semaphore, #tpu.memory_space<semaphore_mem>>) {add = true}
      %dma_wait3A_62 = arith.constant 0 : i32
      %dma_wait3A_63 = tpu.memref_slice %arg7[%add3A_39, %dma_wait3A_62] : memref<40x128xi32, #tpu.memory_space<vmem>> -> memref<1x128xi32, #tpu.memory_space<vmem>>
      %dma_wait3A_64 = tpu.memref_squeeze %dma_wait3A_63 : memref<1x128xi32, #tpu.memory_space<vmem>> -> memref<128xi32, #tpu.memory_space<vmem>>
      %dma_wait3A_65 = arith.constant 0 : i32
      %dma_wait3A_66 = arith.constant 0 : i32
      %dma_wait3A_67 = tpu.memref_slice %arg2[%dma_wait3A_65, %dma_wait3A_66] : memref<10240x128xf32, #tpu.memory_space<hbm>> -> memref<10240x128xf32, #tpu.memory_space<hbm>>
      tpu.wait_indirect_dma semaphore(%arg13 : memref<!tpu.dma_semaphore, #tpu.memory_space<semaphore_mem>>) src(%dma_wait3A_67 : memref<10240x128xf32, #tpu.memory_space<hbm>>) dst(%arg10 : memref<128x128xf32, #tpu.memory_space<vmem>>)
      %dma_start3A_68 = arith.constant 0 : i32
      %dma_start3A_69 = tpu.memref_slice %arg8[%add3A_39, %dma_start3A_68] : memref<40x128xi32, #tpu.memory_space<vmem>> -> memref<1x128xi32, #tpu.memory_space<vmem>>
      %dma_start3A_70 = tpu.memref_squeeze %dma_start3A_69 : memref<1x128xi32, #tpu.memory_space<vmem>> -> memref<128xi32, #tpu.memory_space<vmem>>
      %dma_start3A_71 = arith.constant 0 : i32
      %dma_start3A_72 = arith.constant 0 : i32
      %dma_start3A_73 = tpu.memref_slice %arg11[%dma_start3A_71, %dma_start3A_72] : memref<10240x128xf32, #tpu.memory_space<vmem_shared>> -> memref<10240x128xf32, #tpu.memory_space<vmem_shared>>
      tpu.enqueue_indirect_dma source(%arg10 : memref<128x128xf32, #tpu.memory_space<vmem>>) target(%dma_start3A_73 : memref<10240x128xf32, #tpu.memory_space<vmem_shared>>) offsets(%dma_start3A_70 : memref<128xi32, #tpu.memory_space<vmem>>) semaphore(%arg15 : memref<!tpu.dma_semaphore, #tpu.memory_space<semaphore_mem>>) {add = true}
      %dma_wait3A_74 = arith.constant 0 : i32
      %dma_wait3A_75 = tpu.memref_slice %arg8[%mul3A_37, %dma_wait3A_74] : memref<40x128xi32, #tpu.memory_space<vmem>> -> memref<1x128xi32, #tpu.memory_space<vmem>>
      %dma_wait3A_76 = tpu.memref_squeeze %dma_wait3A_75 : memref<1x128xi32, #tpu.memory_space<vmem>> -> memref<128xi32, #tpu.memory_space<vmem>>
      %dma_wait3A_77 = arith.constant 0 : i32
      %dma_wait3A_78 = arith.constant 0 : i32
      %dma_wait3A_79 = tpu.memref_slice %arg11[%dma_wait3A_77, %dma_wait3A_78] : memref<10240x128xf32, #tpu.memory_space<vmem_shared>> -> memref<10240x128xf32, #tpu.memory_space<vmem_shared>>
      tpu.wait_indirect_dma semaphore(%arg14 : memref<!tpu.dma_semaphore, #tpu.memory_space<semaphore_mem>>) src(%arg9 : memref<128x128xf32, #tpu.memory_space<vmem>>) dst(%dma_wait3A_79 : memref<10240x128xf32, #tpu.memory_space<vmem_shared>>)
      %dma_wait3A_80 = arith.constant 0 : i32
      %dma_wait3A_81 = tpu.memref_slice %arg8[%add3A_39, %dma_wait3A_80] : memref<40x128xi32, #tpu.memory_space<vmem>> -> memref<1x128xi32, #tpu.memory_space<vmem>>
      %dma_wait3A_82 = tpu.memref_squeeze %dma_wait3A_81 : memref<1x128xi32, #tpu.memory_space<vmem>> -> memref<128xi32, #tpu.memory_space<vmem>>
      %dma_wait3A_83 = arith.constant 0 : i32
      %dma_wait3A_84 = arith.constant 0 : i32
      %dma_wait3A_85 = tpu.memref_slice %arg11[%dma_wait3A_83, %dma_wait3A_84] : memref<10240x128xf32, #tpu.memory_space<vmem_shared>> -> memref<10240x128xf32, #tpu.memory_space<vmem_shared>>
      tpu.wait_indirect_dma semaphore(%arg15 : memref<!tpu.dma_semaphore, #tpu.memory_space<semaphore_mem>>) src(%arg10 : memref<128x128xf32, #tpu.memory_space<vmem>>) dst(%dma_wait3A_85 : memref<10240x128xf32, #tpu.memory_space<vmem_shared>>)
    }
    %scan3A_24 = arith.constant 20 : i32
    %barrier3A_25 = arith.constant 0 : index
    tpu.barrier barrier_id(%barrier3A_25)
    %mul3A_26 = arith.constant 640 : i32
    %mul3A_27 = arith.muli %arg1, %mul3A_26 : i32
    %eq3A = arith.constant 0 : i32
    %eq3A_28 = arith.cmpi eq, %arg0, %eq3A : i32
    %convert_element_type3A = arith.extui %eq3A_28 : i1 to i32
    %cond3A = arith.constant 0 : i32
    %cond3A_29 = arith.cmpi ne, %convert_element_type3A, %cond3A : i32
    scf.if %cond3A_29 {
      "tpu.region"() ({
        %run_scoped3A = tpu.sem_alloc : memref<!tpu.dma_semaphore, #tpu.memory_space<semaphore_mem>>
        %dma_start3A = arith.constant 0 : i32
        %dma_start3A_35 = tpu.memref_slice %arg5[%mul3A_27, %dma_start3A] : memref<10240x128xf32, #tpu.memory_space<hbm>> -> memref<640x128xf32, #tpu.memory_space<hbm>>
        %dma_start3A_36 = arith.constant 0 : i32
        %dma_start3A_37 = tpu.memref_slice %arg11[%mul3A_27, %dma_start3A_36] : memref<10240x128xf32, #tpu.memory_space<vmem_shared>> -> memref<640x128xf32, #tpu.memory_space<vmem_shared>>
        tpu.enqueue_dma source(%dma_start3A_37 : memref<640x128xf32, #tpu.memory_space<vmem_shared>>) target(%dma_start3A_35 : memref<640x128xf32, #tpu.memory_space<hbm>>) target_semaphore(%run_scoped3A : memref<!tpu.dma_semaphore, #tpu.memory_space<semaphore_mem>>)
        %dma_wait3A = arith.constant 0 : i32
        %dma_wait3A_38 = tpu.memref_slice %arg5[%mul3A_27, %dma_wait3A] : memref<10240x128xf32, #tpu.memory_space<hbm>> -> memref<640x128xf32, #tpu.memory_space<hbm>>
        %dma_wait3A_39 = arith.constant 0 : i32
        %dma_wait3A_40 = tpu.memref_slice %arg11[%mul3A_27, %dma_wait3A_39] : memref<10240x128xf32, #tpu.memory_space<vmem_shared>> -> memref<640x128xf32, #tpu.memory_space<vmem_shared>>
        tpu.wait_dma2 semaphore(%run_scoped3A : memref<!tpu.dma_semaphore, #tpu.memory_space<semaphore_mem>>) src(%dma_wait3A_40 : memref<640x128xf32, #tpu.memory_space<vmem_shared>>) dst(%dma_wait3A_38 : memref<640x128xf32, #tpu.memory_space<hbm>>)
        tpu.yield
      }) : () -> ()
    } else {
    }
    %eq3A_30 = arith.constant 1 : i32
    %eq3A_31 = arith.cmpi eq, %arg0, %eq3A_30 : i32
    %convert_element_type3A_32 = arith.extui %eq3A_31 : i1 to i32
    %cond3A_33 = arith.constant 0 : i32
    %cond3A_34 = arith.cmpi ne, %convert_element_type3A_32, %cond3A_33 : i32
    scf.if %cond3A_34 {
      "tpu.region"() ({
        %run_scoped3A = tpu.sem_alloc : memref<!tpu.dma_semaphore, #tpu.memory_space<semaphore_mem>>
        %dma_start3A = arith.constant 0 : i32
        %dma_start3A_35 = tpu.memref_slice %arg6[%mul3A_27, %dma_start3A] : memref<10240x128xf32, #tpu.memory_space<hbm>> -> memref<640x128xf32, #tpu.memory_space<hbm>>
        %dma_start3A_36 = arith.constant 0 : i32
        %dma_start3A_37 = tpu.memref_slice %arg11[%mul3A_27, %dma_start3A_36] : memref<10240x128xf32, #tpu.memory_space<vmem_shared>> -> memref<640x128xf32, #tpu.memory_space<vmem_shared>>
        tpu.enqueue_dma source(%dma_start3A_37 : memref<640x128xf32, #tpu.memory_space<vmem_shared>>) target(%dma_start3A_35 : memref<640x128xf32, #tpu.memory_space<hbm>>) target_semaphore(%run_scoped3A : memref<!tpu.dma_semaphore, #tpu.memory_space<semaphore_mem>>)
        %dma_wait3A = arith.constant 0 : i32
        %dma_wait3A_38 = tpu.memref_slice %arg6[%mul3A_27, %dma_wait3A] : memref<10240x128xf32, #tpu.memory_space<hbm>> -> memref<640x128xf32, #tpu.memory_space<hbm>>
        %dma_wait3A_39 = arith.constant 0 : i32
        %dma_wait3A_40 = tpu.memref_slice %arg11[%mul3A_27, %dma_wait3A_39] : memref<10240x128xf32, #tpu.memory_space<vmem_shared>> -> memref<640x128xf32, #tpu.memory_space<vmem_shared>>
        tpu.wait_dma2 semaphore(%run_scoped3A : memref<!tpu.dma_semaphore, #tpu.memory_space<semaphore_mem>>) src(%dma_wait3A_40 : memref<640x128xf32, #tpu.memory_space<vmem_shared>>) dst(%dma_wait3A_38 : memref<640x128xf32, #tpu.memory_space<hbm>>)
        tpu.yield
      }) : () -> ()
    } else {
    }
    return
  }
}

module attributes {stable_mosaic.version = 14 : i64} {
  func.func @_dinv_body(%arg0: memref<32x10240xf32, #tpu.memory_space<vmem>>, %arg1: memref<1x10240xf32, #tpu.memory_space<vmem>>) attributes {dimension_semantics = [], scalar_prefetch = 0 : i64, scratch_operands = 0 : i64, tpu.core_type = #tpu.core_type<tc>} {
    %get3A = arith.constant 0 : index
    %get3A_0 = arith.constant 0 : index
    %get3A_1 = vector.load %arg0[%get3A, %get3A_0] : memref<32x10240xf32, #tpu.memory_space<vmem>>, vector<32x10240xf32>
    %reduce_sum3A = arith.constant dense<0.000000e+00> : vector<10240xf32>
    %reduce_sum3A_2 = vector.multi_reduction <add>, %get3A_1, %reduce_sum3A [0] : vector<32x10240xf32> to vector<10240xf32>
    %broadcast_in_dim3A = vector.shape_cast %reduce_sum3A_2 : vector<10240xf32> to vector<1x10240xf32>
    %add3A = arith.constant 1.000000e+00 : f32
    %add3A_3 = vector.broadcast %add3A : f32 to vector<1x10240xf32>
    %add3A_4 = arith.addf %broadcast_in_dim3A, %add3A_3 : vector<1x10240xf32>
    %rsqrt3A = math.rsqrt %add3A_4 : vector<1x10240xf32>
    %swap3A = arith.constant 0 : index
    %swap3A_5 = arith.constant 0 : index
    %swap3A_6 = vector.load %arg1[%swap3A, %swap3A_5] : memref<1x10240xf32, #tpu.memory_space<vmem>>, vector<1x10240xf32>
    tpu.vector_store %arg1[%swap3A, %swap3A_5], %rsqrt3A {strides = array<i32>} : memref<1x10240xf32, #tpu.memory_space<vmem>>, vector<1x10240xf32>,
    return
  }
}

module attributes {stable_mosaic.version = 14 : i64} {
  func.func @_t1_body(%arg0: i32, %arg1: memref<640x128xf32, #tpu.memory_space<vmem>>, %arg2: memref<128x128xf32, #tpu.memory_space<vmem>>, %arg3: memref<640x1xf32, #tpu.memory_space<vmem>>, %arg4: memref<640x128xf32, #tpu.memory_space<vmem>>) attributes {dimension_semantics = [#tpu.dimension_semantics<arbitrary>], iteration_bounds = array<i64: 16>, scalar_prefetch = 0 : i64, scratch_operands = 0 : i64, tpu.core_type = #tpu.core_type<tc>, window_params = [{transform_indices = @transform_0, window_bounds = array<i64: 640, 128>}, {pipeline_mode = #tpu.pipeline_mode<synchronous>, transform_indices = @transform_1, window_bounds = array<i64: 128, 128>}, {transform_indices = @transform_2, window_bounds = array<i64: 640, 1>}, {transform_indices = @transform_3, window_bounds = array<i64: 640, 128>}]} {
    %get3A = arith.constant 0 : index
    %get3A_0 = arith.constant 0 : index
    %get3A_1 = vector.load %arg3[%get3A, %get3A_0] : memref<640x1xf32, #tpu.memory_space<vmem>>, vector<640x1xf32>
    %get3A_2 = arith.constant 0 : index
    %get3A_3 = arith.constant 0 : index
    %get3A_4 = vector.load %arg1[%get3A_2, %get3A_3] : memref<640x128xf32, #tpu.memory_space<vmem>>, vector<640x128xf32>
    %get3A_5 = arith.constant 0 : index
    %get3A_6 = arith.constant 0 : index
    %get3A_7 = vector.load %arg2[%get3A_5, %get3A_6] : memref<128x128xf32, #tpu.memory_space<vmem>>, vector<128x128xf32>
    %dot_general3A = arith.constant dense<0.000000e+00> : vector<640x128xf32>
    %dot_general3A_8 = tpu.matmul %get3A_4, %get3A_7, %dot_general3A {dimension_numbers = #tpu.dot_dimension_numbers<[1], [0], [0], [1], [0, 0, 1, 1], [], []>, transpose_lhs_hint = false} : vector<640x128xf32>, vector<128x128xf32>, vector<640x128xf32> -> vector<640x128xf32>
    %mul3A = vector.broadcast %get3A_1 : vector<640x1xf32> to vector<640x128xf32>
    %mul3A_9 = arith.mulf %mul3A, %dot_general3A_8 : vector<640x128xf32>
    %swap3A = arith.constant 0 : index
    %swap3A_10 = arith.constant 0 : index
    %swap3A_11 = vector.load %arg4[%swap3A, %swap3A_10] : memref<640x128xf32, #tpu.memory_space<vmem>>, vector<640x128xf32>
    tpu.vector_store %arg4[%swap3A, %swap3A_10], %mul3A_9 {strides = array<i32>} : memref<640x128xf32, #tpu.memory_space<vmem>>, vector<640x128xf32>,
    return
  }
  func.func @transform_0(%arg0: i32) -> (i32, i32) {
    %c0_i32 = arith.constant 0 : i32
    %c0_i32_0 = arith.constant 0 : i32
    return %arg0, %c0_i32 : i32, i32
  }
  func.func @transform_1(%arg0: i32) -> (i32, i32) {
    %c0_i32 = arith.constant 0 : i32
    %c0_i32_0 = arith.constant 0 : i32
    %c0_i32_1 = arith.constant 0 : i32
    return %c0_i32, %c0_i32_0 : i32, i32
  }
  func.func @transform_2(%arg0: i32) -> (i32, i32) {
    %c0_i32 = arith.constant 0 : i32
    %c0_i32_0 = arith.constant 0 : i32
    return %arg0, %c0_i32 : i32, i32
  }
  func.func @transform_3(%arg0: i32) -> (i32, i32) {
    %c0_i32 = arith.constant 0 : i32
    %c0_i32_0 = arith.constant 0 : i32
    return %arg0, %c0_i32 : i32, i32
  }
}

module attributes {stable_mosaic.version = 14 : i64} {
  func.func @_t2_body(%arg0: i32, %arg1: memref<640x128xf32, #tpu.memory_space<vmem>>, %arg2: memref<640x128xf32, #tpu.memory_space<vmem>>, %arg3: memref<640x128xf32, #tpu.memory_space<vmem>>, %arg4: memref<640x1xf32, #tpu.memory_space<vmem>>, %arg5: memref<1x128xf32, #tpu.memory_space<vmem>>, %arg6: memref<128x128xf32, #tpu.memory_space<vmem>>, %arg7: memref<640x128xf32, #tpu.memory_space<vmem>>, %arg8: memref<640x128xf32, #tpu.memory_space<vmem>>) attributes {dimension_semantics = [#tpu.dimension_semantics<arbitrary>], iteration_bounds = array<i64: 16>, scalar_prefetch = 0 : i64, scratch_operands = 0 : i64, tpu.core_type = #tpu.core_type<tc>, window_params = [{transform_indices = @transform_0, window_bounds = array<i64: 640, 128>}, {transform_indices = @transform_1, window_bounds = array<i64: 640, 128>}, {transform_indices = @transform_2, window_bounds = array<i64: 640, 128>}, {transform_indices = @transform_3, window_bounds = array<i64: 640, 1>}, {pipeline_mode = #tpu.pipeline_mode<synchronous>, transform_indices = @transform_4, window_bounds = array<i64: 1, 128>}, {pipeline_mode = #tpu.pipeline_mode<synchronous>, transform_indices = @transform_5, window_bounds = array<i64: 128, 128>}, {transform_indices = @transform_6, window_bounds = array<i64: 640, 128>}, {transform_indices = @transform_7, window_bounds = array<i64: 640, 128>}]} {
    %get3A = arith.constant 0 : index
    %get3A_0 = arith.constant 0 : index
    %get3A_1 = vector.load %arg4[%get3A, %get3A_0] : memref<640x1xf32, #tpu.memory_space<vmem>>, vector<640x1xf32>
    %get3A_2 = arith.constant 0 : index
    %get3A_3 = arith.constant 0 : index
    %get3A_4 = vector.load %arg1[%get3A_2, %get3A_3] : memref<640x128xf32, #tpu.memory_space<vmem>>, vector<640x128xf32>
    %get3A_5 = arith.constant 0 : index
    %get3A_6 = arith.constant 0 : index
    %get3A_7 = vector.load %arg2[%get3A_5, %get3A_6] : memref<640x128xf32, #tpu.memory_space<vmem>>, vector<640x128xf32>
    %add3A = arith.addf %get3A_4, %get3A_7 : vector<640x128xf32>
    %get3A_8 = arith.constant 0 : index
    %get3A_9 = arith.constant 0 : index
    %get3A_10 = vector.load %arg3[%get3A_8, %get3A_9] : memref<640x128xf32, #tpu.memory_space<vmem>>, vector<640x128xf32>
    %add3A_11 = arith.addf %add3A, %get3A_10 : vector<640x128xf32>
    %mul3A = vector.broadcast %get3A_1 : vector<640x1xf32> to vector<640x128xf32>
    %mul3A_12 = arith.mulf %mul3A, %add3A_11 : vector<640x128xf32>
    %get3A_13 = arith.constant 0 : index
    %get3A_14 = arith.constant 0 : index
    %get3A_15 = vector.load %arg5[%get3A_13, %get3A_14] : memref<1x128xf32, #tpu.memory_space<vmem>>, vector<1x128xf32>
    %add3A_16 = vector.broadcast %get3A_15 : vector<1x128xf32> to vector<640x128xf32>
    %add3A_17 = arith.addf %mul3A_12, %add3A_16 : vector<640x128xf32>
    %max3A = arith.constant 0.000000e+00 : f32
    %max3A_18 = vector.broadcast %max3A : f32 to vector<640x128xf32>
    %max3A_19 = arith.maximumf %add3A_17, %max3A_18 : vector<640x128xf32>
    %swap3A = arith.constant 0 : index
    %swap3A_20 = arith.constant 0 : index
    %swap3A_21 = vector.load %arg7[%swap3A, %swap3A_20] : memref<640x128xf32, #tpu.memory_space<vmem>>, vector<640x128xf32>
    tpu.vector_store %arg7[%swap3A, %swap3A_20], %max3A_19 {strides = array<i32>} : memref<640x128xf32, #tpu.memory_space<vmem>>, vector<640x128xf32>,
    %get3A_22 = arith.constant 0 : index
    %get3A_23 = arith.constant 0 : index
    %get3A_24 = vector.load %arg4[%get3A_22, %get3A_23] : memref<640x1xf32, #tpu.memory_space<vmem>>, vector<640x1xf32>
    %get3A_25 = arith.constant 0 : index
    %get3A_26 = arith.constant 0 : index
    %get3A_27 = vector.load %arg6[%get3A_25, %get3A_26] : memref<128x128xf32, #tpu.memory_space<vmem>>, vector<128x128xf32>
    %dot_general3A = arith.constant dense<0.000000e+00> : vector<640x128xf32>
    %dot_general3A_28 = tpu.matmul %max3A_19, %get3A_27, %dot_general3A {dimension_numbers = #tpu.dot_dimension_numbers<[1], [0], [0], [1], [0, 0, 1, 1], [], []>, transpose_lhs_hint = false} : vector<640x128xf32>, vector<128x128xf32>, vector<640x128xf32> -> vector<640x128xf32>
    %mul3A_29 = vector.broadcast %get3A_24 : vector<640x1xf32> to vector<640x128xf32>
    %mul3A_30 = arith.mulf %mul3A_29, %dot_general3A_28 : vector<640x128xf32>
    %swap3A_31 = arith.constant 0 : index
    %swap3A_32 = arith.constant 0 : index
    %swap3A_33 = vector.load %arg8[%swap3A_31, %swap3A_32] : memref<640x128xf32, #tpu.memory_space<vmem>>, vector<640x128xf32>
    tpu.vector_store %arg8[%swap3A_31, %swap3A_32], %mul3A_30 {strides = array<i32>} : memref<640x128xf32, #tpu.memory_space<vmem>>, vector<640x128xf32>,
    return
  }
  func.func @transform_0(%arg0: i32) -> (i32, i32) {
    %c0_i32 = arith.constant 0 : i32
    %c0_i32_0 = arith.constant 0 : i32
    return %arg0, %c0_i32 : i32, i32
  }
  func.func @transform_1(%arg0: i32) -> (i32, i32) {
    %c0_i32 = arith.constant 0 : i32
    %c0_i32_0 = arith.constant 0 : i32
    return %arg0, %c0_i32 : i32, i32
  }
  func.func @transform_2(%arg0: i32) -> (i32, i32) {
    %c0_i32 = arith.constant 0 : i32
    %c0_i32_0 = arith.constant 0 : i32
    return %arg0, %c0_i32 : i32, i32
  }
  func.func @transform_3(%arg0: i32) -> (i32, i32) {
    %c0_i32 = arith.constant 0 : i32
    %c0_i32_0 = arith.constant 0 : i32
    return %arg0, %c0_i32 : i32, i32
  }
  func.func @transform_4(%arg0: i32) -> (i32, i32) {
    %c0_i32 = arith.constant 0 : i32
    %c0_i32_0 = arith.constant 0 : i32
    %c0_i32_1 = arith.constant 0 : i32
    return %c0_i32, %c0_i32_0 : i32, i32
  }
  func.func @transform_5(%arg0: i32) -> (i32, i32) {
    %c0_i32 = arith.constant 0 : i32
    %c0_i32_0 = arith.constant 0 : i32
    %c0_i32_1 = arith.constant 0 : i32
    return %c0_i32, %c0_i32_0 : i32, i32
  }
  func.func @transform_6(%arg0: i32) -> (i32, i32) {
    %c0_i32 = arith.constant 0 : i32
    %c0_i32_0 = arith.constant 0 : i32
    return %arg0, %c0_i32 : i32, i32
  }
  func.func @transform_7(%arg0: i32) -> (i32, i32) {
    %c0_i32 = arith.constant 0 : i32
    %c0_i32_0 = arith.constant 0 : i32
    return %arg0, %c0_i32 : i32, i32
  }
}

module attributes {stable_mosaic.version = 14 : i64} {
  func.func @_t3_body(%arg0: i32, %arg1: memref<640x128xf32, #tpu.memory_space<vmem>>, %arg2: memref<640x128xf32, #tpu.memory_space<vmem>>, %arg3: memref<640x128xf32, #tpu.memory_space<vmem>>, %arg4: memref<640x1xf32, #tpu.memory_space<vmem>>, %arg5: memref<1x128xf32, #tpu.memory_space<vmem>>, %arg6: memref<640x1xi32, #tpu.memory_space<vmem>>, %arg7: memref<128x128xf32, #tpu.memory_space<vmem>>, %arg8: memref<1x128xf32, #tpu.memory_space<vmem>>, %arg9: memref<128x128xf32, #tpu.memory_space<vmem>>, %arg10: memref<1x128xf32, #tpu.memory_space<vmem>>, %arg11: memref<128x128xf32, #tpu.memory_space<vmem>>, %arg12: memref<1x128xf32, #tpu.memory_space<vmem>>, %arg13: memref<128x128xf32, #tpu.memory_space<vmem>>, %arg14: memref<1x128xf32, #tpu.memory_space<vmem>>, %arg15: memref<640x128xf32, #tpu.memory_space<vmem>>, %arg16: memref<128x128xf32, #tpu.memory_space<vmem>>, %arg17: memref<128x128xf32, #tpu.memory_space<vmem>>, %arg18: memref<128x128xf32, #tpu.memory_space<vmem>>, %arg19: memref<128x128xf32, #tpu.memory_space<vmem>>, %arg20: memref<128x128xf32, #tpu.memory_space<vmem>>) attributes {dimension_semantics = [#tpu.dimension_semantics<arbitrary>], iteration_bounds = array<i64: 16>, scalar_prefetch = 0 : i64, scratch_operands = 2 : i64, tpu.core_type = #tpu.core_type<tc>, window_params = [{transform_indices = @transform_0, window_bounds = array<i64: 640, 128>}, {transform_indices = @transform_1, window_bounds = array<i64: 640, 128>}, {transform_indices = @transform_2, window_bounds = array<i64: 640, 128>}, {transform_indices = @transform_3, window_bounds = array<i64: 640, 1>}, {pipeline_mode = #tpu.pipeline_mode<synchronous>, transform_indices = @transform_4, window_bounds = array<i64: 1, 128>}, {transform_indices = @transform_5, window_bounds = array<i64: 640, 1>}, {pipeline_mode = #tpu.pipeline_mode<synchronous>, transform_indices = @transform_6, window_bounds = array<i64: 128, 128>}, {pipeline_mode = #tpu.pipeline_mode<synchronous>, transform_indices = @transform_7, window_bounds = array<i64: 1, 128>}, {pipeline_mode = #tpu.pipeline_mode<synchronous>, transform_indices = @transform_8, window_bounds = array<i64: 128, 128>}, {pipeline_mode = #tpu.pipeline_mode<synchronous>, transform_indices = @transform_9, window_bounds = array<i64: 1, 128>}, {pipeline_mode = #tpu.pipeline_mode<synchronous>, transform_indices = @transform_10, window_bounds = array<i64: 128, 128>}, {pipeline_mode = #tpu.pipeline_mode<synchronous>, transform_indices = @transform_11, window_bounds = array<i64: 1, 128>}, {pipeline_mode = #tpu.pipeline_mode<synchronous>, transform_indices = @transform_12, window_bounds = array<i64: 128, 128>}, {pipeline_mode = #tpu.pipeline_mode<synchronous>, transform_indices = @transform_13, window_bounds = array<i64: 1, 128>}, {transform_indices = @transform_14, window_bounds = array<i64: 640, 128>}, {pipeline_mode = #tpu.pipeline_mode<synchronous>, transform_indices = @transform_15, window_bounds = array<i64: 128, 128>}, {pipeline_mode = #tpu.pipeline_mode<synchronous>, transform_indices = @transform_16, window_bounds = array<i64: 128, 128>}, {pipeline_mode = #tpu.pipeline_mode<synchronous>, transform_indices = @transform_17, window_bounds = array<i64: 128, 128>}]} {
    %get3A = arith.constant 0 : index
    %get3A_0 = arith.constant 0 : index
    %get3A_1 = vector.load %arg4[%get3A, %get3A_0] : memref<640x1xf32, #tpu.memory_space<vmem>>, vector<640x1xf32>
    %get3A_2 = arith.constant 0 : index
    %get3A_3 = arith.constant 0 : index
    %get3A_4 = vector.load %arg1[%get3A_2, %get3A_3] : memref<640x128xf32, #tpu.memory_space<vmem>>, vector<640x128xf32>
    %get3A_5 = arith.constant 0 : index
    %get3A_6 = arith.constant 0 : index
    %get3A_7 = vector.load %arg2[%get3A_5, %get3A_6] : memref<640x128xf32, #tpu.memory_space<vmem>>, vector<640x128xf32>
    %add3A = arith.addf %get3A_4, %get3A_7 : vector<640x128xf32>
    %get3A_8 = arith.constant 0 : index
    %get3A_9 = arith.constant 0 : index
    %get3A_10 = vector.load %arg3[%get3A_8, %get3A_9] : memref<640x128xf32, #tpu.memory_space<vmem>>, vector<640x128xf32>
    %add3A_11 = arith.addf %add3A, %get3A_10 : vector<640x128xf32>
    %mul3A = vector.broadcast %get3A_1 : vector<640x1xf32> to vector<640x128xf32>
    %mul3A_12 = arith.mulf %mul3A, %add3A_11 : vector<640x128xf32>
    %get3A_13 = arith.constant 0 : index
    %get3A_14 = arith.constant 0 : index
    %get3A_15 = vector.load %arg5[%get3A_13, %get3A_14] : memref<1x128xf32, #tpu.memory_space<vmem>>, vector<1x128xf32>
    %add3A_16 = vector.broadcast %get3A_15 : vector<1x128xf32> to vector<640x128xf32>
    %add3A_17 = arith.addf %mul3A_12, %add3A_16 : vector<640x128xf32>
    %max3A = arith.constant 0.000000e+00 : f32
    %max3A_18 = vector.broadcast %max3A : f32 to vector<640x128xf32>
    %max3A_19 = arith.maximumf %add3A_17, %max3A_18 : vector<640x128xf32>
    %swap3A = arith.constant 0 : index
    %swap3A_20 = arith.constant 0 : index
    %swap3A_21 = vector.load %arg15[%swap3A, %swap3A_20] : memref<640x128xf32, #tpu.memory_space<vmem>>, vector<640x128xf32>
    tpu.vector_store %arg15[%swap3A, %swap3A_20], %max3A_19 {strides = array<i32>} : memref<640x128xf32, #tpu.memory_space<vmem>>, vector<640x128xf32>,
    %get3A_22 = arith.constant 0 : index
    %get3A_23 = arith.constant 0 : index
    %get3A_24 = vector.load %arg6[%get3A_22, %get3A_23] : memref<640x1xi32, #tpu.memory_space<vmem>>, vector<640x1xi32>
    %iota3A = tpu.iota {dimensions = array<i32: 1>} : vector<1x128xi32>
    %eq3A = vector.broadcast %get3A_24 : vector<640x1xi32> to vector<640x128xi32>
    %eq3A_25 = vector.broadcast %iota3A : vector<1x128xi32> to vector<640x128xi32>
    %eq3A_26 = arith.cmpi eq, %eq3A, %eq3A_25 : vector<640x128xi32>
    %convert_element_type3A = arith.extui %eq3A_26 : vector<640x128xi1> to vector<640x128xi32>
    %convert_element_type3A_27 = arith.sitofp %convert_element_type3A : vector<640x128xi32> to vector<640x128xf32>
    %dot_general3A = arith.constant dense<0.000000e+00> : vector<128x128xf32>
    %dot_general3A_28 = tpu.matmul %convert_element_type3A_27, %max3A_19, %dot_general3A {dimension_numbers = #tpu.dot_dimension_numbers<[0], [0], [1], [1], [0, 1, 1, 1], [], []>, transpose_lhs_hint = false} : vector<640x128xf32>, vector<640x128xf32>, vector<128x128xf32> -> vector<128x128xf32>
    %broadcast_in_dim3A = arith.constant 1.000000e+00 : f32
    %broadcast_in_dim3A_29 = vector.broadcast %broadcast_in_dim3A : f32 to vector<640x128xf32>
    %dot_general3A_30 = arith.constant dense<0.000000e+00> : vector<128x128xf32>
    %dot_general3A_31 = tpu.matmul %convert_element_type3A_27, %broadcast_in_dim3A_29, %dot_general3A_30 {dimension_numbers = #tpu.dot_dimension_numbers<[0], [0], [1], [1], [0, 1, 1, 1], [], []>, transpose_lhs_hint = false} : vector<640x128xf32>, vector<640x128xf32>, vector<128x128xf32> -> vector<128x128xf32>
    %eq3A_32 = arith.constant 0 : i32
    %eq3A_33 = arith.cmpi eq, %arg0, %eq3A_32 : i32
    %convert_element_type3A_34 = arith.extui %eq3A_33 : i1 to i32
    %cond3A = arith.constant 0 : i32
    %cond3A_35 = arith.cmpi ne, %convert_element_type3A_34, %cond3A : i32
    scf.if %cond3A_35 {
      %broadcast_in_dim3A_55 = arith.constant 0.000000e+00 : f32
      %broadcast_in_dim3A_56 = vector.broadcast %broadcast_in_dim3A_55 : f32 to vector<128x128xf32>
      %swap3A_57 = arith.constant 0 : index
      %swap3A_58 = arith.constant 0 : index
      %swap3A_59 = vector.load %arg19[%swap3A_57, %swap3A_58] : memref<128x128xf32, #tpu.memory_space<vmem>>, vector<128x128xf32>
      tpu.vector_store %arg19[%swap3A_57, %swap3A_58], %broadcast_in_dim3A_56 {strides = array<i32>} : memref<128x128xf32, #tpu.memory_space<vmem>>, vector<128x128xf32>,
      %broadcast_in_dim3A_60 = arith.constant 0.000000e+00 : f32
      %broadcast_in_dim3A_61 = vector.broadcast %broadcast_in_dim3A_60 : f32 to vector<128x128xf32>
      %swap3A_62 = arith.constant 0 : index
      %swap3A_63 = arith.constant 0 : index
      %swap3A_64 = vector.load %arg20[%swap3A_62, %swap3A_63] : memref<128x128xf32, #tpu.memory_space<vmem>>, vector<128x128xf32>
      tpu.vector_store %arg20[%swap3A_62, %swap3A_63], %broadcast_in_dim3A_61 {strides = array<i32>} : memref<128x128xf32, #tpu.memory_space<vmem>>, vector<128x128xf32>,
    } else {
    }
    %get3A_36 = arith.constant 0 : index
    %get3A_37 = arith.constant 0 : index
    %get3A_38 = vector.load %arg19[%get3A_36, %get3A_37] : memref<128x128xf32, #tpu.memory_space<vmem>>, vector<128x128xf32>
    %add3A_39 = arith.addf %get3A_38, %dot_general3A_28 : vector<128x128xf32>
    %swap3A_40 = arith.constant 0 : index
    %swap3A_41 = arith.constant 0 : index
    %swap3A_42 = vector.load %arg19[%swap3A_40, %swap3A_41] : memref<128x128xf32, #tpu.memory_space<vmem>>, vector<128x128xf32>
    tpu.vector_store %arg19[%swap3A_40, %swap3A_41], %add3A_39 {strides = array<i32>} : memref<128x128xf32, #tpu.memory_space<vmem>>, vector<128x128xf32>,
    %get3A_43 = arith.constant 0 : index
    %get3A_44 = arith.constant 0 : index
    %get3A_45 = vector.load %arg20[%get3A_43, %get3A_44] : memref<128x128xf32, #tpu.memory_space<vmem>>, vector<128x128xf32>
    %add3A_46 = arith.addf %get3A_45, %dot_general3A_31 : vector<128x128xf32>
    %swap3A_47 = arith.constant 0 : index
    %swap3A_48 = arith.constant 0 : index
    %swap3A_49 = vector.load %arg20[%swap3A_47, %swap3A_48] : memref<128x128xf32, #tpu.memory_space<vmem>>, vector<128x128xf32>
    tpu.vector_store %arg20[%swap3A_47, %swap3A_48], %add3A_46 {strides = array<i32>} : memref<128x128xf32, #tpu.memory_space<vmem>>, vector<128x128xf32>,
    %eq3A_50 = arith.constant 15 : i32
    %eq3A_51 = arith.cmpi eq, %arg0, %eq3A_50 : i32
    %convert_element_type3A_52 = arith.extui %eq3A_51 : i1 to i32
    %cond3A_53 = arith.constant 0 : i32
    %cond3A_54 = arith.cmpi ne, %convert_element_type3A_52, %cond3A_53 : i32
    scf.if %cond3A_54 {
      %get3A_55 = arith.constant 0 : index
      %get3A_56 = arith.constant 0 : index
      %get3A_57 = vector.load %arg19[%get3A_55, %get3A_56] : memref<128x128xf32, #tpu.memory_space<vmem>>, vector<128x128xf32>
      %get3A_58 = arith.constant 0 : index
      %get3A_59 = arith.constant 0 : index
      %get3A_60 = vector.load %arg20[%get3A_58, %get3A_59] : memref<128x128xf32, #tpu.memory_space<vmem>>, vector<128x128xf32>
      %max3A_61 = arith.constant 1.000000e+00 : f32
      %max3A_62 = vector.broadcast %max3A_61 : f32 to vector<128x128xf32>
      %max3A_63 = arith.maximumf %get3A_60, %max3A_62 : vector<128x128xf32>
      %div3A = arith.divf %get3A_57, %max3A_63 : vector<128x128xf32>
      %swap3A_64 = arith.constant 0 : index
      %swap3A_65 = arith.constant 0 : index
      %swap3A_66 = vector.load %arg16[%swap3A_64, %swap3A_65] : memref<128x128xf32, #tpu.memory_space<vmem>>, vector<128x128xf32>
      tpu.vector_store %arg16[%swap3A_64, %swap3A_65], %div3A {strides = array<i32>} : memref<128x128xf32, #tpu.memory_space<vmem>>, vector<128x128xf32>,
      %get3A_67 = arith.constant 0 : index
      %get3A_68 = arith.constant 0 : index
      %get3A_69 = vector.load %arg7[%get3A_67, %get3A_68] : memref<128x128xf32, #tpu.memory_space<vmem>>, vector<128x128xf32>
      %dot_general3A_70 = arith.constant dense<0.000000e+00> : vector<128x128xf32>
      %dot_general3A_71 = tpu.matmul %div3A, %get3A_69, %dot_general3A_70 {dimension_numbers = #tpu.dot_dimension_numbers<[1], [0], [0], [1], [0, 0, 1, 1], [], []>, transpose_lhs_hint = false} : vector<128x128xf32>, vector<128x128xf32>, vector<128x128xf32> -> vector<128x128xf32>
      %get3A_72 = arith.constant 0 : index
      %get3A_73 = arith.constant 0 : index
      %get3A_74 = vector.load %arg8[%get3A_72, %get3A_73] : memref<1x128xf32, #tpu.memory_space<vmem>>, vector<1x128xf32>
      %add3A_75 = vector.broadcast %get3A_74 : vector<1x128xf32> to vector<128x128xf32>
      %add3A_76 = arith.addf %dot_general3A_71, %add3A_75 : vector<128x128xf32>
      %max3A_77 = arith.constant 0.000000e+00 : f32
      %max3A_78 = vector.broadcast %max3A_77 : f32 to vector<128x128xf32>
      %max3A_79 = arith.maximumf %add3A_76, %max3A_78 : vector<128x128xf32>
      %get3A_80 = arith.constant 0 : index
      %get3A_81 = arith.constant 0 : index
      %get3A_82 = vector.load %arg9[%get3A_80, %get3A_81] : memref<128x128xf32, #tpu.memory_space<vmem>>, vector<128x128xf32>
      %dot_general3A_83 = arith.constant dense<0.000000e+00> : vector<128x128xf32>
      %dot_general3A_84 = tpu.matmul %max3A_79, %get3A_82, %dot_general3A_83 {dimension_numbers = #tpu.dot_dimension_numbers<[1], [0], [0], [1], [0, 0, 1, 1], [], []>, transpose_lhs_hint = false} : vector<128x128xf32>, vector<128x128xf32>, vector<128x128xf32> -> vector<128x128xf32>
      %get3A_85 = arith.constant 0 : index
      %get3A_86 = arith.constant 0 : index
      %get3A_87 = vector.load %arg10[%get3A_85, %get3A_86] : memref<1x128xf32, #tpu.memory_space<vmem>>, vector<1x128xf32>
      %add3A_88 = vector.broadcast %get3A_87 : vector<1x128xf32> to vector<128x128xf32>
      %add3A_89 = arith.addf %dot_general3A_84, %add3A_88 : vector<128x128xf32>
      %swap3A_90 = arith.constant 0 : index
      %swap3A_91 = arith.constant 0 : index
      %swap3A_92 = vector.load %arg17[%swap3A_90, %swap3A_91] : memref<128x128xf32, #tpu.memory_space<vmem>>, vector<128x128xf32>
      tpu.vector_store %arg17[%swap3A_90, %swap3A_91], %add3A_89 {strides = array<i32>} : memref<128x128xf32, #tpu.memory_space<vmem>>, vector<128x128xf32>,
      %get3A_93 = arith.constant 0 : index
      %get3A_94 = arith.constant 0 : index
      %get3A_95 = vector.load %arg11[%get3A_93, %get3A_94] : memref<128x128xf32, #tpu.memory_space<vmem>>, vector<128x128xf32>
      %dot_general3A_96 = arith.constant dense<0.000000e+00> : vector<128x128xf32>
      %dot_general3A_97 = tpu.matmul %div3A, %get3A_95, %dot_general3A_96 {dimension_numbers = #tpu.dot_dimension_numbers<[1], [0], [0], [1], [0, 0, 1, 1], [], []>, transpose_lhs_hint = false} : vector<128x128xf32>, vector<128x128xf32>, vector<128x128xf32> -> vector<128x128xf32>
      %get3A_98 = arith.constant 0 : index
      %get3A_99 = arith.constant 0 : index
      %get3A_100 = vector.load %arg12[%get3A_98, %get3A_99] : memref<1x128xf32, #tpu.memory_space<vmem>>, vector<1x128xf32>
      %add3A_101 = vector.broadcast %get3A_100 : vector<1x128xf32> to vector<128x128xf32>
      %add3A_102 = arith.addf %dot_general3A_97, %add3A_101 : vector<128x128xf32>
      %max3A_103 = arith.constant 0.000000e+00 : f32
      %max3A_104 = vector.broadcast %max3A_103 : f32 to vector<128x128xf32>
      %max3A_105 = arith.maximumf %add3A_102, %max3A_104 : vector<128x128xf32>
      %get3A_106 = arith.constant 0 : index
      %get3A_107 = arith.constant 0 : index
      %get3A_108 = vector.load %arg13[%get3A_106, %get3A_107] : memref<128x128xf32, #tpu.memory_space<vmem>>, vector<128x128xf32>
      %dot_general3A_109 = arith.constant dense<0.000000e+00> : vector<128x128xf32>
      %dot_general3A_110 = tpu.matmul %max3A_105, %get3A_108, %dot_general3A_109 {dimension_numbers = #tpu.dot_dimension_numbers<[1], [0], [0], [1], [0, 0, 1, 1], [], []>, transpose_lhs_hint = false} : vector<128x128xf32>, vector<128x128xf32>, vector<128x128xf32> -> vector<128x128xf32>
      %get3A_111 = arith.constant 0 : index
      %get3A_112 = arith.constant 0 : index
      %get3A_113 = vector.load %arg14[%get3A_111, %get3A_112] : memref<1x128xf32, #tpu.memory_space<vmem>>, vector<1x128xf32>
      %add3A_114 = vector.broadcast %get3A_113 : vector<1x128xf32> to vector<128x128xf32>
      %add3A_115 = arith.addf %dot_general3A_110, %add3A_114 : vector<128x128xf32>
      %swap3A_116 = arith.constant 0 : index
      %swap3A_117 = arith.constant 0 : index
      %swap3A_118 = vector.load %arg18[%swap3A_116, %swap3A_117] : memref<128x128xf32, #tpu.memory_space<vmem>>, vector<128x128xf32>
      tpu.vector_store %arg18[%swap3A_116, %swap3A_117], %add3A_115 {strides = array<i32>} : memref<128x128xf32, #tpu.memory_space<vmem>>, vector<128x128xf32>,
    } else {
    }
    return
  }
  func.func @transform_0(%arg0: i32) -> (i32, i32) {
    %c0_i32 = arith.constant 0 : i32
    %c0_i32_0 = arith.constant 0 : i32
    return %arg0, %c0_i32 : i32, i32
  }
  func.func @transform_1(%arg0: i32) -> (i32, i32) {
    %c0_i32 = arith.constant 0 : i32
    %c0_i32_0 = arith.constant 0 : i32
    return %arg0, %c0_i32 : i32, i32
  }
  func.func @transform_2(%arg0: i32) -> (i32, i32) {
    %c0_i32 = arith.constant 0 : i32
    %c0_i32_0 = arith.constant 0 : i32
    return %arg0, %c0_i32 : i32, i32
  }
  func.func @transform_3(%arg0: i32) -> (i32, i32) {
    %c0_i32 = arith.constant 0 : i32
    %c0_i32_0 = arith.constant 0 : i32
    return %arg0, %c0_i32 : i32, i32
  }
  func.func @transform_4(%arg0: i32) -> (i32, i32) {
    %c0_i32 = arith.constant 0 : i32
    %c0_i32_0 = arith.constant 0 : i32
    %c0_i32_1 = arith.constant 0 : i32
    return %c0_i32, %c0_i32_0 : i32, i32
  }
  func.func @transform_5(%arg0: i32) -> (i32, i32) {
    %c0_i32 = arith.constant 0 : i32
    %c0_i32_0 = arith.constant 0 : i32
    return %arg0, %c0_i32 : i32, i32
  }
  func.func @transform_6(%arg0: i32) -> (i32, i32) {
    %c0_i32 = arith.constant 0 : i32
    %c0_i32_0 = arith.constant 0 : i32
    %c0_i32_1 = arith.constant 0 : i32
    return %c0_i32, %c0_i32_0 : i32, i32
  }
  func.func @transform_7(%arg0: i32) -> (i32, i32) {
    %c0_i32 = arith.constant 0 : i32
    %c0_i32_0 = arith.constant 0 : i32
    %c0_i32_1 = arith.constant 0 : i32
    return %c0_i32, %c0_i32_0 : i32, i32
  }
  func.func @transform_8(%arg0: i32) -> (i32, i32) {
    %c0_i32 = arith.constant 0 : i32
    %c0_i32_0 = arith.constant 0 : i32
    %c0_i32_1 = arith.constant 0 : i32
    return %c0_i32, %c0_i32_0 : i32, i32
  }
  func.func @transform_9(%arg0: i32) -> (i32, i32) {
    %c0_i32 = arith.constant 0 : i32
    %c0_i32_0 = arith.constant 0 : i32
    %c0_i32_1 = arith.constant 0 : i32
    return %c0_i32, %c0_i32_0 : i32, i32
  }
  func.func @transform_10(%arg0: i32) -> (i32, i32) {
    %c0_i32 = arith.constant 0 : i32
    %c0_i32_0 = arith.constant 0 : i32
    %c0_i32_1 = arith.constant 0 : i32
    return %c0_i32, %c0_i32_0 : i32, i32
  }
  func.func @transform_11(%arg0: i32) -> (i32, i32) {
    %c0_i32 = arith.constant 0 : i32
    %c0_i32_0 = arith.constant 0 : i32
    %c0_i32_1 = arith.constant 0 : i32
    return %c0_i32, %c0_i32_0 : i32, i32
  }
  func.func @transform_12(%arg0: i32) -> (i32, i32) {
    %c0_i32 = arith.constant 0 : i32
    %c0_i32_0 = arith.constant 0 : i32
    %c0_i32_1 = arith.constant 0 : i32
    return %c0_i32, %c0_i32_0 : i32, i32
  }
  func.func @transform_13(%arg0: i32) -> (i32, i32) {
    %c0_i32 = arith.constant 0 : i32
    %c0_i32_0 = arith.constant 0 : i32
    %c0_i32_1 = arith.constant 0 : i32
    return %c0_i32, %c0_i32_0 : i32, i32
  }
  func.func @transform_14(%arg0: i32) -> (i32, i32) {
    %c0_i32 = arith.constant 0 : i32
    %c0_i32_0 = arith.constant 0 : i32
    return %arg0, %c0_i32 : i32, i32
  }
  func.func @transform_15(%arg0: i32) -> (i32, i32) {
    %c0_i32 = arith.constant 0 : i32
    %c0_i32_0 = arith.constant 0 : i32
    %c0_i32_1 = arith.constant 0 : i32
    return %c0_i32, %c0_i32_0 : i32, i32
  }
  func.func @transform_16(%arg0: i32) -> (i32, i32) {
    %c0_i32 = arith.constant 0 : i32
    %c0_i32_0 = arith.constant 0 : i32
    %c0_i32_1 = arith.constant 0 : i32
    return %c0_i32, %c0_i32_0 : i32, i32
  }
  func.func @transform_17(%arg0: i32) -> (i32, i32) {
    %c0_i32 = arith.constant 0 : i32
    %c0_i32_0 = arith.constant 0 : i32
    %c0_i32_1 = arith.constant 0 : i32
    return %c0_i32, %c0_i32_0 : i32, i32
  }
}

</mosaic_0001>

<sc_bundles>
// kernel: kernel.11.cloned.1.call-start
scs
__scs_entry_jumppad:
0x0: {  	(pc) =	sbr.rel $0x88, $3  }
0x1: {  	(tag) =	ssettag $0x0;
	lr =	simm.s32 $0x1  }
0x2: {  	[smem:$0x3F90] =	sst lr;
	_ =	strace $0xD0000000  }
0x3: {  	_ = 	snop  }
0x4: {  	_ = 	snop  }
0x5: {  	_ = 	snop  }
0x6: {  	_ = 	snop  }
0x7: {  	_ = 	snop  }
__scs_overlays_trampoline_lowered:
0x8: {  	[smem:$0x3F9F] =	sst s0  }
0x9: {  	[smem:$0x3FA0] =	sst s1  }
0xa: {  	[smem:$0x3FA1] =	sst s2  }
0xb: {  	[smem:$0x3FA2] =	sst s3  }
0xc: {  	[smem:$0x3FA3] =	sst s4  }
0xd: {  	[smem:$0x3FA4] =	sst s5  }
0xe: {  	[smem:$0x3FA5] =	sst s6  }
0xf: {  	[smem:$0x3FA6] =	sst s7  }
0x10: {  	[smem:$0x3FA7] =	sst s8  }
0x11: {  	[smem:$0x3FA8] =	sst s9;
	s0 =	simm.s32 @!p0 $0x0  }
0x12: {  	s1 =	sld [smem:$0x3F8E];
	s0 =	simm.s32 @p0 $0x1  }
0x13: {  	[smem:$0x3FA9] =	sst s0;
	s0 =	simm.s32 @!p1 $0x0  }
0x14: {  	s2 =	sld [smem:$0x3F8D];
	s0 =	simm.s32 @p1 $0x1  }
0x15: {  	[smem:$0x3FAA] =	sst s0;
	s0 =	simm.s32 @!p2 $0x0  }
0x16: {  	s3 =	sld [smem:$0x3FDB];
	s0 =	simm.s32 @p2 $0x1  }
0x17: {  	s4 =	simm.s32 $0x1BF5;
	[smem:$0x3FAC] =	sst s0  }
0x18: {  	s0 =	sld [smem:$0x3F8F];
	_ =	swait.ge [sflag:s4], $0x0  }
0x19: {  	s7 =	sld [smem:$0x3F90]  }
0x1a: {  	s8 =	sadd.s32 $0xFFFFE003, lr  }
0x1b: {  	s9 =	sadd.s32 $0xFFFFFEF7, lr;
	s5 =	simm.s32 $0xFFFFFFFF;
	p2 =	slt.u32 s8, $0xFFFFF086  }
0x1c: {  	p1 =	slt.u32 s9, $0xF7A;
	s5 =	simm.s32 @!p2 $0x0  }
0x1d: {  	s5 =	simm.s32 @p1 $0x1;
	p0 =	seq.s32 s7, s2  }
0x1e: {  	s7 =	smul.u32 @!p0 $0xF7A, s2;
	p2 =	seq.s32 @!p0 s5, $0x0  }
0x1f: {  	s9 =	smul.u32 $0xF7A, s1;
	s8 =	simm.s32 @!p0 $0x1BF5;
	p2 =	por !p2, p0  }
0x20: {  	[sflag:s8] =	ssyncset.s32 @!p0 $0xFFFFF086;
	s6 =	sadd.s32 @!p0 s3, s7;
	s7 =	simm.s32 @!p0 $0x108  }
0x21: {  	s3 =	sadd.s32 s3, s9;
	s6 =	sadd.s32 @!p0 $0x88, s6;
	s7 =	simm.s32 @p2 $0x1082  }
0x22: {  	[simem:s7], [sflag:s8] =	dma.local @!p0 [hbm:s6], $0xF7A  }
0x23: {  	s9 =	sor.u32 $0xD0000000, s2;
	s6 =	simm.s32 $0x108;
	_ =	swait.ge @!p0 [sflag:s8], $0x0  }
0x24: {  	s3 =	sadd.s32 $0x88, s3;
	s6 =	simm.s32 @!p1 $0x1082;
	[sflag:s4] =	ssyncset.s32 $0xFFFFF086  }
0x25: {  	[simem:s6], [sflag:s4] =	dma.local [hbm:s3], $0xF7A  }
0x26: {  	[smem:$0x3F90] =	sst s1;
	(tag) =	ssettag s2;
	_ =	strace s9  }
0x27: {  	s1 =	sld [smem:$0x3FA0]  }
0x28: {  	s2 =	sld [smem:$0x3FA1]  }
0x29: {  	s4 =	sld [smem:$0x3FA3]  }
0x2a: {  	p0 =	seq.s32 s5, $0x0;
	s5 =	sld [smem:$0x3FA4]  }
0x2b: {  	s6 =	sld [smem:$0x3FA5]  }
0x2c: {  	s7 =	sld [smem:$0x3FA6]  }
0x2d: {  	s3 =	simm.s32 $0x108;
	s8 =	sld [smem:$0x3FA7]  }
0x2e: {  	s3 =	simm.s32 @!p0 $0x1082;
	s9 =	sld [smem:$0x3FA8]  }
0x2f: {  	lr =	sadd.s32 s0, s3;
	s0 =	sld [smem:$0x3F9F]  }
0x30: {  	s3 =	sld [smem:$0x3FA2]  }
0x31: {  	[smem:$0x3FAB] =	sst s10  }
0x32: {  	s10 =	sld [smem:$0x3FA9];
	_ =	sdelay $0x3  }
0x33: {  	p0 =	seq.s32 s10, $0x1;
	s10 =	sld [smem:$0x3FAB];
	_ =	sdelay $0x3  }
0x34: {  	[smem:$0x3FAB] =	sst s10  }
0x35: {  	s10 =	sld [smem:$0x3FAA];
	_ =	sdelay $0x3  }
0x36: {  	p1 =	seq.s32 s10, $0x1;
	s10 =	sld [smem:$0x3FAB];
	_ =	sdelay $0x3  }
0x37: {  	[smem:$0x3FAB] =	sst s10  }
0x38: {  	s10 =	sld [smem:$0x3FAC]  }
0x39: {  	_ = 	snop;
	(pc) =	sbr.ind lr, $3  }
0x3a: {  	_ = 	snop  }
0x3b: {  	_ = 	snop  }
0x3c: {  	p2 =	seq.s32 s10, $0x1;
	s10 =	sld [smem:$0x3FAB]  }
0x3d: {  	_ =	shalt  }
0x3e: {  	_ =	shalt  }
0x3f: {  	_ =	shalt  }
0x40: {  	_ =	shalt  }
0x41: {  	_ =	shalt  }
0x42: {  	_ =	shalt  }
0x43: {  	_ =	shalt  }
0x44: {  	_ =	shalt  }
0x45: {  	_ =	shalt  }
0x46: {  	_ =	shalt  }
0x47: {  	_ =	shalt  }
0x48: {  	_ =	shalt  }
0x49: {  	_ =	shalt  }
0x4a: {  	_ =	shalt  }
0x4b: {  	_ =	shalt  }
0x4c: {  	_ =	shalt  }
0x4d: {  	_ =	shalt  }
0x4e: {  	_ =	shalt  }
0x4f: {  	_ =	shalt  }
0x50: {  	_ =	shalt  }
0x51: {  	_ =	shalt  }
0x52: {  	_ =	shalt  }
0x53: {  	_ =	shalt  }
0x54: {  	_ =	shalt  }
0x55: {  	_ =	shalt  }
0x56: {  	_ =	shalt  }
0x57: {  	_ =	shalt  }
0x58: {  	_ =	shalt  }
0x59: {  	_ =	shalt  }
0x5a: {  	_ =	shalt  }
0x5b: {  	_ =	shalt  }
0x5c: {  	_ =	shalt  }
0x5d: {  	_ =	shalt  }
0x5e: {  	_ =	shalt  }
0x5f: {  	_ =	shalt  }
0x60: {  	_ =	shalt  }
0x61: {  	_ =	shalt  }
0x62: {  	_ =	shalt  }
0x63: {  	_ =	shalt  }
0x64: {  	_ =	shalt  }
0x65: {  	_ =	shalt  }
0x66: {  	_ =	shalt  }
0x67: {  	_ =	shalt  }
0x68: {  	_ =	shalt  }
0x69: {  	_ =	shalt  }
0x6a: {  	_ =	shalt  }
0x6b: {  	_ =	shalt  }
0x6c: {  	_ =	shalt  }
0x6d: {  	_ =	shalt  }
0x6e: {  	_ =	shalt  }
0x6f: {  	_ =	shalt  }
0x70: {  	_ =	shalt  }
0x71: {  	_ =	shalt  }
0x72: {  	_ =	shalt  }
0x73: {  	_ =	shalt  }
0x74: {  	_ =	shalt  }
0x75: {  	_ =	shalt  }
0x76: {  	_ =	shalt  }
0x77: {  	_ =	shalt  }
0x78: {  	_ =	shalt  }
0x79: {  	_ =	shalt  }
0x7a: {  	_ =	shalt  }
0x7b: {  	_ =	shalt  }
0x7c: {  	_ =	shalt  }
0x7d: {  	_ =	shalt  }
0x7e: {  	_ =	shalt  }
0x7f: {  	_ =	shalt  }
0x80: {  	_ =	shalt  }
0x81: {  	_ =	shalt  }
0x82: {  	_ =	shalt  }
0x83: {  	_ =	shalt  }
0x84: {  	_ =	shalt  }
0x85: {  	_ =	shalt  }
0x86: {  	_ =	shalt  }
0x87: {  	_ =	shalt  }
.Lfunc_end0:
.L_simem_size_0:
called_computation_lowered:
.L_overlay_start_0:
0x88: {  	s2 =	sld [smem:$0x3FD9]  }
0x89: {  	s3 =	sld [smem:$0x3FFE];
	_ =	sdelay $0x1  }
0x8a: {  	s1 =	srdreg.scid  }
0x8b: {  	s0 =	sand.u32 $0x1, s1  }
0x8c: {  	s14 =	sshll.u32 s0, $0xA;
	s2 =	sadd.s32 s3, s2  }
0x8d: {  	s2 =	sadd.s32 s2, s14  }
0x8e: {  	[smem:$0x3FB7] =	sst s2  }
0x8f: {  	_ = 	snop  }
0x90: {  	s2 =	sld [smem:$0x3FD0];
	_ =	sdelay $0x2  }
0x91: {  	s15 =	simm.s32 $0xA;
	s4 =	simm.s32 $0x10  }
0x92: {  	[smem:s4], [sflag:s15] =	dma.local [hbm:s2], $0x1  }
0x93: {  	_ =	swait.eq [sflag:s15], $0x1  }
0x94: {  	[sflag:s15] =	ssyncset.done $0x0  }
0x95: {  	[sflag:s15] =	ssyncadd.s32 $0xFFFFFFFF  }
0x96: {  	s16 =	sld [smem:$0x10];
	(tm) =	ssettm $0x1  }
0x97: {  	s17 =	sld [smem:$0x3FFB];
	_ =	sdelay $0x3  }
0x98: {  	_ =	strace s17  }
0x99: {  	s3 =	sld [smem:$0x3FFC];
	_ =	sdelay $0x3  }
0x9a: {  	_ =	strace s3  }
0x9b: {  	s3 =	sld [smem:$0x3FFD];
	_ =	sdelay $0x3  }
0x9c: {  	_ =	strace s3  }
0x9d: {  	_ =	strace $0x8FFFFFFF  }
0x9e: {  	s18 =	sld [smem:$0x3FDB];
	_ =	sdelay $0x1  }
0x9f: {  	s19 =	simm.s32 $_scs_section_size  }
0xa0: {  	s5 =	simm.s32 $_size__tile_overlayer_lowered;
	s6 =	simm.s32 $_tile_overlayer_lowered  }
0xa1: {  	s22 =	simm.s32 $0x1BFF;
	s21 =	sshll.u32 s6, $0x1;
	s3 =	sadd.s32 s19, s18  }
0xa2: {  	s7 =	simm.s32 $0x0;
	s20 =	sshll.u32 s5, $0x1;
	s5 =	sadd.s32 s21, s3  }
0xa3: {  	[timem:s7], [sflag:s22] =	dma.local [hbm:s5], s20  }
0xa4: {  	_ =	swait.ge [sflag:s22], s20  }
0xa5: {  	s4 =	ssub.s32 $0x0, s20;
	[sflag:s22] =	ssyncset.done $0x0  }
0xa6: {  	[sflag:s22] =	ssyncadd.s32 s4;
	_ =	sdelay $0x1  }
0xa7: {  	s23 =	simm.s32 $0x1B8B  }
0xa8: {  	_ =	swait.ge [sflag:s23], $0x1  }
0xa9: {  	[sflag:s23] =	ssyncset.done $0x0  }
0xaa: {  	s25 =	simm.s32 $0x1B8E;
	s24 =	sld [smem:$0x3FFE];
	[sflag:s23] =	ssyncadd.s32 $0xFFFFFFFF  }
0xab: {  	s26 =	simm.s32 $execute0_lowered;
	[smem:$0x3FD2] =	sst s25  }
0xac: {  	s5 =	sshll.u32 s26, $0x1;
	_ =	strace $0x80000046;
	[dreg:$0x1] =	wrdreg $0xFFFFFFFF  }
0xad: {  	s28 =	simm.s32 $_size_execute0_lowered;
	s3 =	sadd.s32 s3, s5;
	[dreg:$0x0] =	wrdreg $0x0  }
0xae: {  	s5 =	sshll.u32 s28, $0x1;
	[dreg:$0x2] =	wrdreg s3  }
0xaf: {  	[dreg:$0x3] =	wrdreg s5  }
0xb0: {  	[dreg:$0x4] =	wrdreg $0xC0  }
0xb1: {  	_ =	task [dreg:s7], $0x5FFFF  }
0xb2: {  	[dreg:$0x1] =	wrdreg $0xFFFFFFFF  }
0xb3: {  	[dreg:$0x0] =	wrdreg $0x60  }
0xb4: {  	[dreg:$0x2] =	wrdreg s24  }
0xb5: {  	[dreg:$0x3] =	wrdreg s16  }
0xb6: {  	[dreg:$0x4] =	wrdreg $0x9  }
0xb7: {  	_ =	task.clear_ibuf [dreg:s7], $0x5FFFF;
	_ =	strace $0x90000046  }
0xb8: {  	s29 =	simm.s32 $0x9;
	_ =	strace $0x80000048  }
0xb9: {  	_ =	swait.ge [sflag:s29], $0x1  }
0xba: {  	[sflag:s29] =	ssyncadd.s32 $0xFFFFFFFF  }
0xbb: {  	_ =	strace $0x90000048  }
0xbc: {  	_ =	sfence  }
0xbd: {  	s30 =	sld [smem:$0x0];
	_ =	sdelay $0x2  }
0xbe: {  	s31 =	sshll.u32 s1, $0xD;
	s1 =	sshrl.u32 s1, $0x2  }
0xbf: {  	s3 =	sand.u32 $0x4000, s31;
	s1 =	sadd.s32 s1, s30  }
0xc0: {  	s0 =	sor.u32 s3, s0;
	s1 =	sshll.u32 s1, $0x11  }
0xc1: {  	s0 =	sor.u32 s1, s0  }
0xc2: {  	s0 =	sadd.s32 $0x8F2B, s0  }
0xc3: {  	[sflag:s0] =	ssyncadd.remote.s32 $0x1  }
0xc4: {  	_ =	sfence.sel $0xFFFF  }
0xc5: {  	[dreg:$0x0] =	wrdreg $0xFFFFFFFF;
	(pc) =	sbr.abs _section_cstart, $3  }
0xc6: {  	[dreg:$0x1] =	wrdreg $0xFFFFFFFF  }
0xc7: {  	_ =	task.clear_ibuf [dreg:s7], $0x2FFFF;
	_ =	strace $0x9FFFFFFF  }
0xc8: {  	(tm) =	ssettm $0x7FFFFFFF  }
0xc9: {  	_ =	shalt  }
tec
execute0_lowered:
.L_overlay_start_1:
0x0: {  	(tag) =	ssettag $0x1  }
0x1: {  	s0 =	srdreg.scid;
	s3 =	rddreg [dreg:$0x0]  }
0x2: {  	s5 =	rddreg [dreg:$0x1];
	s1 =	stileid.u32;
	s4 =	sand.u32 $0x1, s0  }
0x3: {  	s9 =	simm.s32 $0x400;
	s0 =	rddreg [dreg:$0x2];
	s2 =	sshll.u32 s4, $0x4  }
0x4: {  	s8 =	sshll.u32 s1, $0x7;
	s4 =	ssub.s32 $0x2, s4;
	s6 =	sor.u32 s1, s2  }
0x5: {  	s2 =	simm.s32 $0x0;
	s7 =	smul.u32 $0x500, s6;
	s6 =	sshrl.u32 s6, $0x3  }
0x6: {  	s8 =	sand.u32 $0x380, s8;
	[smem:$0x7FF] =	sst s2;
	s6 =	smul.u32 $0x14000, s6  }
0x7: {  	s30 =	sshrl.u32 s4, $0x1;
	_ =	strace $0x80000047;
	s3 =	sadd.s32 s7, s3  }
0x8: {  	s7 =	ssub.s32 s4, s30;
	s6 =	sor.u32 s8, s6;
	s3 =	sadd.s32 $0x10400, s3  }
0x9: {  	s8 =	simm.s32 $0x80;
	s31 =	sshrl.u32 s6, $0x3;
	s6 =	simm.s32 $0x1  }
0xa: {  	v0 =	vimm.f32 $0.0e+00;
	v1 =	vimm.f32 $1.000000000e+00;
	s4 =	sadd.s32 s5, s31;
	s5 =	smax.u32 s7, $0x1;
	s7 =	simm.s32 $0x2800  }
.LBB2_1:
0xb: {  	s10 =	simm.s32 $0x40;
	s11 =	simm.s32 $0x0  }
.LBB2_2:
0xc: {  	p0 =	sne.s32 s10, $0x9FC0;
	[tilespmem:s11+$0x2800] =	vst v0;
	s11 =	smov.u32 s10;
	s10 =	sadd.s32 $0x40, s10  }
.Ltmp0:
0xd: {  	(pc) =	sbr.rel @p0 .LBB2_2-.Ltmp0, $2  }
0xe: {  	_ =	sdelay $0x2  }
0xf: {  	s11 =	sshra.s32 s11, $0x2  }
0x10: {  	[tilespmem:s11+$0x2800] =	vst v0;
	s10 =	simm.s32 $0x0  }
0x11: {  	[tilespmem:s10], [sflag:$0x1] =	stream.linear.gather [hbm4b:s3+s10], $0x2800, $0x38;
	[tilespmem:$0x5000] =	vst v63  }
0x12: {  	_ =	swait.ge [sflag:s6], $0x2800  }
0x13: {  	[sflag:s6] =	ssyncset.done $0x0  }
0x14: {  	[sflag:s6] =	ssyncadd.s32 $0xFFFFD800  }
.LBB2_4:
0x15: {  	s11 =	sshra.s32 s10, $0x2  }
0x16: {  	v2 =	vld [tilespmem:s11+$0x0];
	_ =	sdelay $0x7  }
0x17: {  	[tilespmem:v2+s7+$0x0] =	vst.idx.add.f32.msk $0xffff, v1  }
0x18: {  	v2 =	vld [tilespmem:s11+$0x10];
	_ =	sdelay $0x7  }
0x19: {  	[tilespmem:v2+s7+$0x0] =	vst.idx.add.f32.msk $0xffff, v1  }
0x1a: {  	v2 =	vld [tilespmem:s11+$0x20];
	_ =	sdelay $0x7  }
0x1b: {  	[tilespmem:v2+s7+$0x0] =	vst.idx.add.f32.msk $0xffff, v1  }
0x1c: {  	v2 =	vld [tilespmem:s11+$0x30];
	_ =	sdelay $0x7  }
0x1d: {  	[tilespmem:v2+s7+$0x0] =	vst.idx.add.f32.msk $0xffff, v1  }
0x1e: {  	v2 =	vld [tilespmem:s11+$0x40];
	_ =	sdelay $0x7  }
0x1f: {  	[tilespmem:v2+s7+$0x0] =	vst.idx.add.f32.msk $0xffff, v1  }
0x20: {  	v2 =	vld [tilespmem:s11+$0x50];
	_ =	sdelay $0x7  }
0x21: {  	[tilespmem:v2+s7+$0x0] =	vst.idx.add.f32.msk $0xffff, v1  }
0x22: {  	v2 =	vld [tilespmem:s11+$0x60];
	_ =	sdelay $0x7  }
0x23: {  	[tilespmem:v2+s7+$0x0] =	vst.idx.add.f32.msk $0xffff, v1  }
0x24: {  	v2 =	vld [tilespmem:s11+$0x70];
	_ =	sdelay $0x2  }
0x25: {  	p0 =	sne.s32 s10, $0x9E00  }
.Ltmp1:
0x26: {  	_ = 	snop;
	(pc) =	sbr.rel @p0 .LBB2_4-.Ltmp1, $2  }
0x27: {  	_ =	sdelay $0x2  }
0x28: {  	s10 =	sadd.s32 $0x200, s10;
	[tilespmem:v2+s7+$0x0] =	vst.idx.add.f32.msk $0xffff, v1  }
0x29: {  	s2 =	sadd.s32 $0x1, s2  }
0x2a: {  	p0 =	sne.s32 s2, s5  }
.Ltmp2:
0x2b: {  	_ = 	snop;
	(pc) =	sbr.rel @p0 .LBB2_1-.Ltmp2, $4  }
0x2c: {  	[hbm4b:s4+s8] =	stream.strided.scatter [tilespmem:s7], [sflag:$0x1], $0x2800, s9, s8, $0x38;
	[tilespmem:$0x5000] =	vst v63  }
0x2d: {  	_ =	swait.ge [sflag:s6], $0x2800  }
0x2e: {  	[sflag:s6] =	ssyncset.done $0x0  }
0x2f: {  	[sflag:s6] =	ssyncadd.s32 $0xFFFFD800  }
0x30: {  	_ =	sfence.sel $0x180000  }
0x31: {  	[bflag:$0x0] =	sbarrier.arrive $0xFFFF  }
0x32: {  	p0 =	sne.s32 s1, $0x0;
	_ =	strace $0x90000047  }
0x33: {  	s0 =	sadd.s32 @!p0 $0x100000, s0;
	[bflag:$0x2] =	sbarrier.arrive $0xFFFF  }
0x34: {  	[sflag:s0] =	ssyncadd.tile.s32 @!p0 $0x1;
	_ =	shalt  }
.Lfunc_end2:
_tile_overlayer_lowered:
.L_overlay_start_2:
0x35: {  	(tag) =	ssettag $0x2  }
0x36: {  	s0 =	rddreg [dreg:$0x0];
	s2 =	stileid.u32  }
0x37: {  	s1 =	rddreg [dreg:$0x1];
	p0 =	sne.s32 s2, $0x0  }
0x38: {  	s3 =	rddreg [dreg:$0x2];
	[bflag:$0x3] =	sbarrier.arrive $0xFFFF;
	s2 =	simm.s32 @!p0 $0x1C01  }
0x39: {  	[timem:s3], [sflag:s2] =	dma.local @!p0 [hbm:s0], s1  }
0x3a: {  	s0 =	simm.s32 @!p0 $0x1  }
0x3b: {  	_ =	swait.ge @!p0 [sflag:s0], s1  }
0x3c: {  	s1 =	ssub.s32 @!p0 $0x0, s1;
	[sflag:s0] =	ssyncset.done @!p0 $0x0  }
0x3d: {  	[sflag:s0] =	ssyncadd.s32 @!p0 s1  }
0x3e: {  	[bflag:$0x3] =	sbarrier.arrive $0xFFFF  }
0x3f: {  	_ =	shalt  }

// kernel: kernel.14.cloned.1.call-start
scs
__scs_entry_jumppad:
0x0: {  	(pc) =	sbr.rel $0x88, $3  }
0x1: {  	(tag) =	ssettag $0x0;
	lr =	simm.s32 $0x1  }
0x2: {  	[smem:$0x3F90] =	sst lr;
	_ =	strace $0xD0000000  }
0x3: {  	_ = 	snop  }
0x4: {  	_ = 	snop  }
0x5: {  	_ = 	snop  }
0x6: {  	_ = 	snop  }
0x7: {  	_ = 	snop  }
__scs_overlays_trampoline_lowered:
0x8: {  	[smem:$0x3F9F] =	sst s0  }
0x9: {  	[smem:$0x3FA0] =	sst s1  }
0xa: {  	[smem:$0x3FA1] =	sst s2  }
0xb: {  	[smem:$0x3FA2] =	sst s3  }
0xc: {  	[smem:$0x3FA3] =	sst s4  }
0xd: {  	[smem:$0x3FA4] =	sst s5  }
0xe: {  	[smem:$0x3FA5] =	sst s6  }
0xf: {  	[smem:$0x3FA6] =	sst s7  }
0x10: {  	[smem:$0x3FA7] =	sst s8  }
0x11: {  	[smem:$0x3FA8] =	sst s9;
	s0 =	simm.s32 @!p0 $0x0  }
0x12: {  	s1 =	sld [smem:$0x3F8E];
	s0 =	simm.s32 @p0 $0x1  }
0x13: {  	[smem:$0x3FA9] =	sst s0;
	s0 =	simm.s32 @!p1 $0x0  }
0x14: {  	s2 =	sld [smem:$0x3F8D];
	s0 =	simm.s32 @p1 $0x1  }
0x15: {  	[smem:$0x3FAA] =	sst s0;
	s0 =	simm.s32 @!p2 $0x0  }
0x16: {  	s3 =	sld [smem:$0x3FDB];
	s0 =	simm.s32 @p2 $0x1  }
0x17: {  	s4 =	simm.s32 $0x1BF5;
	[smem:$0x3FAC] =	sst s0  }
0x18: {  	s0 =	sld [smem:$0x3F8F];
	_ =	swait.ge [sflag:s4], $0x0  }
0x19: {  	s7 =	sld [smem:$0x3F90]  }
0x1a: {  	s8 =	sadd.s32 $0xFFFFE003, lr  }
0x1b: {  	s9 =	sadd.s32 $0xFFFFFEF7, lr;
	s5 =	simm.s32 $0xFFFFFFFF;
	p2 =	slt.u32 s8, $0xFFFFF086  }
0x1c: {  	p1 =	slt.u32 s9, $0xF7A;
	s5 =	simm.s32 @!p2 $0x0  }
0x1d: {  	s5 =	simm.s32 @p1 $0x1;
	p0 =	seq.s32 s7, s2  }
0x1e: {  	s7 =	smul.u32 @!p0 $0xF7A, s2;
	p2 =	seq.s32 @!p0 s5, $0x0  }
0x1f: {  	s9 =	smul.u32 $0xF7A, s1;
	s8 =	simm.s32 @!p0 $0x1BF5;
	p2 =	por !p2, p0  }
0x20: {  	[sflag:s8] =	ssyncset.s32 @!p0 $0xFFFFF086;
	s6 =	sadd.s32 @!p0 s3, s7;
	s7 =	simm.s32 @!p0 $0x108  }
0x21: {  	s3 =	sadd.s32 s3, s9;
	s6 =	sadd.s32 @!p0 $0x88, s6;
	s7 =	simm.s32 @p2 $0x1082  }
0x22: {  	[simem:s7], [sflag:s8] =	dma.local @!p0 [hbm:s6], $0xF7A  }
0x23: {  	s9 =	sor.u32 $0xD0000000, s2;
	s6 =	simm.s32 $0x108;
	_ =	swait.ge @!p0 [sflag:s8], $0x0  }
0x24: {  	s3 =	sadd.s32 $0x88, s3;
	s6 =	simm.s32 @!p1 $0x1082;
	[sflag:s4] =	ssyncset.s32 $0xFFFFF086  }
0x25: {  	[simem:s6], [sflag:s4] =	dma.local [hbm:s3], $0xF7A  }
0x26: {  	[smem:$0x3F90] =	sst s1;
	(tag) =	ssettag s2;
	_ =	strace s9  }
0x27: {  	s1 =	sld [smem:$0x3FA0]  }
0x28: {  	s2 =	sld [smem:$0x3FA1]  }
0x29: {  	s4 =	sld [smem:$0x3FA3]  }
0x2a: {  	p0 =	seq.s32 s5, $0x0;
	s5 =	sld [smem:$0x3FA4]  }
0x2b: {  	s6 =	sld [smem:$0x3FA5]  }
0x2c: {  	s7 =	sld [smem:$0x3FA6]  }
0x2d: {  	s3 =	simm.s32 $0x108;
	s8 =	sld [smem:$0x3FA7]  }
0x2e: {  	s3 =	simm.s32 @!p0 $0x1082;
	s9 =	sld [smem:$0x3FA8]  }
0x2f: {  	lr =	sadd.s32 s0, s3;
	s0 =	sld [smem:$0x3F9F]  }
0x30: {  	s3 =	sld [smem:$0x3FA2]  }
0x31: {  	[smem:$0x3FAB] =	sst s10  }
0x32: {  	s10 =	sld [smem:$0x3FA9];
	_ =	sdelay $0x3  }
0x33: {  	p0 =	seq.s32 s10, $0x1;
	s10 =	sld [smem:$0x3FAB];
	_ =	sdelay $0x3  }
0x34: {  	[smem:$0x3FAB] =	sst s10  }
0x35: {  	s10 =	sld [smem:$0x3FAA];
	_ =	sdelay $0x3  }
0x36: {  	p1 =	seq.s32 s10, $0x1;
	s10 =	sld [smem:$0x3FAB];
	_ =	sdelay $0x3  }
0x37: {  	[smem:$0x3FAB] =	sst s10  }
0x38: {  	s10 =	sld [smem:$0x3FAC]  }
0x39: {  	_ = 	snop;
	(pc) =	sbr.ind lr, $3  }
0x3a: {  	_ = 	snop  }
0x3b: {  	_ = 	snop  }
0x3c: {  	p2 =	seq.s32 s10, $0x1;
	s10 =	sld [smem:$0x3FAB]  }
0x3d: {  	_ =	shalt  }
0x3e: {  	_ =	shalt  }
0x3f: {  	_ =	shalt  }
0x40: {  	_ =	shalt  }
0x41: {  	_ =	shalt  }
0x42: {  	_ =	shalt  }
0x43: {  	_ =	shalt  }
0x44: {  	_ =	shalt  }
0x45: {  	_ =	shalt  }
0x46: {  	_ =	shalt  }
0x47: {  	_ =	shalt  }
0x48: {  	_ =	shalt  }
0x49: {  	_ =	shalt  }
0x4a: {  	_ =	shalt  }
0x4b: {  	_ =	shalt  }
0x4c: {  	_ =	shalt  }
0x4d: {  	_ =	shalt  }
0x4e: {  	_ =	shalt  }
0x4f: {  	_ =	shalt  }
0x50: {  	_ =	shalt  }
0x51: {  	_ =	shalt  }
0x52: {  	_ =	shalt  }
0x53: {  	_ =	shalt  }
0x54: {  	_ =	shalt  }
0x55: {  	_ =	shalt  }
0x56: {  	_ =	shalt  }
0x57: {  	_ =	shalt  }
0x58: {  	_ =	shalt  }
0x59: {  	_ =	shalt  }
0x5a: {  	_ =	shalt  }
0x5b: {  	_ =	shalt  }
0x5c: {  	_ =	shalt  }
0x5d: {  	_ =	shalt  }
0x5e: {  	_ =	shalt  }
0x5f: {  	_ =	shalt  }
0x60: {  	_ =	shalt  }
0x61: {  	_ =	shalt  }
0x62: {  	_ =	shalt  }
0x63: {  	_ =	shalt  }
0x64: {  	_ =	shalt  }
0x65: {  	_ =	shalt  }
0x66: {  	_ =	shalt  }
0x67: {  	_ =	shalt  }
0x68: {  	_ =	shalt  }
0x69: {  	_ =	shalt  }
0x6a: {  	_ =	shalt  }
0x6b: {  	_ =	shalt  }
0x6c: {  	_ =	shalt  }
0x6d: {  	_ =	shalt  }
0x6e: {  	_ =	shalt  }
0x6f: {  	_ =	shalt  }
0x70: {  	_ =	shalt  }
0x71: {  	_ =	shalt  }
0x72: {  	_ =	shalt  }
0x73: {  	_ =	shalt  }
0x74: {  	_ =	shalt  }
0x75: {  	_ =	shalt  }
0x76: {  	_ =	shalt  }
0x77: {  	_ =	shalt  }
0x78: {  	_ =	shalt  }
0x79: {  	_ =	shalt  }
0x7a: {  	_ =	shalt  }
0x7b: {  	_ =	shalt  }
0x7c: {  	_ =	shalt  }
0x7d: {  	_ =	shalt  }
0x7e: {  	_ =	shalt  }
0x7f: {  	_ =	shalt  }
0x80: {  	_ =	shalt  }
0x81: {  	_ =	shalt  }
0x82: {  	_ =	shalt  }
0x83: {  	_ =	shalt  }
0x84: {  	_ =	shalt  }
0x85: {  	_ =	shalt  }
0x86: {  	_ =	shalt  }
0x87: {  	_ =	shalt  }
.Lfunc_end0:
.L_simem_size_0:
called_computation.1_lowered:
.L_overlay_start_0:
0x88: {  	s2 =	sld [smem:$0x3FD9]  }
0x89: {  	s3 =	sld [smem:$0x3FFE];
	_ =	sdelay $0x1  }
0x8a: {  	s1 =	srdreg.scid  }
0x8b: {  	s0 =	sand.u32 $0x1, s1  }
0x8c: {  	s14 =	sshll.u32 s0, $0xA;
	s2 =	sadd.s32 s3, s2  }
0x8d: {  	s2 =	sadd.s32 s2, s14  }
0x8e: {  	[smem:$0x3FB7] =	sst s2  }
0x8f: {  	_ = 	snop  }
0x90: {  	s2 =	sld [smem:$0x3FD0];
	_ =	sdelay $0x2  }
0x91: {  	s15 =	simm.s32 $0xA;
	s4 =	simm.s32 $0x10  }
0x92: {  	[smem:s4], [sflag:s15] =	dma.local [hbm:s2], $0x1  }
0x93: {  	_ =	swait.eq [sflag:s15], $0x1  }
0x94: {  	[sflag:s15] =	ssyncset.done $0x0  }
0x95: {  	[sflag:s15] =	ssyncadd.s32 $0xFFFFFFFF  }
0x96: {  	s16 =	sld [smem:$0x10];
	(tm) =	ssettm $0x1  }
0x97: {  	s17 =	sld [smem:$0x3FFB];
	_ =	sdelay $0x3  }
0x98: {  	_ =	strace s17  }
0x99: {  	s3 =	sld [smem:$0x3FFC];
	_ =	sdelay $0x3  }
0x9a: {  	_ =	strace s3  }
0x9b: {  	s3 =	sld [smem:$0x3FFD];
	_ =	sdelay $0x3  }
0x9c: {  	_ =	strace s3  }
0x9d: {  	_ =	strace $0x8FFFFFFF  }
0x9e: {  	s18 =	sld [smem:$0x3FDB];
	_ =	sdelay $0x1  }
0x9f: {  	s19 =	simm.s32 $_scs_section_size  }
0xa0: {  	s5 =	simm.s32 $_size__tile_overlayer_lowered;
	s6 =	simm.s32 $_tile_overlayer_lowered  }
0xa1: {  	s22 =	simm.s32 $0x1BFF;
	s21 =	sshll.u32 s6, $0x1;
	s3 =	sadd.s32 s19, s18  }
0xa2: {  	s7 =	simm.s32 $0x0;
	s20 =	sshll.u32 s5, $0x1;
	s5 =	sadd.s32 s21, s3  }
0xa3: {  	[timem:s7], [sflag:s22] =	dma.local [hbm:s5], s20  }
0xa4: {  	_ =	swait.ge [sflag:s22], s20  }
0xa5: {  	s4 =	ssub.s32 $0x0, s20;
	[sflag:s22] =	ssyncset.done $0x0  }
0xa6: {  	[sflag:s22] =	ssyncadd.s32 s4;
	_ =	sdelay $0x1  }
0xa7: {  	s23 =	simm.s32 $0x1B8B  }
0xa8: {  	_ =	swait.ge [sflag:s23], $0x1  }
0xa9: {  	[sflag:s23] =	ssyncset.done $0x0  }
0xaa: {  	s25 =	simm.s32 $0x1B8E;
	s24 =	sld [smem:$0x3FFE];
	[sflag:s23] =	ssyncadd.s32 $0xFFFFFFFF  }
0xab: {  	s26 =	simm.s32 $execute0_lowered;
	[smem:$0x3FD2] =	sst s25  }
0xac: {  	s5 =	sshll.u32 s26, $0x1;
	_ =	strace $0x80000049;
	[dreg:$0x1] =	wrdreg $0xFFFFFFFF  }
0xad: {  	s28 =	simm.s32 $_size_execute0_lowered;
	s3 =	sadd.s32 s3, s5;
	[dreg:$0x0] =	wrdreg $0x0  }
0xae: {  	s5 =	sshll.u32 s28, $0x1;
	[dreg:$0x2] =	wrdreg s3  }
0xaf: {  	[dreg:$0x3] =	wrdreg s5  }
0xb0: {  	[dreg:$0x4] =	wrdreg $0xC0  }
0xb1: {  	_ =	task [dreg:s7], $0x5FFFF  }
0xb2: {  	[dreg:$0x1] =	wrdreg $0xFFFFFFFF  }
0xb3: {  	[dreg:$0x0] =	wrdreg $0x60  }
0xb4: {  	[dreg:$0x2] =	wrdreg s16  }
0xb5: {  	[dreg:$0x3] =	wrdreg s24  }
0xb6: {  	[dreg:$0x4] =	wrdreg $0xA8000  }
0xb7: {  	[dreg:$0x5] =	wrdreg $0x9  }
0xb8: {  	_ =	task.clear_ibuf [dreg:s7], $0x6FFFF;
	_ =	strace $0x90000049  }
0xb9: {  	s29 =	simm.s32 $0x9;
	_ =	strace $0x8000004B  }
0xba: {  	_ =	swait.ge [sflag:s29], $0x1  }
0xbb: {  	[sflag:s29] =	ssyncadd.s32 $0xFFFFFFFF  }
0xbc: {  	_ =	strace $0x9000004B  }
0xbd: {  	_ =	sfence  }
0xbe: {  	s30 =	sld [smem:$0x0];
	_ =	sdelay $0x2  }
0xbf: {  	s31 =	sshll.u32 s1, $0xD;
	s1 =	sshrl.u32 s1, $0x2  }
0xc0: {  	s3 =	sand.u32 $0x4000, s31;
	s1 =	sadd.s32 s1, s30  }
0xc1: {  	s0 =	sor.u32 s3, s0;
	s1 =	sshll.u32 s1, $0x11  }
0xc2: {  	s0 =	sor.u32 s1, s0  }
0xc3: {  	s0 =	sadd.s32 $0x8F2B, s0  }
0xc4: {  	[sflag:s0] =	ssyncadd.remote.s32 $0x1  }
0xc5: {  	_ =	sfence.sel $0xFFFF  }
0xc6: {  	[dreg:$0x0] =	wrdreg $0xFFFFFFFF;
	(pc) =	sbr.abs _section_cstart, $3  }
0xc7: {  	[dreg:$0x1] =	wrdreg $0xFFFFFFFF  }
0xc8: {  	_ =	task.clear_ibuf [dreg:s7], $0x2FFFF;
	_ =	strace $0x9FFFFFFF  }
0xc9: {  	(tm) =	ssettm $0x7FFFFFFF  }
tec
execute0_lowered:
.L_overlay_start_1:
0x0: {  	(tag) =	ssettag $0x1  }
0x1: {  	s1 =	rddreg [dreg:$0x0]  }
0x2: {  	s13 =	rddreg [dreg:$0x1]  }
0x3: {  	s2 =	rddreg [dreg:$0x2]  }
0x4: {  	s3 =	srdreg.scid;
	s0 =	rddreg [dreg:$0x3]  }
0x5: {  	s4 =	simm.s32 $0x0;
	s17 =	simm.s32 $0x5;
	s18 =	simm.s32 $0x1400  }
0x6: {  	s19 =	simm.s32 $0x80;
	s20 =	simm.s32 $0x6800;
	s21 =	simm.s32 $0x1  }
0x7: {  	s22 =	simm.s32 $0x2;
	s23 =	simm.s32 $0x3;
	s24 =	simm.s32 $0x4  }
0x8: {  	s10 =	sand.u32 $0x1, s3;
	s3 =	stileid.u32;
	[smem:$0x7FF] =	sst s4  }
0x9: {  	s8 =	sadd.s32 $0x6400, s13;
	s9 =	sadd.s32 $0x10400, s13;
	s5 =	sshll.u32 s10, $0x4  }
0xa: {  	s6 =	smul.u32 $0x50000, s3;
	_ =	strace $0x8000004A;
	s5 =	sor.u32 s3, s5  }
0xb: {  	s7 =	ssub.s32 $0x2, s10;
	p0 =	seq.s32 s10, $0x1;
	s5 =	smul.u32 $0x2800, s5  }
0xc: {  	s15 =	smul.u32 $0x2800, s3;
	s11 =	sshrl.u32 s7, $0x1;
	s6 =	sshrl.u32 s6, $0x2  }
0xd: {  	s11 =	ssub.s32 s7, s11;
	s12 =	sshrl.u32 s5, $0x3;
	s5 =	sadd.s32 s6, s2  }
0xe: {  	s14 =	sadd.s32 $0x280, s12;
	s6 =	sadd.s32 s8, s12;
	s7 =	sadd.s32 s9, s12  }
0xf: {  	s8 =	sadd.s32 s8, s14;
	s9 =	sadd.s32 s9, s14;
	s14 =	simm.s32 $0x6A400  }
0x10: {  	s10 =	smax.u32 s11, $0x1;
	s11 =	sadd.s32 $0x4000, s5;
	s14 =	simm.s32 @!p0 $0x42400  }
0x11: {  	s12 =	sadd.s32 $0x8000, s5;
	s16 =	sadd.s32 s14, s13;
	s13 =	sadd.s32 $0xC000, s5  }
0x12: {  	v0 =	vimm.f32 $0.0e+00;
	s14 =	sadd.s32 $0x10000, s5;
	s15 =	sadd.s32 s16, s15;
	s16 =	simm.s32 $0x2800  }
.LBB2_1:
0x13: {  	s25 =	simm.s32 $0x0;
	s26 =	simm.s32 $0x200  }
.LBB2_2:
0x14: {  	p0 =	sne.s32 s26, $0xFE00;
	[tilespmem:s25+$0x2870] =	vst v0  }
0x15: {  	[tilespmem:s25+$0x2800] =	vst v0  }
0x16: {  	[tilespmem:s25+$0x2810] =	vst v0  }
.Ltmp0:
0x17: {  	[tilespmem:s25+$0x2820] =	vst v0;
	(pc) =	sbr.rel @p0 .LBB2_2-.Ltmp0, $4  }
0x18: {  	[tilespmem:s25+$0x2830] =	vst v0  }
0x19: {  	[tilespmem:s25+$0x2840] =	vst v0  }
0x1a: {  	[tilespmem:s25+$0x2850] =	vst v0  }
0x1b: {  	[tilespmem:s25+$0x2860] =	vst v0;
	s25 =	sshra.s32 s26, $0x2;
	s26 =	sadd.s32 $0x200, s26  }
0x1c: {  	[tilespmem:s25+$0x2870] =	vst v0  }
0x1d: {  	[tilespmem:s25+$0x2800] =	vst v0  }
0x1e: {  	[tilespmem:s25+$0x2810] =	vst v0  }
0x1f: {  	[tilespmem:s25+$0x2820] =	vst v0  }
0x20: {  	[tilespmem:s25+$0x2830] =	vst v0  }
0x21: {  	[tilespmem:s25+$0x2840] =	vst v0  }
0x22: {  	[tilespmem:s25+$0x2850] =	vst v0  }
0x23: {  	[tilespmem:s25+$0x2860] =	vst v0  }
0x24: {  	[spmem:s5] =	stream.linear.scatter [tilespmem:s16], [sflag:$0x5], $0x4000, $0x38;
	[tilespmem:$0x1E800] =	vst v63  }
0x25: {  	_ =	swait.ge [sflag:s17], $0x4000  }
0x26: {  	[sflag:s17] =	ssyncset.done $0x0  }
0x27: {  	[sflag:s17] =	ssyncadd.s32 $0xFFFFC000  }
0x28: {  	[spmem:s11] =	stream.linear.scatter [tilespmem:s16], [sflag:$0x5], $0x4000, $0x38;
	[tilespmem:$0x1E800] =	vst v63  }
0x29: {  	_ =	swait.ge [sflag:s17], $0x4000  }
0x2a: {  	[sflag:s17] =	ssyncset.done $0x0  }
0x2b: {  	[sflag:s17] =	ssyncadd.s32 $0xFFFFC000  }
0x2c: {  	[spmem:s12] =	stream.linear.scatter [tilespmem:s16], [sflag:$0x5], $0x4000, $0x38;
	[tilespmem:$0x1E800] =	vst v63  }
0x2d: {  	_ =	swait.ge [sflag:s17], $0x4000  }
0x2e: {  	[sflag:s17] =	ssyncset.done $0x0  }
0x2f: {  	[sflag:s17] =	ssyncadd.s32 $0xFFFFC000  }
0x30: {  	[spmem:s13] =	stream.linear.scatter [tilespmem:s16], [sflag:$0x5], $0x4000, $0x38;
	[tilespmem:$0x1E800] =	vst v63  }
0x31: {  	_ =	swait.ge [sflag:s17], $0x4000  }
0x32: {  	[sflag:s17] =	ssyncset.done $0x0  }
0x33: {  	[sflag:s17] =	ssyncadd.s32 $0xFFFFC000  }
0x34: {  	[spmem:s14] =	stream.linear.scatter [tilespmem:s16], [sflag:$0x5], $0x4000, $0x38;
	[tilespmem:$0x1E800] =	vst v63  }
0x35: {  	_ =	swait.ge [sflag:s17], $0x4000  }
0x36: {  	[sflag:s17] =	ssyncset.done $0x0  }
0x37: {  	[sflag:s17] =	ssyncadd.s32 $0xFFFFC000  }
0x38: {  	s26 =	simm.s32 $0x0;
	[bflag:$0x0] =	sbarrier.arrive $0xFFFF  }
0x39: {  	[tilespmem:s26], [sflag:$0x5] =	stream.linear.gather [hbm4b:s6+s26], $0x1400, $0x38;
	[tilespmem:$0x1E800] =	vst v63  }
0x3a: {  	_ =	swait.ge [sflag:s17], $0x1400  }
0x3b: {  	[sflag:s17] =	ssyncset.done $0x0  }
0x3c: {  	[sflag:s17] =	ssyncadd.s32 $0xFFFFEC00  }
0x3d: {  	[tilespmem:s18], [sflag:$0x5] =	stream.linear.gather [hbm4b:s7+s26], $0x1400, $0x38;
	[tilespmem:$0x1E800] =	vst v63  }
0x3e: {  	_ =	swait.ge [sflag:s17], $0x1400  }
0x3f: {  	[sflag:s17] =	ssyncset.done $0x0  }
0x40: {  	s28 =	simm.s32 $0x0;
	[sflag:s17] =	ssyncadd.s32 $0xFFFFEC00  }
0x41: {  	[tilespmem:s16], [sflag:$0x1] =	stream.indirect.gather [hbm4b:s1+s19], $0x80, s28, s19, $0xb8;
	[tilespmem:$0x1E800] =	vst v63  }
0x42: {  	s29 =	simm.s32 $0x80  }
0x43: {  	[tilespmem:s20], [sflag:$0x2] =	stream.indirect.gather [hbm4b:s1+s19], $0x80, s29, s19, $0xb8;
	[tilespmem:$0x1E800] =	vst v63  }
0x44: {  	_ =	swait.ge [sflag:s21], $0x4000  }
0x45: {  	[sflag:s21] =	ssyncset.done $0x0  }
0x46: {  	s30 =	simm.s32 $0x1400;
	[sflag:s21] =	ssyncadd.s32 $0xFFFFC000  }
0x47: {  	[spmem:s2] =	stream.indirect.scatter.add.f32 [tilespmem:s16], [sflag:$0x3], $0x80, s30, s19, $0xb8;
	[tilespmem:$0x1E800] =	vst v63  }
0x48: {  	_ =	swait.ge [sflag:s22], $0x4000  }
0x49: {  	[sflag:s22] =	ssyncset.done $0x0  }
0x4a: {  	s31 =	simm.s32 $0x1480;
	[sflag:s22] =	ssyncadd.s32 $0xFFFFC000  }
0x4b: {  	[spmem:s2] =	stream.indirect.scatter.add.f32 [tilespmem:s20], [sflag:$0x4], $0x80, s31, s19, $0xb8;
	[tilespmem:$0x1E800] =	vst v63  }
0x4c: {  	_ =	swait.ge [sflag:s23], $0x4000  }
0x4d: {  	[sflag:s23] =	ssyncset.done $0x0  }
0x4e: {  	[sflag:s23] =	ssyncadd.s32 $0xFFFFC000  }
0x4f: {  	_ =	swait.ge [sflag:s24], $0x4000  }
0x50: {  	s25 =	simm.s32 $0x400;
	s26 =	simm.s32 $0x800;
	[sflag:s24] =	ssyncset.done $0x0  }
.LBB2_4:
0x51: {  	s28 =	sshra.s32 s25, $0x2  }
0x52: {  	[sflag:s24] =	ssyncadd.s32 $0xFFFFC000;
	s25 =	smov.u32 s26;
	s29 =	sadd.s32 $0x400, s26  }
0x53: {  	[tilespmem:s16], [sflag:$0x1] =	stream.indirect.gather [hbm4b:s1+s19], $0x80, s28, s19, $0xb8;
	[tilespmem:$0x1E800] =	vst v63  }
0x54: {  	p0 =	sne.s32 s26, $0x4C00;
	s26 =	sadd.s32 $0x80, s28  }
0x55: {  	[tilespmem:s20], [sflag:$0x2] =	stream.indirect.gather [hbm4b:s1+s19], $0x80, s26, s19, $0xb8;
	[tilespmem:$0x1E800] =	vst v63  }
0x56: {  	_ =	swait.ge [sflag:s21], $0x4000  }
0x57: {  	[sflag:s21] =	ssyncset.done $0x0  }
0x58: {  	s26 =	sadd.s32 $0x1400, s28;
	[sflag:s21] =	ssyncadd.s32 $0xFFFFC000  }
0x59: {  	[spmem:s2] =	stream.indirect.scatter.add.f32 [tilespmem:s16], [sflag:$0x3], $0x80, s26, s19, $0xb8;
	[tilespmem:$0x1E800] =	vst v63  }
0x5a: {  	_ =	swait.ge [sflag:s22], $0x4000  }
0x5b: {  	[sflag:s22] =	ssyncset.done $0x0  }
0x5c: {  	s26 =	sadd.s32 $0x1480, s28;
	[sflag:s22] =	ssyncadd.s32 $0xFFFFC000  }
0x5d: {  	[spmem:s2] =	stream.indirect.scatter.add.f32 [tilespmem:s20], [sflag:$0x4], $0x80, s26, s19, $0xb8;
	[tilespmem:$0x1E800] =	vst v63  }
.Ltmp1:
0x5e: {  	_ =	swait.ge [sflag:s23], $0x4000;
	(pc) =	sbr.rel @p0 .LBB2_4-.Ltmp1, $4  }
0x5f: {  	[sflag:s23] =	ssyncset.done $0x0  }
0x60: {  	[sflag:s23] =	ssyncadd.s32 $0xFFFFC000  }
0x61: {  	_ =	swait.ge [sflag:s24], $0x4000  }
0x62: {  	s26 =	smov.u32 s29;
	[sflag:s24] =	ssyncset.done $0x0  }
0x63: {  	s25 =	sshra.s32 s25, $0x2;
	[sflag:s24] =	ssyncadd.s32 $0xFFFFC000  }
0x64: {  	[tilespmem:s16], [sflag:$0x1] =	stream.indirect.gather [hbm4b:s1+s19], $0x80, s25, s19, $0xb8;
	[tilespmem:$0x1E800] =	vst v63  }
0x65: {  	s26 =	sadd.s32 $0x80, s25  }
0x66: {  	[tilespmem:s20], [sflag:$0x2] =	stream.indirect.gather [hbm4b:s1+s19], $0x80, s26, s19, $0xb8;
	[tilespmem:$0x1E800] =	vst v63  }
0x67: {  	_ =	swait.ge [sflag:s21], $0x4000  }
0x68: {  	[sflag:s21] =	ssyncset.done $0x0  }
0x69: {  	s31 =	sadd.s32 $0x1400, s25;
	[sflag:s21] =	ssyncadd.s32 $0xFFFFC000  }
0x6a: {  	[spmem:s2] =	stream.indirect.scatter.add.f32 [tilespmem:s16], [sflag:$0x3], $0x80, s31, s19, $0xb8;
	[tilespmem:$0x1E800] =	vst v63  }
0x6b: {  	_ =	swait.ge [sflag:s22], $0x4000  }
0x6c: {  	[sflag:s22] =	ssyncset.done $0x0  }
0x6d: {  	s25 =	sadd.s32 $0x1480, s25;
	[sflag:s22] =	ssyncadd.s32 $0xFFFFC000  }
0x6e: {  	[spmem:s2] =	stream.indirect.scatter.add.f32 [tilespmem:s20], [sflag:$0x4], $0x80, s25, s19, $0xb8;
	[tilespmem:$0x1E800] =	vst v63  }
0x6f: {  	_ =	swait.ge [sflag:s23], $0x4000  }
0x70: {  	[sflag:s23] =	ssyncset.done $0x0  }
0x71: {  	[sflag:s23] =	ssyncadd.s32 $0xFFFFC000  }
0x72: {  	_ =	swait.ge [sflag:s24], $0x4000  }
0x73: {  	[sflag:s24] =	ssyncset.done $0x0  }
0x74: {  	s26 =	simm.s32 $0x0;
	[sflag:s24] =	ssyncadd.s32 $0xFFFFC000  }
0x75: {  	[tilespmem:s26], [sflag:$0x5] =	stream.linear.gather [hbm4b:s8+s26], $0x1400, $0x38;
	[tilespmem:$0x1E800] =	vst v63  }
0x76: {  	_ =	swait.ge [sflag:s17], $0x1400  }
0x77: {  	[sflag:s17] =	ssyncset.done $0x0  }
0x78: {  	[sflag:s17] =	ssyncadd.s32 $0xFFFFEC00  }
0x79: {  	[tilespmem:s18], [sflag:$0x5] =	stream.linear.gather [hbm4b:s9+s26], $0x1400, $0x38;
	[tilespmem:$0x1E800] =	vst v63  }
0x7a: {  	_ =	swait.ge [sflag:s17], $0x1400  }
0x7b: {  	[sflag:s17] =	ssyncset.done $0x0  }
0x7c: {  	s28 =	simm.s32 $0x0;
	[sflag:s17] =	ssyncadd.s32 $0xFFFFEC00  }
0x7d: {  	[tilespmem:s16], [sflag:$0x1] =	stream.indirect.gather [hbm4b:s1+s19], $0x80, s28, s19, $0xb8;
	[tilespmem:$0x1E800] =	vst v63  }
0x7e: {  	s29 =	simm.s32 $0x80  }
0x7f: {  	[tilespmem:s20], [sflag:$0x2] =	stream.indirect.gather [hbm4b:s1+s19], $0x80, s29, s19, $0xb8;
	[tilespmem:$0x1E800] =	vst v63  }
0x80: {  	_ =	swait.ge [sflag:s21], $0x4000  }
0x81: {  	[sflag:s21] =	ssyncset.done $0x0  }
0x82: {  	s30 =	simm.s32 $0x1400;
	[sflag:s21] =	ssyncadd.s32 $0xFFFFC000  }
0x83: {  	[spmem:s2] =	stream.indirect.scatter.add.f32 [tilespmem:s16], [sflag:$0x3], $0x80, s30, s19, $0xb8;
	[tilespmem:$0x1E800] =	vst v63  }
0x84: {  	_ =	swait.ge [sflag:s22], $0x4000  }
0x85: {  	[sflag:s22] =	ssyncset.done $0x0  }
0x86: {  	s31 =	simm.s32 $0x1480;
	[sflag:s22] =	ssyncadd.s32 $0xFFFFC000  }
0x87: {  	[spmem:s2] =	stream.indirect.scatter.add.f32 [tilespmem:s20], [sflag:$0x4], $0x80, s31, s19, $0xb8;
	[tilespmem:$0x1E800] =	vst v63  }
0x88: {  	_ =	swait.ge [sflag:s23], $0x4000  }
0x89: {  	[sflag:s23] =	ssyncset.done $0x0  }
0x8a: {  	[sflag:s23] =	ssyncadd.s32 $0xFFFFC000  }
0x8b: {  	_ =	swait.ge [sflag:s24], $0x4000  }
0x8c: {  	s25 =	simm.s32 $0x400;
	s26 =	simm.s32 $0x800;
	[sflag:s24] =	ssyncset.done $0x0  }
.LBB2_6:
0x8d: {  	s28 =	sshra.s32 s25, $0x2  }
0x8e: {  	[sflag:s24] =	ssyncadd.s32 $0xFFFFC000;
	s25 =	smov.u32 s26;
	s29 =	sadd.s32 $0x400, s26  }
0x8f: {  	[tilespmem:s16], [sflag:$0x1] =	stream.indirect.gather [hbm4b:s1+s19], $0x80, s28, s19, $0xb8;
	[tilespmem:$0x1E800] =	vst v63  }
0x90: {  	p0 =	sne.s32 s26, $0x4C00;
	s26 =	sadd.s32 $0x80, s28  }
0x91: {  	[tilespmem:s20], [sflag:$0x2] =	stream.indirect.gather [hbm4b:s1+s19], $0x80, s26, s19, $0xb8;
	[tilespmem:$0x1E800] =	vst v63  }
0x92: {  	_ =	swait.ge [sflag:s21], $0x4000  }
0x93: {  	[sflag:s21] =	ssyncset.done $0x0  }
0x94: {  	s26 =	sadd.s32 $0x1400, s28;
	[sflag:s21] =	ssyncadd.s32 $0xFFFFC000  }
0x95: {  	[spmem:s2] =	stream.indirect.scatter.add.f32 [tilespmem:s16], [sflag:$0x3], $0x80, s26, s19, $0xb8;
	[tilespmem:$0x1E800] =	vst v63  }
0x96: {  	_ =	swait.ge [sflag:s22], $0x4000  }
0x97: {  	[sflag:s22] =	ssyncset.done $0x0  }
0x98: {  	s26 =	sadd.s32 $0x1480, s28;
	[sflag:s22] =	ssyncadd.s32 $0xFFFFC000  }
0x99: {  	[spmem:s2] =	stream.indirect.scatter.add.f32 [tilespmem:s20], [sflag:$0x4], $0x80, s26, s19, $0xb8;
	[tilespmem:$0x1E800] =	vst v63  }
.Ltmp2:
0x9a: {  	_ =	swait.ge [sflag:s23], $0x4000;
	(pc) =	sbr.rel @p0 .LBB2_6-.Ltmp2, $4  }
0x9b: {  	[sflag:s23] =	ssyncset.done $0x0  }
0x9c: {  	[sflag:s23] =	ssyncadd.s32 $0xFFFFC000  }
0x9d: {  	_ =	swait.ge [sflag:s24], $0x4000  }
0x9e: {  	s26 =	smov.u32 s29;
	[sflag:s24] =	ssyncset.done $0x0  }
0x9f: {  	s25 =	sshra.s32 s25, $0x2;
	[sflag:s24] =	ssyncadd.s32 $0xFFFFC000  }
0xa0: {  	[tilespmem:s16], [sflag:$0x1] =	stream.indirect.gather [hbm4b:s1+s19], $0x80, s25, s19, $0xb8;
	[tilespmem:$0x1E800] =	vst v63  }
0xa1: {  	s26 =	sadd.s32 $0x80, s25  }
0xa2: {  	[tilespmem:s20], [sflag:$0x2] =	stream.indirect.gather [hbm4b:s1+s19], $0x80, s26, s19, $0xb8;
	[tilespmem:$0x1E800] =	vst v63  }
0xa3: {  	_ =	swait.ge [sflag:s21], $0x4000  }
0xa4: {  	[sflag:s21] =	ssyncset.done $0x0  }
0xa5: {  	s29 =	sadd.s32 $0x1400, s25;
	[sflag:s21] =	ssyncadd.s32 $0xFFFFC000  }
0xa6: {  	[spmem:s2] =	stream.indirect.scatter.add.f32 [tilespmem:s16], [sflag:$0x3], $0x80, s29, s19, $0xb8;
	[tilespmem:$0x1E800] =	vst v63  }
0xa7: {  	_ =	swait.ge [sflag:s22], $0x4000  }
0xa8: {  	[sflag:s22] =	ssyncset.done $0x0  }
0xa9: {  	s25 =	sadd.s32 $0x1480, s25;
	[sflag:s22] =	ssyncadd.s32 $0xFFFFC000  }
0xaa: {  	[spmem:s2] =	stream.indirect.scatter.add.f32 [tilespmem:s20], [sflag:$0x4], $0x80, s25, s19, $0xb8;
	[tilespmem:$0x1E800] =	vst v63  }
0xab: {  	_ =	swait.ge [sflag:s23], $0x4000  }
0xac: {  	[sflag:s23] =	ssyncset.done $0x0  }
0xad: {  	[sflag:s23] =	ssyncadd.s32 $0xFFFFC000  }
0xae: {  	_ =	swait.ge [sflag:s24], $0x4000  }
0xaf: {  	s30 =	sshll.u32 s3, $0x6;
	s4 =	sadd.s32 $0x1, s4;
	[sflag:s24] =	ssyncset.done $0x0  }
0xb0: {  	s31 =	sshrl.u32 s5, $0x3;
	p0 =	sne.s32 s4, s10;
	[sflag:s24] =	ssyncadd.s32 $0xFFFFC000  }
.Ltmp3:
0xb1: {  	s25 =	sor.u32 $0x1C05, s30;
	[bflag:$0x0] =	sbarrier.arrive $0xFFFF;
	(pc) =	sbr.rel @p0 .LBB2_1-.Ltmp3, $4  }
0xb2: {  	[hbm:s15], [sflag:s25] =	dma.local [spmem:s31], $0x2800  }
0xb3: {  	_ =	swait.ge [sflag:s17], $0x2800  }
0xb4: {  	[sflag:s17] =	ssyncset.done $0x0  }
0xb5: {  	[sflag:s17] =	ssyncadd.s32 $0xFFFFD800  }
0xb6: {  	_ =	sfence.sel $0x180000  }
0xb7: {  	[bflag:$0x0] =	sbarrier.arrive $0xFFFF  }
0xb8: {  	p0 =	sne.s32 s3, $0x0;
	_ =	strace $0x9000004A  }
0xb9: {  	s0 =	sadd.s32 @!p0 $0x100000, s0;
	[bflag:$0x2] =	sbarrier.arrive $0xFFFF  }
0xba: {  	[sflag:s0] =	ssyncadd.tile.s32 @!p0 $0x1;
	_ =	shalt  }
.Lfunc_end2:
_tile_overlayer_lowered:
.L_overlay_start_2:
0xbb: {  	(tag) =	ssettag $0x2  }
0xbc: {  	s0 =	rddreg [dreg:$0x0];
	s2 =	stileid.u32  }
0xbd: {  	s1 =	rddreg [dreg:$0x1];
	p0 =	sne.s32 s2, $0x0  }
0xbe: {  	s3 =	rddreg [dreg:$0x2];
	[bflag:$0x3] =	sbarrier.arrive $0xFFFF;
	s2 =	simm.s32 @!p0 $0x1C05  }
0xbf: {  	[timem:s3], [sflag:s2] =	dma.local @!p0 [hbm:s0], s1  }
0xc0: {  	s0 =	simm.s32 @!p0 $0x5  }
0xc1: {  	_ =	swait.ge @!p0 [sflag:s0], s1  }
0xc2: {  	s1 =	ssub.s32 @!p0 $0x0, s1;
	[sflag:s0] =	ssyncset.done @!p0 $0x0  }
0xc3: {  	[sflag:s0] =	ssyncadd.s32 @!p0 s1  }
0xc4: {  	[bflag:$0x3] =	sbarrier.arrive $0xFFFF  }
0xc5: {  	_ =	shalt  }

// kernel: kernel.17.cloned.1.call-start
scs
__scs_entry_jumppad:
0x0: {  	(pc) =	sbr.rel $0x88, $3  }
0x1: {  	(tag) =	ssettag $0x0;
	lr =	simm.s32 $0x1  }
0x2: {  	[smem:$0x3F90] =	sst lr;
	_ =	strace $0xD0000000  }
0x3: {  	_ = 	snop  }
0x4: {  	_ = 	snop  }
0x5: {  	_ = 	snop  }
0x6: {  	_ = 	snop  }
0x7: {  	_ = 	snop  }
__scs_overlays_trampoline_lowered:
0x8: {  	[smem:$0x3F9F] =	sst s0  }
0x9: {  	[smem:$0x3FA0] =	sst s1  }
0xa: {  	[smem:$0x3FA1] =	sst s2  }
0xb: {  	[smem:$0x3FA2] =	sst s3  }
0xc: {  	[smem:$0x3FA3] =	sst s4  }
0xd: {  	[smem:$0x3FA4] =	sst s5  }
0xe: {  	[smem:$0x3FA5] =	sst s6  }
0xf: {  	[smem:$0x3FA6] =	sst s7  }
0x10: {  	[smem:$0x3FA7] =	sst s8  }
0x11: {  	[smem:$0x3FA8] =	sst s9;
	s0 =	simm.s32 @!p0 $0x0  }
0x12: {  	s1 =	sld [smem:$0x3F8E];
	s0 =	simm.s32 @p0 $0x1  }
0x13: {  	[smem:$0x3FA9] =	sst s0;
	s0 =	simm.s32 @!p1 $0x0  }
0x14: {  	s2 =	sld [smem:$0x3F8D];
	s0 =	simm.s32 @p1 $0x1  }
0x15: {  	[smem:$0x3FAA] =	sst s0;
	s0 =	simm.s32 @!p2 $0x0  }
0x16: {  	s3 =	sld [smem:$0x3FDB];
	s0 =	simm.s32 @p2 $0x1  }
0x17: {  	s4 =	simm.s32 $0x1BF5;
	[smem:$0x3FAC] =	sst s0  }
0x18: {  	s0 =	sld [smem:$0x3F8F];
	_ =	swait.ge [sflag:s4], $0x0  }
0x19: {  	s7 =	sld [smem:$0x3F90]  }
0x1a: {  	s8 =	sadd.s32 $0xFFFFE003, lr  }
0x1b: {  	s9 =	sadd.s32 $0xFFFFFEF7, lr;
	s5 =	simm.s32 $0xFFFFFFFF;
	p2 =	slt.u32 s8, $0xFFFFF086  }
0x1c: {  	p1 =	slt.u32 s9, $0xF7A;
	s5 =	simm.s32 @!p2 $0x0  }
0x1d: {  	s5 =	simm.s32 @p1 $0x1;
	p0 =	seq.s32 s7, s2  }
0x1e: {  	s7 =	smul.u32 @!p0 $0xF7A, s2;
	p2 =	seq.s32 @!p0 s5, $0x0  }
0x1f: {  	s9 =	smul.u32 $0xF7A, s1;
	s8 =	simm.s32 @!p0 $0x1BF5;
	p2 =	por !p2, p0  }
0x20: {  	[sflag:s8] =	ssyncset.s32 @!p0 $0xFFFFF086;
	s6 =	sadd.s32 @!p0 s3, s7;
	s7 =	simm.s32 @!p0 $0x108  }
0x21: {  	s3 =	sadd.s32 s3, s9;
	s6 =	sadd.s32 @!p0 $0x88, s6;
	s7 =	simm.s32 @p2 $0x1082  }
0x22: {  	[simem:s7], [sflag:s8] =	dma.local @!p0 [hbm:s6], $0xF7A  }
0x23: {  	s9 =	sor.u32 $0xD0000000, s2;
	s6 =	simm.s32 $0x108;
	_ =	swait.ge @!p0 [sflag:s8], $0x0  }
0x24: {  	s3 =	sadd.s32 $0x88, s3;
	s6 =	simm.s32 @!p1 $0x1082;
	[sflag:s4] =	ssyncset.s32 $0xFFFFF086  }
0x25: {  	[simem:s6], [sflag:s4] =	dma.local [hbm:s3], $0xF7A  }
0x26: {  	[smem:$0x3F90] =	sst s1;
	(tag) =	ssettag s2;
	_ =	strace s9  }
0x27: {  	s1 =	sld [smem:$0x3FA0]  }
0x28: {  	s2 =	sld [smem:$0x3FA1]  }
0x29: {  	s4 =	sld [smem:$0x3FA3]  }
0x2a: {  	p0 =	seq.s32 s5, $0x0;
	s5 =	sld [smem:$0x3FA4]  }
0x2b: {  	s6 =	sld [smem:$0x3FA5]  }
0x2c: {  	s7 =	sld [smem:$0x3FA6]  }
0x2d: {  	s3 =	simm.s32 $0x108;
	s8 =	sld [smem:$0x3FA7]  }
0x2e: {  	s3 =	simm.s32 @!p0 $0x1082;
	s9 =	sld [smem:$0x3FA8]  }
0x2f: {  	lr =	sadd.s32 s0, s3;
	s0 =	sld [smem:$0x3F9F]  }
0x30: {  	s3 =	sld [smem:$0x3FA2]  }
0x31: {  	[smem:$0x3FAB] =	sst s10  }
0x32: {  	s10 =	sld [smem:$0x3FA9];
	_ =	sdelay $0x3  }
0x33: {  	p0 =	seq.s32 s10, $0x1;
	s10 =	sld [smem:$0x3FAB];
	_ =	sdelay $0x3  }
0x34: {  	[smem:$0x3FAB] =	sst s10  }
0x35: {  	s10 =	sld [smem:$0x3FAA];
	_ =	sdelay $0x3  }
0x36: {  	p1 =	seq.s32 s10, $0x1;
	s10 =	sld [smem:$0x3FAB];
	_ =	sdelay $0x3  }
0x37: {  	[smem:$0x3FAB] =	sst s10  }
0x38: {  	s10 =	sld [smem:$0x3FAC]  }
0x39: {  	_ = 	snop;
	(pc) =	sbr.ind lr, $3  }
0x3a: {  	_ = 	snop  }
0x3b: {  	_ = 	snop  }
0x3c: {  	p2 =	seq.s32 s10, $0x1;
	s10 =	sld [smem:$0x3FAB]  }
0x3d: {  	_ =	shalt  }
0x3e: {  	_ =	shalt  }
0x3f: {  	_ =	shalt  }
0x40: {  	_ =	shalt  }
0x41: {  	_ =	shalt  }
0x42: {  	_ =	shalt  }
0x43: {  	_ =	shalt  }
0x44: {  	_ =	shalt  }
0x45: {  	_ =	shalt  }
0x46: {  	_ =	shalt  }
0x47: {  	_ =	shalt  }
0x48: {  	_ =	shalt  }
0x49: {  	_ =	shalt  }
0x4a: {  	_ =	shalt  }
0x4b: {  	_ =	shalt  }
0x4c: {  	_ =	shalt  }
0x4d: {  	_ =	shalt  }
0x4e: {  	_ =	shalt  }
0x4f: {  	_ =	shalt  }
0x50: {  	_ =	shalt  }
0x51: {  	_ =	shalt  }
0x52: {  	_ =	shalt  }
0x53: {  	_ =	shalt  }
0x54: {  	_ =	shalt  }
0x55: {  	_ =	shalt  }
0x56: {  	_ =	shalt  }
0x57: {  	_ =	shalt  }
0x58: {  	_ =	shalt  }
0x59: {  	_ =	shalt  }
0x5a: {  	_ =	shalt  }
0x5b: {  	_ =	shalt  }
0x5c: {  	_ =	shalt  }
0x5d: {  	_ =	shalt  }
0x5e: {  	_ =	shalt  }
0x5f: {  	_ =	shalt  }
0x60: {  	_ =	shalt  }
0x61: {  	_ =	shalt  }
0x62: {  	_ =	shalt  }
0x63: {  	_ =	shalt  }
0x64: {  	_ =	shalt  }
0x65: {  	_ =	shalt  }
0x66: {  	_ =	shalt  }
0x67: {  	_ =	shalt  }
0x68: {  	_ =	shalt  }
0x69: {  	_ =	shalt  }
0x6a: {  	_ =	shalt  }
0x6b: {  	_ =	shalt  }
0x6c: {  	_ =	shalt  }
0x6d: {  	_ =	shalt  }
0x6e: {  	_ =	shalt  }
0x6f: {  	_ =	shalt  }
0x70: {  	_ =	shalt  }
0x71: {  	_ =	shalt  }
0x72: {  	_ =	shalt  }
0x73: {  	_ =	shalt  }
0x74: {  	_ =	shalt  }
0x75: {  	_ =	shalt  }
0x76: {  	_ =	shalt  }
0x77: {  	_ =	shalt  }
0x78: {  	_ =	shalt  }
0x79: {  	_ =	shalt  }
0x7a: {  	_ =	shalt  }
0x7b: {  	_ =	shalt  }
0x7c: {  	_ =	shalt  }
0x7d: {  	_ =	shalt  }
0x7e: {  	_ =	shalt  }
0x7f: {  	_ =	shalt  }
0x80: {  	_ =	shalt  }
0x81: {  	_ =	shalt  }
0x82: {  	_ =	shalt  }
0x83: {  	_ =	shalt  }
0x84: {  	_ =	shalt  }
0x85: {  	_ =	shalt  }
0x86: {  	_ =	shalt  }
0x87: {  	_ =	shalt  }
.Lfunc_end0:
.L_simem_size_0:
called_computation.2_lowered:
.L_overlay_start_0:
0x88: {  	s2 =	sld [smem:$0x3FD9]  }
0x89: {  	s3 =	sld [smem:$0x3FFE];
	_ =	sdelay $0x1  }
0x8a: {  	s1 =	srdreg.scid  }
0x8b: {  	s0 =	sand.u32 $0x1, s1  }
0x8c: {  	s14 =	sshll.u32 s0, $0xA;
	s2 =	sadd.s32 s3, s2  }
0x8d: {  	s2 =	sadd.s32 s2, s14  }
0x8e: {  	[smem:$0x3FB7] =	sst s2  }
0x8f: {  	_ = 	snop  }
0x90: {  	s2 =	sld [smem:$0x3FD0];
	_ =	sdelay $0x2  }
0x91: {  	s15 =	simm.s32 $0xA;
	s4 =	simm.s32 $0x10  }
0x92: {  	[smem:s4], [sflag:s15] =	dma.local [hbm:s2], $0x1  }
0x93: {  	_ =	swait.eq [sflag:s15], $0x1  }
0x94: {  	[sflag:s15] =	ssyncset.done $0x0  }
0x95: {  	[sflag:s15] =	ssyncadd.s32 $0xFFFFFFFF  }
0x96: {  	s16 =	sld [smem:$0x10];
	(tm) =	ssettm $0x1  }
0x97: {  	s17 =	sld [smem:$0x3FFB];
	_ =	sdelay $0x3  }
0x98: {  	_ =	strace s17  }
0x99: {  	s3 =	sld [smem:$0x3FFC];
	_ =	sdelay $0x3  }
0x9a: {  	_ =	strace s3  }
0x9b: {  	s3 =	sld [smem:$0x3FFD];
	_ =	sdelay $0x3  }
0x9c: {  	_ =	strace s3  }
0x9d: {  	_ =	strace $0x8FFFFFFF  }
0x9e: {  	s18 =	sld [smem:$0x3FDB];
	_ =	sdelay $0x1  }
0x9f: {  	s19 =	simm.s32 $_scs_section_size  }
0xa0: {  	s5 =	simm.s32 $_size__tile_overlayer_lowered;
	s6 =	simm.s32 $_tile_overlayer_lowered  }
0xa1: {  	s22 =	simm.s32 $0x1BFF;
	s21 =	sshll.u32 s6, $0x1;
	s3 =	sadd.s32 s19, s18  }
0xa2: {  	s7 =	simm.s32 $0x0;
	s20 =	sshll.u32 s5, $0x1;
	s5 =	sadd.s32 s21, s3  }
0xa3: {  	[timem:s7], [sflag:s22] =	dma.local [hbm:s5], s20  }
0xa4: {  	_ =	swait.ge [sflag:s22], s20  }
0xa5: {  	s4 =	ssub.s32 $0x0, s20;
	[sflag:s22] =	ssyncset.done $0x0  }
0xa6: {  	[sflag:s22] =	ssyncadd.s32 s4;
	_ =	sdelay $0x1  }
0xa7: {  	s23 =	simm.s32 $0x1B8B  }
0xa8: {  	_ =	swait.ge [sflag:s23], $0x1  }
0xa9: {  	[sflag:s23] =	ssyncset.done $0x0  }
0xaa: {  	s25 =	simm.s32 $0x1B8E;
	s24 =	sld [smem:$0x3FFE];
	[sflag:s23] =	ssyncadd.s32 $0xFFFFFFFF  }
0xab: {  	s26 =	simm.s32 $execute0_lowered;
	[smem:$0x3FD2] =	sst s25  }
0xac: {  	s5 =	sshll.u32 s26, $0x1;
	_ =	strace $0x8000004C;
	[dreg:$0x1] =	wrdreg $0xFFFFFFFF  }
0xad: {  	s28 =	simm.s32 $_size_execute0_lowered;
	s3 =	sadd.s32 s3, s5;
	[dreg:$0x0] =	wrdreg $0x0  }
0xae: {  	s5 =	sshll.u32 s28, $0x1;
	[dreg:$0x2] =	wrdreg s3  }
0xaf: {  	[dreg:$0x3] =	wrdreg s5  }
0xb0: {  	[dreg:$0x4] =	wrdreg $0xC0  }
0xb1: {  	_ =	task [dreg:s7], $0x5FFFF  }
0xb2: {  	[dreg:$0x1] =	wrdreg $0xFFFFFFFF  }
0xb3: {  	[dreg:$0x0] =	wrdreg $0x60  }
0xb4: {  	[dreg:$0x2] =	wrdreg s16  }
0xb5: {  	[dreg:$0x3] =	wrdreg s24  }
0xb6: {  	[dreg:$0x4] =	wrdreg $0xA8000  }
0xb7: {  	[dreg:$0x5] =	wrdreg $0x9  }
0xb8: {  	_ =	task.clear_ibuf [dreg:s7], $0x6FFFF;
	_ =	strace $0x9000004C  }
0xb9: {  	s29 =	simm.s32 $0x9;
	_ =	strace $0x8000004E  }
0xba: {  	_ =	swait.ge [sflag:s29], $0x1  }
0xbb: {  	[sflag:s29] =	ssyncadd.s32 $0xFFFFFFFF  }
0xbc: {  	_ =	strace $0x9000004E  }
0xbd: {  	_ =	sfence  }
0xbe: {  	s30 =	sld [smem:$0x0];
	_ =	sdelay $0x2  }
0xbf: {  	s31 =	sshll.u32 s1, $0xD;
	s1 =	sshrl.u32 s1, $0x2  }
0xc0: {  	s3 =	sand.u32 $0x4000, s31;
	s1 =	sadd.s32 s1, s30  }
0xc1: {  	s0 =	sor.u32 s3, s0;
	s1 =	sshll.u32 s1, $0x11  }
0xc2: {  	s0 =	sor.u32 s1, s0  }
0xc3: {  	s0 =	sadd.s32 $0x8F2B, s0  }
0xc4: {  	[sflag:s0] =	ssyncadd.remote.s32 $0x1  }
0xc5: {  	_ =	sfence.sel $0xFFFF  }
0xc6: {  	[dreg:$0x0] =	wrdreg $0xFFFFFFFF;
	(pc) =	sbr.abs _section_cstart, $3  }
0xc7: {  	[dreg:$0x1] =	wrdreg $0xFFFFFFFF  }
0xc8: {  	_ =	task.clear_ibuf [dreg:s7], $0x2FFFF;
	_ =	strace $0x9FFFFFFF  }
0xc9: {  	(tm) =	ssettm $0x7FFFFFFF  }
tec
execute0_lowered:
.L_overlay_start_1:
0x0: {  	(tag) =	ssettag $0x1  }
0x1: {  	s1 =	rddreg [dreg:$0x0]  }
0x2: {  	s13 =	rddreg [dreg:$0x1]  }
0x3: {  	s2 =	rddreg [dreg:$0x2]  }
0x4: {  	s3 =	srdreg.scid;
	s0 =	rddreg [dreg:$0x3]  }
0x5: {  	s4 =	simm.s32 $0x0;
	s17 =	simm.s32 $0x5;
	s18 =	simm.s32 $0x1400  }
0x6: {  	s19 =	simm.s32 $0x80;
	s20 =	simm.s32 $0x6800;
	s21 =	simm.s32 $0x1  }
0x7: {  	s22 =	simm.s32 $0x2;
	s23 =	simm.s32 $0x3;
	s24 =	simm.s32 $0x4  }
0x8: {  	s10 =	sand.u32 $0x1, s3;
	s3 =	stileid.u32;
	[smem:$0x7FF] =	sst s4  }
0x9: {  	s8 =	sadd.s32 $0x6400, s13;
	s9 =	sadd.s32 $0x10400, s13;
	s5 =	sshll.u32 s10, $0x4  }
0xa: {  	s6 =	smul.u32 $0x50000, s3;
	_ =	strace $0x8000004D;
	s5 =	sor.u32 s3, s5  }
0xb: {  	s7 =	ssub.s32 $0x2, s10;
	p0 =	seq.s32 s10, $0x1;
	s5 =	smul.u32 $0x2800, s5  }
0xc: {  	s15 =	smul.u32 $0x2800, s3;
	s11 =	sshrl.u32 s7, $0x1;
	s6 =	sshrl.u32 s6, $0x2  }
0xd: {  	s11 =	ssub.s32 s7, s11;
	s12 =	sshrl.u32 s5, $0x3;
	s5 =	sadd.s32 s6, s2  }
0xe: {  	s14 =	sadd.s32 $0x280, s12;
	s6 =	sadd.s32 s8, s12;
	s7 =	sadd.s32 s9, s12  }
0xf: {  	s8 =	sadd.s32 s8, s14;
	s9 =	sadd.s32 s9, s14;
	s14 =	simm.s32 $0x6A400  }
0x10: {  	s10 =	smax.u32 s11, $0x1;
	s11 =	sadd.s32 $0x4000, s5;
	s14 =	simm.s32 @!p0 $0x42400  }
0x11: {  	s12 =	sadd.s32 $0x8000, s5;
	s16 =	sadd.s32 s14, s13;
	s13 =	sadd.s32 $0xC000, s5  }
0x12: {  	v0 =	vimm.f32 $0.0e+00;
	s14 =	sadd.s32 $0x10000, s5;
	s15 =	sadd.s32 s16, s15;
	s16 =	simm.s32 $0x2800  }
.LBB2_1:
0x13: {  	s25 =	simm.s32 $0x0;
	s26 =	simm.s32 $0x200  }
.LBB2_2:
0x14: {  	p0 =	sne.s32 s26, $0xFE00;
	[tilespmem:s25+$0x2870] =	vst v0  }
0x15: {  	[tilespmem:s25+$0x2800] =	vst v0  }
0x16: {  	[tilespmem:s25+$0x2810] =	vst v0  }
.Ltmp0:
0x17: {  	[tilespmem:s25+$0x2820] =	vst v0;
	(pc) =	sbr.rel @p0 .LBB2_2-.Ltmp0, $4  }
0x18: {  	[tilespmem:s25+$0x2830] =	vst v0  }
0x19: {  	[tilespmem:s25+$0x2840] =	vst v0  }
0x1a: {  	[tilespmem:s25+$0x2850] =	vst v0  }
0x1b: {  	[tilespmem:s25+$0x2860] =	vst v0;
	s25 =	sshra.s32 s26, $0x2;
	s26 =	sadd.s32 $0x200, s26  }
0x1c: {  	[tilespmem:s25+$0x2870] =	vst v0  }
0x1d: {  	[tilespmem:s25+$0x2800] =	vst v0  }
0x1e: {  	[tilespmem:s25+$0x2810] =	vst v0  }
0x1f: {  	[tilespmem:s25+$0x2820] =	vst v0  }
0x20: {  	[tilespmem:s25+$0x2830] =	vst v0  }
0x21: {  	[tilespmem:s25+$0x2840] =	vst v0  }
0x22: {  	[tilespmem:s25+$0x2850] =	vst v0  }
0x23: {  	[tilespmem:s25+$0x2860] =	vst v0  }
0x24: {  	[spmem:s5] =	stream.linear.scatter [tilespmem:s16], [sflag:$0x5], $0x4000, $0x38;
	[tilespmem:$0x1E800] =	vst v63  }
0x25: {  	_ =	swait.ge [sflag:s17], $0x4000  }
0x26: {  	[sflag:s17] =	ssyncset.done $0x0  }
0x27: {  	[sflag:s17] =	ssyncadd.s32 $0xFFFFC000  }
0x28: {  	[spmem:s11] =	stream.linear.scatter [tilespmem:s16], [sflag:$0x5], $0x4000, $0x38;
	[tilespmem:$0x1E800] =	vst v63  }
0x29: {  	_ =	swait.ge [sflag:s17], $0x4000  }
0x2a: {  	[sflag:s17] =	ssyncset.done $0x0  }
0x2b: {  	[sflag:s17] =	ssyncadd.s32 $0xFFFFC000  }
0x2c: {  	[spmem:s12] =	stream.linear.scatter [tilespmem:s16], [sflag:$0x5], $0x4000, $0x38;
	[tilespmem:$0x1E800] =	vst v63  }
0x2d: {  	_ =	swait.ge [sflag:s17], $0x4000  }
0x2e: {  	[sflag:s17] =	ssyncset.done $0x0  }
0x2f: {  	[sflag:s17] =	ssyncadd.s32 $0xFFFFC000  }
0x30: {  	[spmem:s13] =	stream.linear.scatter [tilespmem:s16], [sflag:$0x5], $0x4000, $0x38;
	[tilespmem:$0x1E800] =	vst v63  }
0x31: {  	_ =	swait.ge [sflag:s17], $0x4000  }
0x32: {  	[sflag:s17] =	ssyncset.done $0x0  }
0x33: {  	[sflag:s17] =	ssyncadd.s32 $0xFFFFC000  }
0x34: {  	[spmem:s14] =	stream.linear.scatter [tilespmem:s16], [sflag:$0x5], $0x4000, $0x38;
	[tilespmem:$0x1E800] =	vst v63  }
0x35: {  	_ =	swait.ge [sflag:s17], $0x4000  }
0x36: {  	[sflag:s17] =	ssyncset.done $0x0  }
0x37: {  	[sflag:s17] =	ssyncadd.s32 $0xFFFFC000  }
0x38: {  	s26 =	simm.s32 $0x0;
	[bflag:$0x0] =	sbarrier.arrive $0xFFFF  }
0x39: {  	[tilespmem:s26], [sflag:$0x5] =	stream.linear.gather [hbm4b:s6+s26], $0x1400, $0x38;
	[tilespmem:$0x1E800] =	vst v63  }
0x3a: {  	_ =	swait.ge [sflag:s17], $0x1400  }
0x3b: {  	[sflag:s17] =	ssyncset.done $0x0  }
0x3c: {  	[sflag:s17] =	ssyncadd.s32 $0xFFFFEC00  }
0x3d: {  	[tilespmem:s18], [sflag:$0x5] =	stream.linear.gather [hbm4b:s7+s26], $0x1400, $0x38;
	[tilespmem:$0x1E800] =	vst v63  }
0x3e: {  	_ =	swait.ge [sflag:s17], $0x1400  }
0x3f: {  	[sflag:s17] =	ssyncset.done $0x0  }
0x40: {  	s28 =	simm.s32 $0x0;
	[sflag:s17] =	ssyncadd.s32 $0xFFFFEC00  }
0x41: {  	[tilespmem:s16], [sflag:$0x1] =	stream.indirect.gather [hbm4b:s1+s19], $0x80, s28, s19, $0xb8;
	[tilespmem:$0x1E800] =	vst v63  }
0x42: {  	s29 =	simm.s32 $0x80  }
0x43: {  	[tilespmem:s20], [sflag:$0x2] =	stream.indirect.gather [hbm4b:s1+s19], $0x80, s29, s19, $0xb8;
	[tilespmem:$0x1E800] =	vst v63  }
0x44: {  	_ =	swait.ge [sflag:s21], $0x4000  }
0x45: {  	[sflag:s21] =	ssyncset.done $0x0  }
0x46: {  	s30 =	simm.s32 $0x1400;
	[sflag:s21] =	ssyncadd.s32 $0xFFFFC000  }
0x47: {  	[spmem:s2] =	stream.indirect.scatter.add.f32 [tilespmem:s16], [sflag:$0x3], $0x80, s30, s19, $0xb8;
	[tilespmem:$0x1E800] =	vst v63  }
0x48: {  	_ =	swait.ge [sflag:s22], $0x4000  }
0x49: {  	[sflag:s22] =	ssyncset.done $0x0  }
0x4a: {  	s31 =	simm.s32 $0x1480;
	[sflag:s22] =	ssyncadd.s32 $0xFFFFC000  }
0x4b: {  	[spmem:s2] =	stream.indirect.scatter.add.f32 [tilespmem:s20], [sflag:$0x4], $0x80, s31, s19, $0xb8;
	[tilespmem:$0x1E800] =	vst v63  }
0x4c: {  	_ =	swait.ge [sflag:s23], $0x4000  }
0x4d: {  	[sflag:s23] =	ssyncset.done $0x0  }
0x4e: {  	[sflag:s23] =	ssyncadd.s32 $0xFFFFC000  }
0x4f: {  	_ =	swait.ge [sflag:s24], $0x4000  }
0x50: {  	s25 =	simm.s32 $0x400;
	s26 =	simm.s32 $0x800;
	[sflag:s24] =	ssyncset.done $0x0  }
.LBB2_4:
0x51: {  	s28 =	sshra.s32 s25, $0x2  }
0x52: {  	[sflag:s24] =	ssyncadd.s32 $0xFFFFC000;
	s25 =	smov.u32 s26;
	s29 =	sadd.s32 $0x400, s26  }
0x53: {  	[tilespmem:s16], [sflag:$0x1] =	stream.indirect.gather [hbm4b:s1+s19], $0x80, s28, s19, $0xb8;
	[tilespmem:$0x1E800] =	vst v63  }
0x54: {  	p0 =	sne.s32 s26, $0x4C00;
	s26 =	sadd.s32 $0x80, s28  }
0x55: {  	[tilespmem:s20], [sflag:$0x2] =	stream.indirect.gather [hbm4b:s1+s19], $0x80, s26, s19, $0xb8;
	[tilespmem:$0x1E800] =	vst v63  }
0x56: {  	_ =	swait.ge [sflag:s21], $0x4000  }
0x57: {  	[sflag:s21] =	ssyncset.done $0x0  }
0x58: {  	s26 =	sadd.s32 $0x1400, s28;
	[sflag:s21] =	ssyncadd.s32 $0xFFFFC000  }
0x59: {  	[spmem:s2] =	stream.indirect.scatter.add.f32 [tilespmem:s16], [sflag:$0x3], $0x80, s26, s19, $0xb8;
	[tilespmem:$0x1E800] =	vst v63  }
0x5a: {  	_ =	swait.ge [sflag:s22], $0x4000  }
0x5b: {  	[sflag:s22] =	ssyncset.done $0x0  }
0x5c: {  	s26 =	sadd.s32 $0x1480, s28;
	[sflag:s22] =	ssyncadd.s32 $0xFFFFC000  }
0x5d: {  	[spmem:s2] =	stream.indirect.scatter.add.f32 [tilespmem:s20], [sflag:$0x4], $0x80, s26, s19, $0xb8;
	[tilespmem:$0x1E800] =	vst v63  }
.Ltmp1:
0x5e: {  	_ =	swait.ge [sflag:s23], $0x4000;
	(pc) =	sbr.rel @p0 .LBB2_4-.Ltmp1, $4  }
0x5f: {  	[sflag:s23] =	ssyncset.done $0x0  }
0x60: {  	[sflag:s23] =	ssyncadd.s32 $0xFFFFC000  }
0x61: {  	_ =	swait.ge [sflag:s24], $0x4000  }
0x62: {  	s26 =	smov.u32 s29;
	[sflag:s24] =	ssyncset.done $0x0  }
0x63: {  	s25 =	sshra.s32 s25, $0x2;
	[sflag:s24] =	ssyncadd.s32 $0xFFFFC000  }
0x64: {  	[tilespmem:s16], [sflag:$0x1] =	stream.indirect.gather [hbm4b:s1+s19], $0x80, s25, s19, $0xb8;
	[tilespmem:$0x1E800] =	vst v63  }
0x65: {  	s26 =	sadd.s32 $0x80, s25  }
0x66: {  	[tilespmem:s20], [sflag:$0x2] =	stream.indirect.gather [hbm4b:s1+s19], $0x80, s26, s19, $0xb8;
	[tilespmem:$0x1E800] =	vst v63  }
0x67: {  	_ =	swait.ge [sflag:s21], $0x4000  }
0x68: {  	[sflag:s21] =	ssyncset.done $0x0  }
0x69: {  	s31 =	sadd.s32 $0x1400, s25;
	[sflag:s21] =	ssyncadd.s32 $0xFFFFC000  }
0x6a: {  	[spmem:s2] =	stream.indirect.scatter.add.f32 [tilespmem:s16], [sflag:$0x3], $0x80, s31, s19, $0xb8;
	[tilespmem:$0x1E800] =	vst v63  }
0x6b: {  	_ =	swait.ge [sflag:s22], $0x4000  }
0x6c: {  	[sflag:s22] =	ssyncset.done $0x0  }
0x6d: {  	s25 =	sadd.s32 $0x1480, s25;
	[sflag:s22] =	ssyncadd.s32 $0xFFFFC000  }
0x6e: {  	[spmem:s2] =	stream.indirect.scatter.add.f32 [tilespmem:s20], [sflag:$0x4], $0x80, s25, s19, $0xb8;
	[tilespmem:$0x1E800] =	vst v63  }
0x6f: {  	_ =	swait.ge [sflag:s23], $0x4000  }
0x70: {  	[sflag:s23] =	ssyncset.done $0x0  }
0x71: {  	[sflag:s23] =	ssyncadd.s32 $0xFFFFC000  }
0x72: {  	_ =	swait.ge [sflag:s24], $0x4000  }
0x73: {  	[sflag:s24] =	ssyncset.done $0x0  }
0x74: {  	s26 =	simm.s32 $0x0;
	[sflag:s24] =	ssyncadd.s32 $0xFFFFC000  }
0x75: {  	[tilespmem:s26], [sflag:$0x5] =	stream.linear.gather [hbm4b:s8+s26], $0x1400, $0x38;
	[tilespmem:$0x1E800] =	vst v63  }
0x76: {  	_ =	swait.ge [sflag:s17], $0x1400  }
0x77: {  	[sflag:s17] =	ssyncset.done $0x0  }
0x78: {  	[sflag:s17] =	ssyncadd.s32 $0xFFFFEC00  }
0x79: {  	[tilespmem:s18], [sflag:$0x5] =	stream.linear.gather [hbm4b:s9+s26], $0x1400, $0x38;
	[tilespmem:$0x1E800] =	vst v63  }
0x7a: {  	_ =	swait.ge [sflag:s17], $0x1400  }
0x7b: {  	[sflag:s17] =	ssyncset.done $0x0  }
0x7c: {  	s28 =	simm.s32 $0x0;
	[sflag:s17] =	ssyncadd.s32 $0xFFFFEC00  }
0x7d: {  	[tilespmem:s16], [sflag:$0x1] =	stream.indirect.gather [hbm4b:s1+s19], $0x80, s28, s19, $0xb8;
	[tilespmem:$0x1E800] =	vst v63  }
0x7e: {  	s29 =	simm.s32 $0x80  }
0x7f: {  	[tilespmem:s20], [sflag:$0x2] =	stream.indirect.gather [hbm4b:s1+s19], $0x80, s29, s19, $0xb8;
	[tilespmem:$0x1E800] =	vst v63  }
0x80: {  	_ =	swait.ge [sflag:s21], $0x4000  }
0x81: {  	[sflag:s21] =	ssyncset.done $0x0  }
0x82: {  	s30 =	simm.s32 $0x1400;
	[sflag:s21] =	ssyncadd.s32 $0xFFFFC000  }
0x83: {  	[spmem:s2] =	stream.indirect.scatter.add.f32 [tilespmem:s16], [sflag:$0x3], $0x80, s30, s19, $0xb8;
	[tilespmem:$0x1E800] =	vst v63  }
0x84: {  	_ =	swait.ge [sflag:s22], $0x4000  }
0x85: {  	[sflag:s22] =	ssyncset.done $0x0  }
0x86: {  	s31 =	simm.s32 $0x1480;
	[sflag:s22] =	ssyncadd.s32 $0xFFFFC000  }
0x87: {  	[spmem:s2] =	stream.indirect.scatter.add.f32 [tilespmem:s20], [sflag:$0x4], $0x80, s31, s19, $0xb8;
	[tilespmem:$0x1E800] =	vst v63  }
0x88: {  	_ =	swait.ge [sflag:s23], $0x4000  }
0x89: {  	[sflag:s23] =	ssyncset.done $0x0  }
0x8a: {  	[sflag:s23] =	ssyncadd.s32 $0xFFFFC000  }
0x8b: {  	_ =	swait.ge [sflag:s24], $0x4000  }
0x8c: {  	s25 =	simm.s32 $0x400;
	s26 =	simm.s32 $0x800;
	[sflag:s24] =	ssyncset.done $0x0  }
.LBB2_6:
0x8d: {  	s28 =	sshra.s32 s25, $0x2  }
0x8e: {  	[sflag:s24] =	ssyncadd.s32 $0xFFFFC000;
	s25 =	smov.u32 s26;
	s29 =	sadd.s32 $0x400, s26  }
0x8f: {  	[tilespmem:s16], [sflag:$0x1] =	stream.indirect.gather [hbm4b:s1+s19], $0x80, s28, s19, $0xb8;
	[tilespmem:$0x1E800] =	vst v63  }
0x90: {  	p0 =	sne.s32 s26, $0x4C00;
	s26 =	sadd.s32 $0x80, s28  }
0x91: {  	[tilespmem:s20], [sflag:$0x2] =	stream.indirect.gather [hbm4b:s1+s19], $0x80, s26, s19, $0xb8;
	[tilespmem:$0x1E800] =	vst v63  }
0x92: {  	_ =	swait.ge [sflag:s21], $0x4000  }
0x93: {  	[sflag:s21] =	ssyncset.done $0x0  }
0x94: {  	s26 =	sadd.s32 $0x1400, s28;
	[sflag:s21] =	ssyncadd.s32 $0xFFFFC000  }
0x95: {  	[spmem:s2] =	stream.indirect.scatter.add.f32 [tilespmem:s16], [sflag:$0x3], $0x80, s26, s19, $0xb8;
	[tilespmem:$0x1E800] =	vst v63  }
0x96: {  	_ =	swait.ge [sflag:s22], $0x4000  }
0x97: {  	[sflag:s22] =	ssyncset.done $0x0  }
0x98: {  	s26 =	sadd.s32 $0x1480, s28;
	[sflag:s22] =	ssyncadd.s32 $0xFFFFC000  }
0x99: {  	[spmem:s2] =	stream.indirect.scatter.add.f32 [tilespmem:s20], [sflag:$0x4], $0x80, s26, s19, $0xb8;
	[tilespmem:$0x1E800] =	vst v63  }
.Ltmp2:
0x9a: {  	_ =	swait.ge [sflag:s23], $0x4000;
	(pc) =	sbr.rel @p0 .LBB2_6-.Ltmp2, $4  }
0x9b: {  	[sflag:s23] =	ssyncset.done $0x0  }
0x9c: {  	[sflag:s23] =	ssyncadd.s32 $0xFFFFC000  }
0x9d: {  	_ =	swait.ge [sflag:s24], $0x4000  }
0x9e: {  	s26 =	smov.u32 s29;
	[sflag:s24] =	ssyncset.done $0x0  }
0x9f: {  	s25 =	sshra.s32 s25, $0x2;
	[sflag:s24] =	ssyncadd.s32 $0xFFFFC000  }
0xa0: {  	[tilespmem:s16], [sflag:$0x1] =	stream.indirect.gather [hbm4b:s1+s19], $0x80, s25, s19, $0xb8;
	[tilespmem:$0x1E800] =	vst v63  }
0xa1: {  	s26 =	sadd.s32 $0x80, s25  }
0xa2: {  	[tilespmem:s20], [sflag:$0x2] =	stream.indirect.gather [hbm4b:s1+s19], $0x80, s26, s19, $0xb8;
	[tilespmem:$0x1E800] =	vst v63  }
0xa3: {  	_ =	swait.ge [sflag:s21], $0x4000  }
0xa4: {  	[sflag:s21] =	ssyncset.done $0x0  }
0xa5: {  	s29 =	sadd.s32 $0x1400, s25;
	[sflag:s21] =	ssyncadd.s32 $0xFFFFC000  }
0xa6: {  	[spmem:s2] =	stream.indirect.scatter.add.f32 [tilespmem:s16], [sflag:$0x3], $0x80, s29, s19, $0xb8;
	[tilespmem:$0x1E800] =	vst v63  }
0xa7: {  	_ =	swait.ge [sflag:s22], $0x4000  }
0xa8: {  	[sflag:s22] =	ssyncset.done $0x0  }
0xa9: {  	s25 =	sadd.s32 $0x1480, s25;
	[sflag:s22] =	ssyncadd.s32 $0xFFFFC000  }
0xaa: {  	[spmem:s2] =	stream.indirect.scatter.add.f32 [tilespmem:s20], [sflag:$0x4], $0x80, s25, s19, $0xb8;
	[tilespmem:$0x1E800] =	vst v63  }
0xab: {  	_ =	swait.ge [sflag:s23], $0x4000  }
0xac: {  	[sflag:s23] =	ssyncset.done $0x0  }
0xad: {  	[sflag:s23] =	ssyncadd.s32 $0xFFFFC000  }
0xae: {  	_ =	swait.ge [sflag:s24], $0x4000  }
0xaf: {  	s30 =	sshll.u32 s3, $0x6;
	s4 =	sadd.s32 $0x1, s4;
	[sflag:s24] =	ssyncset.done $0x0  }
0xb0: {  	s31 =	sshrl.u32 s5, $0x3;
	p0 =	sne.s32 s4, s10;
	[sflag:s24] =	ssyncadd.s32 $0xFFFFC000  }
.Ltmp3:
0xb1: {  	s25 =	sor.u32 $0x1C05, s30;
	[bflag:$0x0] =	sbarrier.arrive $0xFFFF;
	(pc) =	sbr.rel @p0 .LBB2_1-.Ltmp3, $4  }
0xb2: {  	[hbm:s15], [sflag:s25] =	dma.local [spmem:s31], $0x2800  }
0xb3: {  	_ =	swait.ge [sflag:s17], $0x2800  }
0xb4: {  	[sflag:s17] =	ssyncset.done $0x0  }
0xb5: {  	[sflag:s17] =	ssyncadd.s32 $0xFFFFD800  }
0xb6: {  	_ =	sfence.sel $0x180000  }
0xb7: {  	[bflag:$0x0] =	sbarrier.arrive $0xFFFF  }
0xb8: {  	p0 =	sne.s32 s3, $0x0;
	_ =	strace $0x9000004D  }
0xb9: {  	s0 =	sadd.s32 @!p0 $0x100000, s0;
	[bflag:$0x2] =	sbarrier.arrive $0xFFFF  }
0xba: {  	[sflag:s0] =	ssyncadd.tile.s32 @!p0 $0x1;
	_ =	shalt  }
.Lfunc_end2:
_tile_overlayer_lowered:
.L_overlay_start_2:
0xbb: {  	(tag) =	ssettag $0x2  }
0xbc: {  	s0 =	rddreg [dreg:$0x0];
	s2 =	stileid.u32  }
0xbd: {  	s1 =	rddreg [dreg:$0x1];
	p0 =	sne.s32 s2, $0x0  }
0xbe: {  	s3 =	rddreg [dreg:$0x2];
	[bflag:$0x3] =	sbarrier.arrive $0xFFFF;
	s2 =	simm.s32 @!p0 $0x1C05  }
0xbf: {  	[timem:s3], [sflag:s2] =	dma.local @!p0 [hbm:s0], s1  }
0xc0: {  	s0 =	simm.s32 @!p0 $0x5  }
0xc1: {  	_ =	swait.ge @!p0 [sflag:s0], s1  }
0xc2: {  	s1 =	ssub.s32 @!p0 $0x0, s1;
	[sflag:s0] =	ssyncset.done @!p0 $0x0  }
0xc3: {  	[sflag:s0] =	ssyncadd.s32 @!p0 s1  }
0xc4: {  	[bflag:$0x3] =	sbarrier.arrive $0xFFFF  }
0xc5: {  	_ =	shalt  }

// kernel: kernel.20.cloned.1.call-start
scs
__scs_entry_jumppad:
0x0: {  	(pc) =	sbr.rel $0x88, $3  }
0x1: {  	(tag) =	ssettag $0x0;
	lr =	simm.s32 $0x1  }
0x2: {  	[smem:$0x3F90] =	sst lr;
	_ =	strace $0xD0000000  }
0x3: {  	_ = 	snop  }
0x4: {  	_ = 	snop  }
0x5: {  	_ = 	snop  }
0x6: {  	_ = 	snop  }
0x7: {  	_ = 	snop  }
__scs_overlays_trampoline_lowered:
0x8: {  	[smem:$0x3F9F] =	sst s0  }
0x9: {  	[smem:$0x3FA0] =	sst s1  }
0xa: {  	[smem:$0x3FA1] =	sst s2  }
0xb: {  	[smem:$0x3FA2] =	sst s3  }
0xc: {  	[smem:$0x3FA3] =	sst s4  }
0xd: {  	[smem:$0x3FA4] =	sst s5  }
0xe: {  	[smem:$0x3FA5] =	sst s6  }
0xf: {  	[smem:$0x3FA6] =	sst s7  }
0x10: {  	[smem:$0x3FA7] =	sst s8  }
0x11: {  	[smem:$0x3FA8] =	sst s9;
	s0 =	simm.s32 @!p0 $0x0  }
0x12: {  	s1 =	sld [smem:$0x3F8E];
	s0 =	simm.s32 @p0 $0x1  }
0x13: {  	[smem:$0x3FA9] =	sst s0;
	s0 =	simm.s32 @!p1 $0x0  }
0x14: {  	s2 =	sld [smem:$0x3F8D];
	s0 =	simm.s32 @p1 $0x1  }
0x15: {  	[smem:$0x3FAA] =	sst s0;
	s0 =	simm.s32 @!p2 $0x0  }
0x16: {  	s3 =	sld [smem:$0x3FDB];
	s0 =	simm.s32 @p2 $0x1  }
0x17: {  	s4 =	simm.s32 $0x1BF5;
	[smem:$0x3FAC] =	sst s0  }
0x18: {  	s0 =	sld [smem:$0x3F8F];
	_ =	swait.ge [sflag:s4], $0x0  }
0x19: {  	s7 =	sld [smem:$0x3F90]  }
0x1a: {  	s8 =	sadd.s32 $0xFFFFE003, lr  }
0x1b: {  	s9 =	sadd.s32 $0xFFFFFEF7, lr;
	s5 =	simm.s32 $0xFFFFFFFF;
	p2 =	slt.u32 s8, $0xFFFFF086  }
0x1c: {  	p1 =	slt.u32 s9, $0xF7A;
	s5 =	simm.s32 @!p2 $0x0  }
0x1d: {  	s5 =	simm.s32 @p1 $0x1;
	p0 =	seq.s32 s7, s2  }
0x1e: {  	s7 =	smul.u32 @!p0 $0xF7A, s2;
	p2 =	seq.s32 @!p0 s5, $0x0  }
0x1f: {  	s9 =	smul.u32 $0xF7A, s1;
	s8 =	simm.s32 @!p0 $0x1BF5;
	p2 =	por !p2, p0  }
0x20: {  	[sflag:s8] =	ssyncset.s32 @!p0 $0xFFFFF086;
	s6 =	sadd.s32 @!p0 s3, s7;
	s7 =	simm.s32 @!p0 $0x108  }
0x21: {  	s3 =	sadd.s32 s3, s9;
	s6 =	sadd.s32 @!p0 $0x88, s6;
	s7 =	simm.s32 @p2 $0x1082  }
0x22: {  	[simem:s7], [sflag:s8] =	dma.local @!p0 [hbm:s6], $0xF7A  }
0x23: {  	s9 =	sor.u32 $0xD0000000, s2;
	s6 =	simm.s32 $0x108;
	_ =	swait.ge @!p0 [sflag:s8], $0x0  }
0x24: {  	s3 =	sadd.s32 $0x88, s3;
	s6 =	simm.s32 @!p1 $0x1082;
	[sflag:s4] =	ssyncset.s32 $0xFFFFF086  }
0x25: {  	[simem:s6], [sflag:s4] =	dma.local [hbm:s3], $0xF7A  }
0x26: {  	[smem:$0x3F90] =	sst s1;
	(tag) =	ssettag s2;
	_ =	strace s9  }
0x27: {  	s1 =	sld [smem:$0x3FA0]  }
0x28: {  	s2 =	sld [smem:$0x3FA1]  }
0x29: {  	s4 =	sld [smem:$0x3FA3]  }
0x2a: {  	p0 =	seq.s32 s5, $0x0;
	s5 =	sld [smem:$0x3FA4]  }
0x2b: {  	s6 =	sld [smem:$0x3FA5]  }
0x2c: {  	s7 =	sld [smem:$0x3FA6]  }
0x2d: {  	s3 =	simm.s32 $0x108;
	s8 =	sld [smem:$0x3FA7]  }
0x2e: {  	s3 =	simm.s32 @!p0 $0x1082;
	s9 =	sld [smem:$0x3FA8]  }
0x2f: {  	lr =	sadd.s32 s0, s3;
	s0 =	sld [smem:$0x3F9F]  }
0x30: {  	s3 =	sld [smem:$0x3FA2]  }
0x31: {  	[smem:$0x3FAB] =	sst s10  }
0x32: {  	s10 =	sld [smem:$0x3FA9];
	_ =	sdelay $0x3  }
0x33: {  	p0 =	seq.s32 s10, $0x1;
	s10 =	sld [smem:$0x3FAB];
	_ =	sdelay $0x3  }
0x34: {  	[smem:$0x3FAB] =	sst s10  }
0x35: {  	s10 =	sld [smem:$0x3FAA];
	_ =	sdelay $0x3  }
0x36: {  	p1 =	seq.s32 s10, $0x1;
	s10 =	sld [smem:$0x3FAB];
	_ =	sdelay $0x3  }
0x37: {  	[smem:$0x3FAB] =	sst s10  }
0x38: {  	s10 =	sld [smem:$0x3FAC]  }
0x39: {  	_ = 	snop;
	(pc) =	sbr.ind lr, $3  }
0x3a: {  	_ = 	snop  }
0x3b: {  	_ = 	snop  }
0x3c: {  	p2 =	seq.s32 s10, $0x1;
	s10 =	sld [smem:$0x3FAB]  }
0x3d: {  	_ =	shalt  }
0x3e: {  	_ =	shalt  }
0x3f: {  	_ =	shalt  }
0x40: {  	_ =	shalt  }
0x41: {  	_ =	shalt  }
0x42: {  	_ =	shalt  }
0x43: {  	_ =	shalt  }
0x44: {  	_ =	shalt  }
0x45: {  	_ =	shalt  }
0x46: {  	_ =	shalt  }
0x47: {  	_ =	shalt  }
0x48: {  	_ =	shalt  }
0x49: {  	_ =	shalt  }
0x4a: {  	_ =	shalt  }
0x4b: {  	_ =	shalt  }
0x4c: {  	_ =	shalt  }
0x4d: {  	_ =	shalt  }
0x4e: {  	_ =	shalt  }
0x4f: {  	_ =	shalt  }
0x50: {  	_ =	shalt  }
0x51: {  	_ =	shalt  }
0x52: {  	_ =	shalt  }
0x53: {  	_ =	shalt  }
0x54: {  	_ =	shalt  }
0x55: {  	_ =	shalt  }
0x56: {  	_ =	shalt  }
0x57: {  	_ =	shalt  }
0x58: {  	_ =	shalt  }
0x59: {  	_ =	shalt  }
0x5a: {  	_ =	shalt  }
0x5b: {  	_ =	shalt  }
0x5c: {  	_ =	shalt  }
0x5d: {  	_ =	shalt  }
0x5e: {  	_ =	shalt  }
0x5f: {  	_ =	shalt  }
0x60: {  	_ =	shalt  }
0x61: {  	_ =	shalt  }
0x62: {  	_ =	shalt  }
0x63: {  	_ =	shalt  }
0x64: {  	_ =	shalt  }
0x65: {  	_ =	shalt  }
0x66: {  	_ =	shalt  }
0x67: {  	_ =	shalt  }
0x68: {  	_ =	shalt  }
0x69: {  	_ =	shalt  }
0x6a: {  	_ =	shalt  }
0x6b: {  	_ =	shalt  }
0x6c: {  	_ =	shalt  }
0x6d: {  	_ =	shalt  }
0x6e: {  	_ =	shalt  }
0x6f: {  	_ =	shalt  }
0x70: {  	_ =	shalt  }
0x71: {  	_ =	shalt  }
0x72: {  	_ =	shalt  }
0x73: {  	_ =	shalt  }
0x74: {  	_ =	shalt  }
0x75: {  	_ =	shalt  }
0x76: {  	_ =	shalt  }
0x77: {  	_ =	shalt  }
0x78: {  	_ =	shalt  }
0x79: {  	_ =	shalt  }
0x7a: {  	_ =	shalt  }
0x7b: {  	_ =	shalt  }
0x7c: {  	_ =	shalt  }
0x7d: {  	_ =	shalt  }
0x7e: {  	_ =	shalt  }
0x7f: {  	_ =	shalt  }
0x80: {  	_ =	shalt  }
0x81: {  	_ =	shalt  }
0x82: {  	_ =	shalt  }
0x83: {  	_ =	shalt  }
0x84: {  	_ =	shalt  }
0x85: {  	_ =	shalt  }
0x86: {  	_ =	shalt  }
0x87: {  	_ =	shalt  }
.Lfunc_end0:
.L_simem_size_0:
called_computation.3_lowered:
.L_overlay_start_0:
0x88: {  	s2 =	sld [smem:$0x3FD9]  }
0x89: {  	s3 =	sld [smem:$0x3FFE];
	_ =	sdelay $0x1  }
0x8a: {  	s1 =	srdreg.scid  }
0x8b: {  	s0 =	sand.u32 $0x1, s1  }
0x8c: {  	s14 =	sshll.u32 s0, $0xA;
	s2 =	sadd.s32 s3, s2  }
0x8d: {  	s2 =	sadd.s32 s2, s14  }
0x8e: {  	[smem:$0x3FB7] =	sst s2  }
0x8f: {  	_ = 	snop  }
0x90: {  	s2 =	sld [smem:$0x3FD0];
	_ =	sdelay $0x2  }
0x91: {  	s15 =	simm.s32 $0xA;
	s4 =	simm.s32 $0x10  }
0x92: {  	[smem:s4], [sflag:s15] =	dma.local [hbm:s2], $0x1  }
0x93: {  	_ =	swait.eq [sflag:s15], $0x1  }
0x94: {  	[sflag:s15] =	ssyncset.done $0x0  }
0x95: {  	[sflag:s15] =	ssyncadd.s32 $0xFFFFFFFF  }
0x96: {  	s16 =	sld [smem:$0x10];
	(tm) =	ssettm $0x1  }
0x97: {  	s17 =	sld [smem:$0x3FFB];
	_ =	sdelay $0x3  }
0x98: {  	_ =	strace s17  }
0x99: {  	s3 =	sld [smem:$0x3FFC];
	_ =	sdelay $0x3  }
0x9a: {  	_ =	strace s3  }
0x9b: {  	s3 =	sld [smem:$0x3FFD];
	_ =	sdelay $0x3  }
0x9c: {  	_ =	strace s3  }
0x9d: {  	_ =	strace $0x8FFFFFFF  }
0x9e: {  	s18 =	sld [smem:$0x3FDB];
	_ =	sdelay $0x1  }
0x9f: {  	s19 =	simm.s32 $_scs_section_size  }
0xa0: {  	s5 =	simm.s32 $_size__tile_overlayer_lowered;
	s6 =	simm.s32 $_tile_overlayer_lowered  }
0xa1: {  	s22 =	simm.s32 $0x1BFF;
	s21 =	sshll.u32 s6, $0x1;
	s3 =	sadd.s32 s19, s18  }
0xa2: {  	s7 =	simm.s32 $0x0;
	s20 =	sshll.u32 s5, $0x1;
	s5 =	sadd.s32 s21, s3  }
0xa3: {  	[timem:s7], [sflag:s22] =	dma.local [hbm:s5], s20  }
0xa4: {  	_ =	swait.ge [sflag:s22], s20  }
0xa5: {  	s4 =	ssub.s32 $0x0, s20;
	[sflag:s22] =	ssyncset.done $0x0  }
0xa6: {  	[sflag:s22] =	ssyncadd.s32 s4;
	_ =	sdelay $0x1  }
0xa7: {  	s23 =	simm.s32 $0x1B8B  }
0xa8: {  	_ =	swait.ge [sflag:s23], $0x1  }
0xa9: {  	[sflag:s23] =	ssyncset.done $0x0  }
0xaa: {  	s25 =	simm.s32 $0x1B8E;
	s24 =	sld [smem:$0x3FFE];
	[sflag:s23] =	ssyncadd.s32 $0xFFFFFFFF  }
0xab: {  	s26 =	simm.s32 $execute0_lowered;
	[smem:$0x3FD2] =	sst s25  }
0xac: {  	s5 =	sshll.u32 s26, $0x1;
	_ =	strace $0x8000004F;
	[dreg:$0x1] =	wrdreg $0xFFFFFFFF  }
0xad: {  	s28 =	simm.s32 $_size_execute0_lowered;
	s3 =	sadd.s32 s3, s5;
	[dreg:$0x0] =	wrdreg $0x0  }
0xae: {  	s5 =	sshll.u32 s28, $0x1;
	[dreg:$0x2] =	wrdreg s3  }
0xaf: {  	[dreg:$0x3] =	wrdreg s5  }
0xb0: {  	[dreg:$0x4] =	wrdreg $0xC0  }
0xb1: {  	_ =	task [dreg:s7], $0x5FFFF  }
0xb2: {  	[dreg:$0x1] =	wrdreg $0xFFFFFFFF  }
0xb3: {  	[dreg:$0x0] =	wrdreg $0x60  }
0xb4: {  	[dreg:$0x2] =	wrdreg s16  }
0xb5: {  	[dreg:$0x3] =	wrdreg s24  }
0xb6: {  	[dreg:$0x4] =	wrdreg $0xA8000  }
0xb7: {  	[dreg:$0x5] =	wrdreg $0x9  }
0xb8: {  	_ =	task.clear_ibuf [dreg:s7], $0x6FFFF;
	_ =	strace $0x9000004F  }
0xb9: {  	s29 =	simm.s32 $0x9;
	_ =	strace $0x80000051  }
0xba: {  	_ =	swait.ge [sflag:s29], $0x1  }
0xbb: {  	[sflag:s29] =	ssyncadd.s32 $0xFFFFFFFF  }
0xbc: {  	_ =	strace $0x90000051  }
0xbd: {  	_ =	sfence  }
0xbe: {  	s30 =	sld [smem:$0x0];
	_ =	sdelay $0x2  }
0xbf: {  	s31 =	sshll.u32 s1, $0xD;
	s1 =	sshrl.u32 s1, $0x2  }
0xc0: {  	s3 =	sand.u32 $0x4000, s31;
	s1 =	sadd.s32 s1, s30  }
0xc1: {  	s0 =	sor.u32 s3, s0;
	s1 =	sshll.u32 s1, $0x11  }
0xc2: {  	s0 =	sor.u32 s1, s0  }
0xc3: {  	s0 =	sadd.s32 $0x8F2B, s0  }
0xc4: {  	[sflag:s0] =	ssyncadd.remote.s32 $0x1  }
0xc5: {  	_ =	sfence.sel $0xFFFF  }
0xc6: {  	[dreg:$0x0] =	wrdreg $0xFFFFFFFF;
	(pc) =	sbr.abs _section_cstart, $3  }
0xc7: {  	[dreg:$0x1] =	wrdreg $0xFFFFFFFF  }
0xc8: {  	_ =	task.clear_ibuf [dreg:s7], $0x2FFFF;
	_ =	strace $0x9FFFFFFF  }
0xc9: {  	(tm) =	ssettm $0x7FFFFFFF  }
tec
execute0_lowered:
.L_overlay_start_1:
0x0: {  	(tag) =	ssettag $0x1  }
0x1: {  	s1 =	rddreg [dreg:$0x0]  }
0x2: {  	s13 =	rddreg [dreg:$0x1]  }
0x3: {  	s2 =	rddreg [dreg:$0x2]  }
0x4: {  	s3 =	srdreg.scid;
	s0 =	rddreg [dreg:$0x3]  }
0x5: {  	s4 =	simm.s32 $0x0;
	s17 =	simm.s32 $0x5;
	s18 =	simm.s32 $0x1400  }
0x6: {  	s19 =	simm.s32 $0x80;
	s20 =	simm.s32 $0x6800;
	s21 =	simm.s32 $0x1  }
0x7: {  	s22 =	simm.s32 $0x2;
	s23 =	simm.s32 $0x3;
	s24 =	simm.s32 $0x4  }
0x8: {  	s10 =	sand.u32 $0x1, s3;
	s3 =	stileid.u32;
	[smem:$0x7FF] =	sst s4  }
0x9: {  	s8 =	sadd.s32 $0x6400, s13;
	s9 =	sadd.s32 $0x10400, s13;
	s5 =	sshll.u32 s10, $0x4  }
0xa: {  	s6 =	smul.u32 $0x50000, s3;
	_ =	strace $0x80000050;
	s5 =	sor.u32 s3, s5  }
0xb: {  	s7 =	ssub.s32 $0x2, s10;
	p0 =	seq.s32 s10, $0x1;
	s5 =	smul.u32 $0x2800, s5  }
0xc: {  	s15 =	smul.u32 $0x2800, s3;
	s11 =	sshrl.u32 s7, $0x1;
	s6 =	sshrl.u32 s6, $0x2  }
0xd: {  	s11 =	ssub.s32 s7, s11;
	s12 =	sshrl.u32 s5, $0x3;
	s5 =	sadd.s32 s6, s2  }
0xe: {  	s14 =	sadd.s32 $0x280, s12;
	s6 =	sadd.s32 s8, s12;
	s7 =	sadd.s32 s9, s12  }
0xf: {  	s8 =	sadd.s32 s8, s14;
	s9 =	sadd.s32 s9, s14;
	s14 =	simm.s32 $0x6A400  }
0x10: {  	s10 =	smax.u32 s11, $0x1;
	s11 =	sadd.s32 $0x4000, s5;
	s14 =	simm.s32 @!p0 $0x42400  }
0x11: {  	s12 =	sadd.s32 $0x8000, s5;
	s16 =	sadd.s32 s14, s13;
	s13 =	sadd.s32 $0xC000, s5  }
0x12: {  	v0 =	vimm.f32 $0.0e+00;
	s14 =	sadd.s32 $0x10000, s5;
	s15 =	sadd.s32 s16, s15;
	s16 =	simm.s32 $0x2800  }
.LBB2_1:
0x13: {  	s25 =	simm.s32 $0x0;
	s26 =	simm.s32 $0x200  }
.LBB2_2:
0x14: {  	p0 =	sne.s32 s26, $0xFE00;
	[tilespmem:s25+$0x2870] =	vst v0  }
0x15: {  	[tilespmem:s25+$0x2800] =	vst v0  }
0x16: {  	[tilespmem:s25+$0x2810] =	vst v0  }
.Ltmp0:
0x17: {  	[tilespmem:s25+$0x2820] =	vst v0;
	(pc) =	sbr.rel @p0 .LBB2_2-.Ltmp0, $4  }
0x18: {  	[tilespmem:s25+$0x2830] =	vst v0  }
0x19: {  	[tilespmem:s25+$0x2840] =	vst v0  }
0x1a: {  	[tilespmem:s25+$0x2850] =	vst v0  }
0x1b: {  	[tilespmem:s25+$0x2860] =	vst v0;
	s25 =	sshra.s32 s26, $0x2;
	s26 =	sadd.s32 $0x200, s26  }
0x1c: {  	[tilespmem:s25+$0x2870] =	vst v0  }
0x1d: {  	[tilespmem:s25+$0x2800] =	vst v0  }
0x1e: {  	[tilespmem:s25+$0x2810] =	vst v0  }
0x1f: {  	[tilespmem:s25+$0x2820] =	vst v0  }
0x20: {  	[tilespmem:s25+$0x2830] =	vst v0  }
0x21: {  	[tilespmem:s25+$0x2840] =	vst v0  }
0x22: {  	[tilespmem:s25+$0x2850] =	vst v0  }
0x23: {  	[tilespmem:s25+$0x2860] =	vst v0  }
0x24: {  	[spmem:s5] =	stream.linear.scatter [tilespmem:s16], [sflag:$0x5], $0x4000, $0x38;
	[tilespmem:$0x1E800] =	vst v63  }
0x25: {  	_ =	swait.ge [sflag:s17], $0x4000  }
0x26: {  	[sflag:s17] =	ssyncset.done $0x0  }
0x27: {  	[sflag:s17] =	ssyncadd.s32 $0xFFFFC000  }
0x28: {  	[spmem:s11] =	stream.linear.scatter [tilespmem:s16], [sflag:$0x5], $0x4000, $0x38;
	[tilespmem:$0x1E800] =	vst v63  }
0x29: {  	_ =	swait.ge [sflag:s17], $0x4000  }
0x2a: {  	[sflag:s17] =	ssyncset.done $0x0  }
0x2b: {  	[sflag:s17] =	ssyncadd.s32 $0xFFFFC000  }
0x2c: {  	[spmem:s12] =	stream.linear.scatter [tilespmem:s16], [sflag:$0x5], $0x4000, $0x38;
	[tilespmem:$0x1E800] =	vst v63  }
0x2d: {  	_ =	swait.ge [sflag:s17], $0x4000  }
0x2e: {  	[sflag:s17] =	ssyncset.done $0x0  }
0x2f: {  	[sflag:s17] =	ssyncadd.s32 $0xFFFFC000  }
0x30: {  	[spmem:s13] =	stream.linear.scatter [tilespmem:s16], [sflag:$0x5], $0x4000, $0x38;
	[tilespmem:$0x1E800] =	vst v63  }
0x31: {  	_ =	swait.ge [sflag:s17], $0x4000  }
0x32: {  	[sflag:s17] =	ssyncset.done $0x0  }
0x33: {  	[sflag:s17] =	ssyncadd.s32 $0xFFFFC000  }
0x34: {  	[spmem:s14] =	stream.linear.scatter [tilespmem:s16], [sflag:$0x5], $0x4000, $0x38;
	[tilespmem:$0x1E800] =	vst v63  }
0x35: {  	_ =	swait.ge [sflag:s17], $0x4000  }
0x36: {  	[sflag:s17] =	ssyncset.done $0x0  }
0x37: {  	[sflag:s17] =	ssyncadd.s32 $0xFFFFC000  }
0x38: {  	s26 =	simm.s32 $0x0;
	[bflag:$0x0] =	sbarrier.arrive $0xFFFF  }
0x39: {  	[tilespmem:s26], [sflag:$0x5] =	stream.linear.gather [hbm4b:s6+s26], $0x1400, $0x38;
	[tilespmem:$0x1E800] =	vst v63  }
0x3a: {  	_ =	swait.ge [sflag:s17], $0x1400  }
0x3b: {  	[sflag:s17] =	ssyncset.done $0x0  }
0x3c: {  	[sflag:s17] =	ssyncadd.s32 $0xFFFFEC00  }
0x3d: {  	[tilespmem:s18], [sflag:$0x5] =	stream.linear.gather [hbm4b:s7+s26], $0x1400, $0x38;
	[tilespmem:$0x1E800] =	vst v63  }
0x3e: {  	_ =	swait.ge [sflag:s17], $0x1400  }
0x3f: {  	[sflag:s17] =	ssyncset.done $0x0  }
0x40: {  	s28 =	simm.s32 $0x0;
	[sflag:s17] =	ssyncadd.s32 $0xFFFFEC00  }
0x41: {  	[tilespmem:s16], [sflag:$0x1] =	stream.indirect.gather [hbm4b:s1+s19], $0x80, s28, s19, $0xb8;
	[tilespmem:$0x1E800] =	vst v63  }
0x42: {  	s29 =	simm.s32 $0x80  }
0x43: {  	[tilespmem:s20], [sflag:$0x2] =	stream.indirect.gather [hbm4b:s1+s19], $0x80, s29, s19, $0xb8;
	[tilespmem:$0x1E800] =	vst v63  }
0x44: {  	_ =	swait.ge [sflag:s21], $0x4000  }
0x45: {  	[sflag:s21] =	ssyncset.done $0x0  }
0x46: {  	s30 =	simm.s32 $0x1400;
	[sflag:s21] =	ssyncadd.s32 $0xFFFFC000  }
0x47: {  	[spmem:s2] =	stream.indirect.scatter.add.f32 [tilespmem:s16], [sflag:$0x3], $0x80, s30, s19, $0xb8;
	[tilespmem:$0x1E800] =	vst v63  }
0x48: {  	_ =	swait.ge [sflag:s22], $0x4000  }
0x49: {  	[sflag:s22] =	ssyncset.done $0x0  }
0x4a: {  	s31 =	simm.s32 $0x1480;
	[sflag:s22] =	ssyncadd.s32 $0xFFFFC000  }
0x4b: {  	[spmem:s2] =	stream.indirect.scatter.add.f32 [tilespmem:s20], [sflag:$0x4], $0x80, s31, s19, $0xb8;
	[tilespmem:$0x1E800] =	vst v63  }
0x4c: {  	_ =	swait.ge [sflag:s23], $0x4000  }
0x4d: {  	[sflag:s23] =	ssyncset.done $0x0  }
0x4e: {  	[sflag:s23] =	ssyncadd.s32 $0xFFFFC000  }
0x4f: {  	_ =	swait.ge [sflag:s24], $0x4000  }
0x50: {  	s25 =	simm.s32 $0x400;
	s26 =	simm.s32 $0x800;
	[sflag:s24] =	ssyncset.done $0x0  }
.LBB2_4:
0x51: {  	s28 =	sshra.s32 s25, $0x2  }
0x52: {  	[sflag:s24] =	ssyncadd.s32 $0xFFFFC000;
	s25 =	smov.u32 s26;
	s29 =	sadd.s32 $0x400, s26  }
0x53: {  	[tilespmem:s16], [sflag:$0x1] =	stream.indirect.gather [hbm4b:s1+s19], $0x80, s28, s19, $0xb8;
	[tilespmem:$0x1E800] =	vst v63  }
0x54: {  	p0 =	sne.s32 s26, $0x4C00;
	s26 =	sadd.s32 $0x80, s28  }
0x55: {  	[tilespmem:s20], [sflag:$0x2] =	stream.indirect.gather [hbm4b:s1+s19], $0x80, s26, s19, $0xb8;
	[tilespmem:$0x1E800] =	vst v63  }
0x56: {  	_ =	swait.ge [sflag:s21], $0x4000  }
0x57: {  	[sflag:s21] =	ssyncset.done $0x0  }
0x58: {  	s26 =	sadd.s32 $0x1400, s28;
	[sflag:s21] =	ssyncadd.s32 $0xFFFFC000  }
0x59: {  	[spmem:s2] =	stream.indirect.scatter.add.f32 [tilespmem:s16], [sflag:$0x3], $0x80, s26, s19, $0xb8;
	[tilespmem:$0x1E800] =	vst v63  }
0x5a: {  	_ =	swait.ge [sflag:s22], $0x4000  }
0x5b: {  	[sflag:s22] =	ssyncset.done $0x0  }
0x5c: {  	s26 =	sadd.s32 $0x1480, s28;
	[sflag:s22] =	ssyncadd.s32 $0xFFFFC000  }
0x5d: {  	[spmem:s2] =	stream.indirect.scatter.add.f32 [tilespmem:s20], [sflag:$0x4], $0x80, s26, s19, $0xb8;
	[tilespmem:$0x1E800] =	vst v63  }
.Ltmp1:
0x5e: {  	_ =	swait.ge [sflag:s23], $0x4000;
	(pc) =	sbr.rel @p0 .LBB2_4-.Ltmp1, $4  }
0x5f: {  	[sflag:s23] =	ssyncset.done $0x0  }
0x60: {  	[sflag:s23] =	ssyncadd.s32 $0xFFFFC000  }
0x61: {  	_ =	swait.ge [sflag:s24], $0x4000  }
0x62: {  	s26 =	smov.u32 s29;
	[sflag:s24] =	ssyncset.done $0x0  }
0x63: {  	s25 =	sshra.s32 s25, $0x2;
	[sflag:s24] =	ssyncadd.s32 $0xFFFFC000  }
0x64: {  	[tilespmem:s16], [sflag:$0x1] =	stream.indirect.gather [hbm4b:s1+s19], $0x80, s25, s19, $0xb8;
	[tilespmem:$0x1E800] =	vst v63  }
0x65: {  	s26 =	sadd.s32 $0x80, s25  }
0x66: {  	[tilespmem:s20], [sflag:$0x2] =	stream.indirect.gather [hbm4b:s1+s19], $0x80, s26, s19, $0xb8;
	[tilespmem:$0x1E800] =	vst v63  }
0x67: {  	_ =	swait.ge [sflag:s21], $0x4000  }
0x68: {  	[sflag:s21] =	ssyncset.done $0x0  }
0x69: {  	s31 =	sadd.s32 $0x1400, s25;
	[sflag:s21] =	ssyncadd.s32 $0xFFFFC000  }
0x6a: {  	[spmem:s2] =	stream.indirect.scatter.add.f32 [tilespmem:s16], [sflag:$0x3], $0x80, s31, s19, $0xb8;
	[tilespmem:$0x1E800] =	vst v63  }
0x6b: {  	_ =	swait.ge [sflag:s22], $0x4000  }
0x6c: {  	[sflag:s22] =	ssyncset.done $0x0  }
0x6d: {  	s25 =	sadd.s32 $0x1480, s25;
	[sflag:s22] =	ssyncadd.s32 $0xFFFFC000  }
0x6e: {  	[spmem:s2] =	stream.indirect.scatter.add.f32 [tilespmem:s20], [sflag:$0x4], $0x80, s25, s19, $0xb8;
	[tilespmem:$0x1E800] =	vst v63  }
0x6f: {  	_ =	swait.ge [sflag:s23], $0x4000  }
0x70: {  	[sflag:s23] =	ssyncset.done $0x0  }
0x71: {  	[sflag:s23] =	ssyncadd.s32 $0xFFFFC000  }
0x72: {  	_ =	swait.ge [sflag:s24], $0x4000  }
0x73: {  	[sflag:s24] =	ssyncset.done $0x0  }
0x74: {  	s26 =	simm.s32 $0x0;
	[sflag:s24] =	ssyncadd.s32 $0xFFFFC000  }
0x75: {  	[tilespmem:s26], [sflag:$0x5] =	stream.linear.gather [hbm4b:s8+s26], $0x1400, $0x38;
	[tilespmem:$0x1E800] =	vst v63  }
0x76: {  	_ =	swait.ge [sflag:s17], $0x1400  }
0x77: {  	[sflag:s17] =	ssyncset.done $0x0  }
0x78: {  	[sflag:s17] =	ssyncadd.s32 $0xFFFFEC00  }
0x79: {  	[tilespmem:s18], [sflag:$0x5] =	stream.linear.gather [hbm4b:s9+s26], $0x1400, $0x38;
	[tilespmem:$0x1E800] =	vst v63  }
0x7a: {  	_ =	swait.ge [sflag:s17], $0x1400  }
0x7b: {  	[sflag:s17] =	ssyncset.done $0x0  }
0x7c: {  	s28 =	simm.s32 $0x0;
	[sflag:s17] =	ssyncadd.s32 $0xFFFFEC00  }
0x7d: {  	[tilespmem:s16], [sflag:$0x1] =	stream.indirect.gather [hbm4b:s1+s19], $0x80, s28, s19, $0xb8;
	[tilespmem:$0x1E800] =	vst v63  }
0x7e: {  	s29 =	simm.s32 $0x80  }
0x7f: {  	[tilespmem:s20], [sflag:$0x2] =	stream.indirect.gather [hbm4b:s1+s19], $0x80, s29, s19, $0xb8;
	[tilespmem:$0x1E800] =	vst v63  }
0x80: {  	_ =	swait.ge [sflag:s21], $0x4000  }
0x81: {  	[sflag:s21] =	ssyncset.done $0x0  }
0x82: {  	s30 =	simm.s32 $0x1400;
	[sflag:s21] =	ssyncadd.s32 $0xFFFFC000  }
0x83: {  	[spmem:s2] =	stream.indirect.scatter.add.f32 [tilespmem:s16], [sflag:$0x3], $0x80, s30, s19, $0xb8;
	[tilespmem:$0x1E800] =	vst v63  }
0x84: {  	_ =	swait.ge [sflag:s22], $0x4000  }
0x85: {  	[sflag:s22] =	ssyncset.done $0x0  }
0x86: {  	s31 =	simm.s32 $0x1480;
	[sflag:s22] =	ssyncadd.s32 $0xFFFFC000  }
0x87: {  	[spmem:s2] =	stream.indirect.scatter.add.f32 [tilespmem:s20], [sflag:$0x4], $0x80, s31, s19, $0xb8;
	[tilespmem:$0x1E800] =	vst v63  }
0x88: {  	_ =	swait.ge [sflag:s23], $0x4000  }
0x89: {  	[sflag:s23] =	ssyncset.done $0x0  }
0x8a: {  	[sflag:s23] =	ssyncadd.s32 $0xFFFFC000  }
0x8b: {  	_ =	swait.ge [sflag:s24], $0x4000  }
0x8c: {  	s25 =	simm.s32 $0x400;
	s26 =	simm.s32 $0x800;
	[sflag:s24] =	ssyncset.done $0x0  }
.LBB2_6:
0x8d: {  	s28 =	sshra.s32 s25, $0x2  }
0x8e: {  	[sflag:s24] =	ssyncadd.s32 $0xFFFFC000;
	s25 =	smov.u32 s26;
	s29 =	sadd.s32 $0x400, s26  }
0x8f: {  	[tilespmem:s16], [sflag:$0x1] =	stream.indirect.gather [hbm4b:s1+s19], $0x80, s28, s19, $0xb8;
	[tilespmem:$0x1E800] =	vst v63  }
0x90: {  	p0 =	sne.s32 s26, $0x4C00;
	s26 =	sadd.s32 $0x80, s28  }
0x91: {  	[tilespmem:s20], [sflag:$0x2] =	stream.indirect.gather [hbm4b:s1+s19], $0x80, s26, s19, $0xb8;
	[tilespmem:$0x1E800] =	vst v63  }
0x92: {  	_ =	swait.ge [sflag:s21], $0x4000  }
0x93: {  	[sflag:s21] =	ssyncset.done $0x0  }
0x94: {  	s26 =	sadd.s32 $0x1400, s28;
	[sflag:s21] =	ssyncadd.s32 $0xFFFFC000  }
0x95: {  	[spmem:s2] =	stream.indirect.scatter.add.f32 [tilespmem:s16], [sflag:$0x3], $0x80, s26, s19, $0xb8;
	[tilespmem:$0x1E800] =	vst v63  }
0x96: {  	_ =	swait.ge [sflag:s22], $0x4000  }
0x97: {  	[sflag:s22] =	ssyncset.done $0x0  }
0x98: {  	s26 =	sadd.s32 $0x1480, s28;
	[sflag:s22] =	ssyncadd.s32 $0xFFFFC000  }
0x99: {  	[spmem:s2] =	stream.indirect.scatter.add.f32 [tilespmem:s20], [sflag:$0x4], $0x80, s26, s19, $0xb8;
	[tilespmem:$0x1E800] =	vst v63  }
.Ltmp2:
0x9a: {  	_ =	swait.ge [sflag:s23], $0x4000;
	(pc) =	sbr.rel @p0 .LBB2_6-.Ltmp2, $4  }
0x9b: {  	[sflag:s23] =	ssyncset.done $0x0  }
0x9c: {  	[sflag:s23] =	ssyncadd.s32 $0xFFFFC000  }
0x9d: {  	_ =	swait.ge [sflag:s24], $0x4000  }
0x9e: {  	s26 =	smov.u32 s29;
	[sflag:s24] =	ssyncset.done $0x0  }
0x9f: {  	s25 =	sshra.s32 s25, $0x2;
	[sflag:s24] =	ssyncadd.s32 $0xFFFFC000  }
0xa0: {  	[tilespmem:s16], [sflag:$0x1] =	stream.indirect.gather [hbm4b:s1+s19], $0x80, s25, s19, $0xb8;
	[tilespmem:$0x1E800] =	vst v63  }
0xa1: {  	s26 =	sadd.s32 $0x80, s25  }
0xa2: {  	[tilespmem:s20], [sflag:$0x2] =	stream.indirect.gather [hbm4b:s1+s19], $0x80, s26, s19, $0xb8;
	[tilespmem:$0x1E800] =	vst v63  }
0xa3: {  	_ =	swait.ge [sflag:s21], $0x4000  }
0xa4: {  	[sflag:s21] =	ssyncset.done $0x0  }
0xa5: {  	s29 =	sadd.s32 $0x1400, s25;
	[sflag:s21] =	ssyncadd.s32 $0xFFFFC000  }
0xa6: {  	[spmem:s2] =	stream.indirect.scatter.add.f32 [tilespmem:s16], [sflag:$0x3], $0x80, s29, s19, $0xb8;
	[tilespmem:$0x1E800] =	vst v63  }
0xa7: {  	_ =	swait.ge [sflag:s22], $0x4000  }
0xa8: {  	[sflag:s22] =	ssyncset.done $0x0  }
0xa9: {  	s25 =	sadd.s32 $0x1480, s25;
	[sflag:s22] =	ssyncadd.s32 $0xFFFFC000  }
0xaa: {  	[spmem:s2] =	stream.indirect.scatter.add.f32 [tilespmem:s20], [sflag:$0x4], $0x80, s25, s19, $0xb8;
	[tilespmem:$0x1E800] =	vst v63  }
0xab: {  	_ =	swait.ge [sflag:s23], $0x4000  }
0xac: {  	[sflag:s23] =	ssyncset.done $0x0  }
0xad: {  	[sflag:s23] =	ssyncadd.s32 $0xFFFFC000  }
0xae: {  	_ =	swait.ge [sflag:s24], $0x4000  }
0xaf: {  	s30 =	sshll.u32 s3, $0x6;
	s4 =	sadd.s32 $0x1, s4;
	[sflag:s24] =	ssyncset.done $0x0  }
0xb0: {  	s31 =	sshrl.u32 s5, $0x3;
	p0 =	sne.s32 s4, s10;
	[sflag:s24] =	ssyncadd.s32 $0xFFFFC000  }
.Ltmp3:
0xb1: {  	s25 =	sor.u32 $0x1C05, s30;
	[bflag:$0x0] =	sbarrier.arrive $0xFFFF;
	(pc) =	sbr.rel @p0 .LBB2_1-.Ltmp3, $4  }
0xb2: {  	[hbm:s15], [sflag:s25] =	dma.local [spmem:s31], $0x2800  }
0xb3: {  	_ =	swait.ge [sflag:s17], $0x2800  }
0xb4: {  	[sflag:s17] =	ssyncset.done $0x0  }
0xb5: {  	[sflag:s17] =	ssyncadd.s32 $0xFFFFD800  }
0xb6: {  	_ =	sfence.sel $0x180000  }
0xb7: {  	[bflag:$0x0] =	sbarrier.arrive $0xFFFF  }
0xb8: {  	p0 =	sne.s32 s3, $0x0;
	_ =	strace $0x90000050  }
0xb9: {  	s0 =	sadd.s32 @!p0 $0x100000, s0;
	[bflag:$0x2] =	sbarrier.arrive $0xFFFF  }
0xba: {  	[sflag:s0] =	ssyncadd.tile.s32 @!p0 $0x1;
	_ =	shalt  }
.Lfunc_end2:
_tile_overlayer_lowered:
.L_overlay_start_2:
0xbb: {  	(tag) =	ssettag $0x2  }
0xbc: {  	s0 =	rddreg [dreg:$0x0];
	s2 =	stileid.u32  }
0xbd: {  	s1 =	rddreg [dreg:$0x1];
	p0 =	sne.s32 s2, $0x0  }
0xbe: {  	s3 =	rddreg [dreg:$0x2];
	[bflag:$0x3] =	sbarrier.arrive $0xFFFF;
	s2 =	simm.s32 @!p0 $0x1C05  }
0xbf: {  	[timem:s3], [sflag:s2] =	dma.local @!p0 [hbm:s0], s1  }
0xc0: {  	s0 =	simm.s32 @!p0 $0x5  }
0xc1: {  	_ =	swait.ge @!p0 [sflag:s0], s1  }
0xc2: {  	s1 =	ssub.s32 @!p0 $0x0, s1;
	[sflag:s0] =	ssyncset.done @!p0 $0x0  }
0xc3: {  	[sflag:s0] =	ssyncadd.s32 @!p0 s1  }
0xc4: {  	[bflag:$0x3] =	sbarrier.arrive $0xFFFF  }
0xc5: {  	_ =	shalt  }

</sc_bundles>
